<compile_context>
chip_gen: v7x
topology: tpu7x:2x2x1
jax: 0.10.2.dev20260603
libtpu: 0.0.44.dev20260713+nightly
codegen_flags: <defaults>
</compile_context>

<pallas_src>
import functools

import jax
import jax.numpy as jnp
from jax import lax
from jax.experimental import pallas as pl
from jax.experimental.pallas import tpu as pltpu, tpu_sc as plsc

_SIGMA = 0.5
_IOU_THRESH = 0.7
_NPAD = 5120
_RT = 4096
_BR = 1024
_NC = 512
_SC_ROWS = _NPAD - _RT
_NW = 32
_RPW = _SC_ROWS // _NW
_L = 16


def _nms_body(cols_ref, rows_ref, out_ref):
    i = pl.program_id(0)
    rx1 = rows_ref[:, 0:1]
    ry1 = rows_ref[:, 1:2]
    rx2 = rows_ref[:, 2:3]
    ry2 = rows_ref[:, 3:4]
    rs = rows_ref[:, 4:5]
    r_area = (rx2 - rx1) * (ry2 - ry1)
    ridx = lax.broadcasted_iota(jnp.int32, (_BR, 1), 0) + i * _BR

    acc = jnp.zeros((_BR, 1), jnp.float32)
    for c in range(_NPAD // _NC):
        sl = slice(c * _NC, (c + 1) * _NC)
        cx1 = cols_ref[0:1, sl]
        cy1 = cols_ref[1:2, sl]
        cx2 = cols_ref[2:3, sl]
        cy2 = cols_ref[3:4, sl]
        cs = cols_ref[4:5, sl]
        c_area = (cx2 - cx1) * (cy2 - cy1)
        xx1 = jnp.maximum(rx1, cx1)
        yy1 = jnp.maximum(ry1, cy1)
        xx2 = jnp.minimum(rx2, cx2)
        yy2 = jnp.minimum(ry2, cy2)
        w = jnp.maximum(xx2 - xx1, 0.0)
        h = jnp.maximum(yy2 - yy1, 0.0)
        inter = w * h
        union = r_area + c_area - inter
        iou = inter / union
        cidx = lax.broadcasted_iota(jnp.int32, (1, _NC), 1) + c * _NC
        mask = (cs > rs) | ((cs == rs) & (cidx < ridx))
        acc = jnp.maximum(
            acc, jnp.max(jnp.where(mask, iou, 0.0), axis=1, keepdims=True))

    decay = jnp.exp(-(acc * acc) / _SIGMA)
    keep = (acc <= _IOU_THRESH).astype(jnp.float32)
    out_ref[...] = rs * decay * keep


def _sc_maxiou_kernel(x1h, y1h, x2h, y2h, sh, outh,
                      x1v, y1v, x2v, y2v, sv, rowv):
    wid = lax.axis_index("s") * 2 + lax.axis_index("c")
    base = _RT + wid * _RPW
    pltpu.sync_copy(x1h, x1v)
    pltpu.sync_copy(y1h, y1v)
    pltpu.sync_copy(x2h, x2v)
    pltpu.sync_copy(y2h, y2v)
    pltpu.sync_copy(sh, sv)

    lane = lax.iota(jnp.int32, _L)

    def group_body(g, _):
        gsl = pl.ds(base + g * _L, _L)
        rx1 = x1v[gsl]
        ry1 = y1v[gsl]
        rx2 = x2v[gsl]
        ry2 = y2v[gsl]
        rs = sv[gsl]
        r_area = (rx2 - rx1) * (ry2 - ry1)
        ridx = lane + (base + g * _L)

        def col_body(j, acc):
            cj = pl.ds(j * _L, _L)
            cvx1 = x1v[cj]
            cvy1 = y1v[cj]
            cvx2 = x2v[cj]
            cvy2 = y2v[cj]
            cvs = sv[cj]
            for cc in range(_L):
                cx1 = cvx1[cc]
                cy1 = cvy1[cc]
                cx2 = cvx2[cc]
                cy2 = cvy2[cc]
                cs = cvs[cc]
                c_area = (cx2 - cx1) * (cy2 - cy1)
                xx1 = jnp.maximum(rx1, cx1)
                yy1 = jnp.maximum(ry1, cy1)
                xx2 = jnp.minimum(rx2, cx2)
                yy2 = jnp.minimum(ry2, cy2)
                w = jnp.maximum(xx2 - xx1, 0.0)
                h = jnp.maximum(yy2 - yy1, 0.0)
                inter = w * h
                union = r_area + c_area - inter
                iou = inter / union
                cidx = j * _L + cc
                mask = (cs > rs) | ((cs == rs) & (cidx < ridx))
                acc = jnp.maximum(acc, jnp.where(mask, iou, 0.0))
            return acc

        acc = lax.fori_loop(0, _NPAD // _L, col_body,
                            jnp.zeros((_L,), jnp.float32))
        rowv[pl.ds(g * _L, _L)] = acc
        return 0

    lax.fori_loop(0, _RPW // _L, group_body, 0)
    pltpu.sync_copy(rowv, outh.at[pl.ds(wid * _RPW, _RPW)])


@jax.jit
def _nms_scores_pallas(boxes, scores):
    n = scores.shape[0]
    pad = _NPAD - n
    b = jnp.pad(boxes, ((0, pad), (0, 0)))
    s = jnp.pad(scores, (0, pad), constant_values=-1.0)
    cols = jnp.zeros((8, _NPAD), jnp.float32)
    cols = cols.at[0:4, :].set(b.T).at[4, :].set(s)
    rows = jnp.zeros((_NPAD, 8), jnp.float32)
    rows = rows.at[:, 0:4].set(b).at[:, 4].set(s)

    tc_out = pl.pallas_call(
        _nms_body,
        grid=(_RT // _BR,),
        in_specs=[
            pl.BlockSpec((8, _NPAD), lambda i: (0, 0)),
            pl.BlockSpec((_BR, 8), lambda i: (i, 0)),
        ],
        out_specs=pl.BlockSpec((_BR, 1), lambda i: (i, 0)),
        out_shape=jax.ShapeDtypeStruct((_RT, 1), jnp.float32),
    )(cols, rows)

    sc_call = pl.kernel(
        _sc_maxiou_kernel,
        out_type=jax.ShapeDtypeStruct((_SC_ROWS,), jnp.float32),
        mesh=plsc.VectorSubcoreMesh(core_axis_name="c", subcore_axis_name="s"),
        scratch_types=[
            pltpu.VMEM((_NPAD,), jnp.float32),
            pltpu.VMEM((_NPAD,), jnp.float32),
            pltpu.VMEM((_NPAD,), jnp.float32),
            pltpu.VMEM((_NPAD,), jnp.float32),
            pltpu.VMEM((_NPAD,), jnp.float32),
            pltpu.VMEM((_RPW,), jnp.float32),
        ],
    )
    sc_maxiou = sc_call(b[:, 0], b[:, 1], b[:, 2], b[:, 3], s)

    sc_s = s[_RT:]
    sc_decay = jnp.exp(-(sc_maxiou * sc_maxiou) / _SIGMA)
    sc_keep = (sc_maxiou <= _IOU_THRESH).astype(jnp.float32)
    sc_scores = sc_s * sc_decay * sc_keep
    full = jnp.concatenate([tc_out[:, 0], sc_scores])
    return full[:n]


def kernel(boxes, scores, k):
    new_scores = _nms_scores_pallas(boxes, scores)
    topk_vals, topk_idx = jax.lax.top_k(new_scores, 150)
    return new_scores, topk_vals, topk_idx

# --- scband reference (transcript-rebuilt; emitter-appended) ---
"""Pipeline reference for scband-model-6605659701438 (READ-ONLY COPY).

The authoritative reference and input builder live on the scoring server;
editing this copy changes nothing except your own understanding.
"""

import jax, jax.numpy as jnp
import numpy as np

SIGMA = 0.5
IOU_THRESH = 0.7


def setup_inputs(seed: int = 0) -> dict:
    key = jax.random.key(seed)
    k1, k2, k3 = jax.random.split(key, 3)
    N = 5000
    # Build valid boxes (x1, y1, x2, y2) with x2 > x1, y2 > y1, coords ~ sample image scale.
    xy = jax.random.uniform(k1, (N, 2), dtype=jnp.float32) * 512.0
    wh = jax.random.uniform(k2, (N, 2), dtype=jnp.float32) * 96.0 + 4.0
    boxes = jnp.concatenate([xy, xy + wh], axis=-1)
    scores = jax.random.uniform(k3, (N,), dtype=jnp.float32)
    return {"boxes": boxes, "scores": scores, "k": 150}


def _pairwise_iou(boxes):
    # Faithful tube_overlaps-style pairwise IoU (memory-bound NxN).
    x1 = boxes[:, 0]
    y1 = boxes[:, 1]
    x2 = boxes[:, 2]
    y2 = boxes[:, 3]
    areas = (x2 - x1) * (y2 - y1)
    xx1 = jnp.maximum(x1[:, None], x1[None, :])
    yy1 = jnp.maximum(y1[:, None], y1[None, :])
    xx2 = jnp.minimum(x2[:, None], x2[None, :])
    yy2 = jnp.minimum(y2[:, None], y2[None, :])
    w = jnp.maximum(xx2 - xx1, 0.0)
    h = jnp.maximum(yy2 - yy1, 0.0)
    inter = w * h
    union = areas[:, None] + areas[None, :] - inter
    return inter / jnp.maximum(union, 1e-8)


def _nms_scores(boxes, scores):
    # Matrix (YOLACT-style) NMS with soft-NMS gaussian decay, mirroring the
    # tube-linking/suppression performed with overlaps_ + actioness scores
    # in the original Model.forward.
    N = scores.shape[0]
    order = jnp.argsort(-scores)            # sort (SparseCore-mappable)
    iou = _pairwise_iou(boxes)
    iou_s = iou[order][:, order]            # gather rows + cols by sorted order
    mask = jnp.tril(jnp.ones((N, N), dtype=iou_s.dtype), k=-1)  # j < i -> higher score
    max_iou = jnp.max(iou_s * mask, axis=1)
    decay = jnp.exp(-(max_iou ** 2) / SIGMA)
    keep = (max_iou <= IOU_THRESH).astype(scores.dtype)
    new_sorted = scores[order] * decay * keep
    # scatter-overwrite back into original box order
    new_scores = jnp.zeros_like(scores).at[order].set(new_sorted)
    return new_scores


def reference(boxes, scores, k):
    new_scores = _nms_scores(boxes, scores)
    new_scores = new_scores + jnp.zeros_like(new_scores) * k
    topk_vals, topk_idx = jax.lax.top_k(new_scores, 150)
    return new_scores, topk_vals, topk_idx

if __name__ == "__main__":
    import jax
    _d = setup_inputs()
    print(jax.jit(kernel)(*tuple(_d.values())))

</pallas_src>

<mosaic_0001>
#map = affine_map<(d0, d1) -> (0)>
module attributes {stable_mosaic.version = 14 : i64} {
  func.func @_sc_maxiou_kernel(%arg0: i32, %arg1: i32, %arg2: memref<5120xf32, #tpu.memory_space<hbm>>, %arg3: memref<5120xf32, #tpu.memory_space<hbm>>, %arg4: memref<5120xf32, #tpu.memory_space<hbm>>, %arg5: memref<5120xf32, #tpu.memory_space<hbm>>, %arg6: memref<5120xf32, #tpu.memory_space<hbm>>, %arg7: memref<1024xf32, #tpu.memory_space<hbm>>, %arg8: memref<5120xf32, #tpu.memory_space<vmem>>, %arg9: memref<5120xf32, #tpu.memory_space<vmem>>, %arg10: memref<5120xf32, #tpu.memory_space<vmem>>, %arg11: memref<5120xf32, #tpu.memory_space<vmem>>, %arg12: memref<5120xf32, #tpu.memory_space<vmem>>, %arg13: memref<32xf32, #tpu.memory_space<vmem>>) attributes {dimension_semantics = [#tpu.dimension_semantics<core_parallel>, #tpu.dimension_semantics<subcore_parallel>], iteration_bounds = array<i64: 2, 16>, scalar_prefetch = 0 : i64, scratch_operands = 6 : i64, tpu.core_type = #tpu.core_type<sc_vector_subcore>, window_params = [{transform_indices = #map}, {transform_indices = #map}, {transform_indices = #map}, {transform_indices = #map}, {transform_indices = #map}, {transform_indices = #map}]} {
    %mul3A = arith.constant 2 : i32
    %mul3A_0 = arith.muli %arg1, %mul3A : i32
    %add3A = arith.addi %mul3A_0, %arg0 : i32
    %mul3A_1 = arith.constant 32 : i32
    %mul3A_2 = arith.muli %add3A, %mul3A_1 : i32
    %add3A_3 = arith.constant 4096 : i32
    %add3A_4 = arith.addi %add3A_3, %mul3A_2 : i32
    "tpu.region"() ({
      %run_scoped3A = tpu.sem_alloc : memref<!tpu.dma_semaphore, #tpu.memory_space<semaphore_mem>>
      tpu.enqueue_dma source(%arg2 : memref<5120xf32, #tpu.memory_space<hbm>>) target(%arg8 : memref<5120xf32, #tpu.memory_space<vmem>>) target_semaphore(%run_scoped3A : memref<!tpu.dma_semaphore, #tpu.memory_space<semaphore_mem>>)
      tpu.wait_dma2 semaphore(%run_scoped3A : memref<!tpu.dma_semaphore, #tpu.memory_space<semaphore_mem>>) src(%arg2 : memref<5120xf32, #tpu.memory_space<hbm>>) dst(%arg8 : memref<5120xf32, #tpu.memory_space<vmem>>)
      tpu.yield
    }) : () -> ()
    "tpu.region"() ({
      %run_scoped3A = tpu.sem_alloc : memref<!tpu.dma_semaphore, #tpu.memory_space<semaphore_mem>>
      tpu.enqueue_dma source(%arg3 : memref<5120xf32, #tpu.memory_space<hbm>>) target(%arg9 : memref<5120xf32, #tpu.memory_space<vmem>>) target_semaphore(%run_scoped3A : memref<!tpu.dma_semaphore, #tpu.memory_space<semaphore_mem>>)
      tpu.wait_dma2 semaphore(%run_scoped3A : memref<!tpu.dma_semaphore, #tpu.memory_space<semaphore_mem>>) src(%arg3 : memref<5120xf32, #tpu.memory_space<hbm>>) dst(%arg9 : memref<5120xf32, #tpu.memory_space<vmem>>)
      tpu.yield
    }) : () -> ()
    "tpu.region"() ({
      %run_scoped3A = tpu.sem_alloc : memref<!tpu.dma_semaphore, #tpu.memory_space<semaphore_mem>>
      tpu.enqueue_dma source(%arg4 : memref<5120xf32, #tpu.memory_space<hbm>>) target(%arg10 : memref<5120xf32, #tpu.memory_space<vmem>>) target_semaphore(%run_scoped3A : memref<!tpu.dma_semaphore, #tpu.memory_space<semaphore_mem>>)
      tpu.wait_dma2 semaphore(%run_scoped3A : memref<!tpu.dma_semaphore, #tpu.memory_space<semaphore_mem>>) src(%arg4 : memref<5120xf32, #tpu.memory_space<hbm>>) dst(%arg10 : memref<5120xf32, #tpu.memory_space<vmem>>)
      tpu.yield
    }) : () -> ()
    "tpu.region"() ({
      %run_scoped3A = tpu.sem_alloc : memref<!tpu.dma_semaphore, #tpu.memory_space<semaphore_mem>>
      tpu.enqueue_dma source(%arg5 : memref<5120xf32, #tpu.memory_space<hbm>>) target(%arg11 : memref<5120xf32, #tpu.memory_space<vmem>>) target_semaphore(%run_scoped3A : memref<!tpu.dma_semaphore, #tpu.memory_space<semaphore_mem>>)
      tpu.wait_dma2 semaphore(%run_scoped3A : memref<!tpu.dma_semaphore, #tpu.memory_space<semaphore_mem>>) src(%arg5 : memref<5120xf32, #tpu.memory_space<hbm>>) dst(%arg11 : memref<5120xf32, #tpu.memory_space<vmem>>)
      tpu.yield
    }) : () -> ()
    "tpu.region"() ({
      %run_scoped3A = tpu.sem_alloc : memref<!tpu.dma_semaphore, #tpu.memory_space<semaphore_mem>>
      tpu.enqueue_dma source(%arg6 : memref<5120xf32, #tpu.memory_space<hbm>>) target(%arg12 : memref<5120xf32, #tpu.memory_space<vmem>>) target_semaphore(%run_scoped3A : memref<!tpu.dma_semaphore, #tpu.memory_space<semaphore_mem>>)
      tpu.wait_dma2 semaphore(%run_scoped3A : memref<!tpu.dma_semaphore, #tpu.memory_space<semaphore_mem>>) src(%arg6 : memref<5120xf32, #tpu.memory_space<hbm>>) dst(%arg12 : memref<5120xf32, #tpu.memory_space<vmem>>)
      tpu.yield
    }) : () -> ()
    %iota3A = tpu.iota {dimensions = array<i32: 0>} : vector<16xi32>
    %scan3A = arith.constant 0 : i32
    %scan3A_5 = arith.constant 0 : i32
    %scan3A_6 = arith.constant 2 : i32
    %scan3A_7 = arith.addi %scan3A_5, %scan3A_6 : i32
    %scan3A_8 = arith.constant 1 : i32
    %scan3A_9 = scf.for %scan3A_13 = %scan3A_5 to %scan3A_7 step %scan3A_8 iter_args(%scan3A_14 = %scan3A) -> (i32)  : i32 {
      %mul3A_15 = arith.constant 16 : i32
      %mul3A_16 = arith.muli %scan3A_13, %mul3A_15 : i32
      %add3A_17 = arith.addi %add3A_4, %mul3A_16 : i32
      %get3A = arith.index_cast %add3A_17 : i32 to index
      %get3A_18 = tpu.vector_load %arg8[%get3A] {strides = array<i32>} : memref<5120xf32, #tpu.memory_space<vmem>>, vector<16xf32>,
      %get3A_19 = vector.shape_cast %get3A_18 : vector<16xf32> to vector<16xf32>
      %get3A_20 = arith.index_cast %add3A_17 : i32 to index
      %get3A_21 = tpu.vector_load %arg9[%get3A_20] {strides = array<i32>} : memref<5120xf32, #tpu.memory_space<vmem>>, vector<16xf32>,
      %get3A_22 = vector.shape_cast %get3A_21 : vector<16xf32> to vector<16xf32>
      %get3A_23 = arith.index_cast %add3A_17 : i32 to index
      %get3A_24 = tpu.vector_load %arg10[%get3A_23] {strides = array<i32>} : memref<5120xf32, #tpu.memory_space<vmem>>, vector<16xf32>,
      %get3A_25 = vector.shape_cast %get3A_24 : vector<16xf32> to vector<16xf32>
      %get3A_26 = arith.index_cast %add3A_17 : i32 to index
      %get3A_27 = tpu.vector_load %arg11[%get3A_26] {strides = array<i32>} : memref<5120xf32, #tpu.memory_space<vmem>>, vector<16xf32>,
      %get3A_28 = vector.shape_cast %get3A_27 : vector<16xf32> to vector<16xf32>
      %get3A_29 = arith.index_cast %add3A_17 : i32 to index
      %get3A_30 = tpu.vector_load %arg12[%get3A_29] {strides = array<i32>} : memref<5120xf32, #tpu.memory_space<vmem>>, vector<16xf32>,
      %get3A_31 = vector.shape_cast %get3A_30 : vector<16xf32> to vector<16xf32>
      %sub3A = arith.subf %get3A_25, %get3A_19 : vector<16xf32>
      %sub3A_32 = arith.subf %get3A_28, %get3A_22 : vector<16xf32>
      %mul3A_33 = arith.mulf %sub3A, %sub3A_32 : vector<16xf32>
      %mul3A_34 = arith.constant 16 : i32
      %mul3A_35 = arith.muli %scan3A_13, %mul3A_34 : i32
      %add3A_36 = arith.addi %add3A_4, %mul3A_35 : i32
      %add3A_37 = vector.broadcast %add3A_36 : i32 to vector<16xi32>
      %add3A_38 = arith.addi %iota3A, %add3A_37 : vector<16xi32>
      %broadcast_in_dim3A = arith.constant 0.000000e+00 : f32
      %broadcast_in_dim3A_39 = vector.broadcast %broadcast_in_dim3A : f32 to vector<16xf32>
      %scan3A_40 = arith.constant 0 : i32
      %scan3A_41 = arith.constant 320 : i32
      %scan3A_42 = arith.addi %scan3A_40, %scan3A_41 : i32
      %scan3A_43 = arith.constant 1 : i32
      %scan3A_44 = scf.for %scan3A_52 = %scan3A_40 to %scan3A_42 step %scan3A_43 iter_args(%scan3A_53 = %broadcast_in_dim3A_39) -> (vector<16xf32>)  : i32 {
        %mul3A_54 = arith.constant 16 : i32
        %mul3A_55 = arith.muli %scan3A_52, %mul3A_54 : i32
        %get3A_56 = arith.index_cast %mul3A_55 : i32 to index
        %get3A_57 = tpu.vector_load %arg8[%get3A_56] {strides = array<i32>} : memref<5120xf32, #tpu.memory_space<vmem>>, vector<16xf32>,
        %get3A_58 = vector.shape_cast %get3A_57 : vector<16xf32> to vector<16xf32>
        %get3A_59 = arith.index_cast %mul3A_55 : i32 to index
        %get3A_60 = tpu.vector_load %arg9[%get3A_59] {strides = array<i32>} : memref<5120xf32, #tpu.memory_space<vmem>>, vector<16xf32>,
        %get3A_61 = vector.shape_cast %get3A_60 : vector<16xf32> to vector<16xf32>
        %get3A_62 = arith.index_cast %mul3A_55 : i32 to index
        %get3A_63 = tpu.vector_load %arg10[%get3A_62] {strides = array<i32>} : memref<5120xf32, #tpu.memory_space<vmem>>, vector<16xf32>,
        %get3A_64 = vector.shape_cast %get3A_63 : vector<16xf32> to vector<16xf32>
        %get3A_65 = arith.index_cast %mul3A_55 : i32 to index
        %get3A_66 = tpu.vector_load %arg11[%get3A_65] {strides = array<i32>} : memref<5120xf32, #tpu.memory_space<vmem>>, vector<16xf32>,
        %get3A_67 = vector.shape_cast %get3A_66 : vector<16xf32> to vector<16xf32>
        %get3A_68 = arith.index_cast %mul3A_55 : i32 to index
        %get3A_69 = tpu.vector_load %arg12[%get3A_68] {strides = array<i32>} : memref<5120xf32, #tpu.memory_space<vmem>>, vector<16xf32>,
        %get3A_70 = vector.shape_cast %get3A_69 : vector<16xf32> to vector<16xf32>
        %slice3A = vector.extract_strided_slice %get3A_58 {offsets = [0], sizes = [1], strides = [1]} : vector<16xf32> to vector<1xf32>
        %squeeze3A = vector.extract %slice3A[0] : f32 from vector<1xf32>
        %slice3A_71 = vector.extract_strided_slice %get3A_61 {offsets = [0], sizes = [1], strides = [1]} : vector<16xf32> to vector<1xf32>
        %squeeze3A_72 = vector.extract %slice3A_71[0] : f32 from vector<1xf32>
        %slice3A_73 = vector.extract_strided_slice %get3A_64 {offsets = [0], sizes = [1], strides = [1]} : vector<16xf32> to vector<1xf32>
        %squeeze3A_74 = vector.extract %slice3A_73[0] : f32 from vector<1xf32>
        %slice3A_75 = vector.extract_strided_slice %get3A_67 {offsets = [0], sizes = [1], strides = [1]} : vector<16xf32> to vector<1xf32>
        %squeeze3A_76 = vector.extract %slice3A_75[0] : f32 from vector<1xf32>
        %slice3A_77 = vector.extract_strided_slice %get3A_70 {offsets = [0], sizes = [1], strides = [1]} : vector<16xf32> to vector<1xf32>
        %squeeze3A_78 = vector.extract %slice3A_77[0] : f32 from vector<1xf32>
        %sub3A_79 = arith.subf %squeeze3A_74, %squeeze3A : f32
        %sub3A_80 = arith.subf %squeeze3A_76, %squeeze3A_72 : f32
        %mul3A_81 = arith.mulf %sub3A_79, %sub3A_80 : f32
        %max3A = vector.broadcast %squeeze3A : f32 to vector<16xf32>
        %max3A_82 = arith.maximumf %get3A_19, %max3A : vector<16xf32>
        %max3A_83 = vector.broadcast %squeeze3A_72 : f32 to vector<16xf32>
        %max3A_84 = arith.maximumf %get3A_22, %max3A_83 : vector<16xf32>
        %min3A = vector.broadcast %squeeze3A_74 : f32 to vector<16xf32>
        %min3A_85 = arith.minimumf %get3A_25, %min3A : vector<16xf32>
        %min3A_86 = vector.broadcast %squeeze3A_76 : f32 to vector<16xf32>
        %min3A_87 = arith.minimumf %get3A_28, %min3A_86 : vector<16xf32>
        %sub3A_88 = arith.subf %min3A_85, %max3A_82 : vector<16xf32>
        %max3A_89 = arith.constant 0.000000e+00 : f32
        %max3A_90 = vector.broadcast %max3A_89 : f32 to vector<16xf32>
        %max3A_91 = arith.maximumf %sub3A_88, %max3A_90 : vector<16xf32>
        %sub3A_92 = arith.subf %min3A_87, %max3A_84 : vector<16xf32>
        %max3A_93 = arith.constant 0.000000e+00 : f32
        %max3A_94 = vector.broadcast %max3A_93 : f32 to vector<16xf32>
        %max3A_95 = arith.maximumf %sub3A_92, %max3A_94 : vector<16xf32>
        %mul3A_96 = arith.mulf %max3A_91, %max3A_95 : vector<16xf32>
        %add3A_97 = vector.broadcast %mul3A_81 : f32 to vector<16xf32>
        %add3A_98 = arith.addf %mul3A_33, %add3A_97 : vector<16xf32>
        %sub3A_99 = arith.subf %add3A_98, %mul3A_96 : vector<16xf32>
        %div3A = arith.divf %mul3A_96, %sub3A_99 : vector<16xf32>
        %mul3A_100 = arith.constant 16 : i32
        %mul3A_101 = arith.muli %scan3A_52, %mul3A_100 : i32
        %add3A_102 = arith.constant 0 : i32
        %add3A_103 = arith.addi %mul3A_101, %add3A_102 : i32
        %gt3A = vector.broadcast %squeeze3A_78 : f32 to vector<16xf32>
        %gt3A_104 = arith.cmpf ogt, %gt3A, %get3A_31 : vector<16xf32>
        %eq3A = vector.broadcast %squeeze3A_78 : f32 to vector<16xf32>
        %eq3A_105 = arith.cmpf oeq, %eq3A, %get3A_31 : vector<16xf32>
        %lt3A = vector.broadcast %add3A_103 : i32 to vector<16xi32>
        %lt3A_106 = arith.cmpi slt, %lt3A, %add3A_38 : vector<16xi32>
        %and3A = arith.andi %eq3A_105, %lt3A_106 : vector<16xi1>
        %or3A = arith.ori %gt3A_104, %and3A : vector<16xi1>
        %jit3A = arith.constant 0.000000e+00 : f32
        %broadcast_in_dim3A_107 = vector.broadcast %jit3A : f32 to vector<16xf32>
        %select_n3A = arith.select %or3A, %div3A, %broadcast_in_dim3A_107 : vector<16xi1>, vector<16xf32>
        %max3A_108 = arith.maximumf %scan3A_53, %select_n3A : vector<16xf32>
        %slice3A_109 = vector.extract_strided_slice %get3A_58 {offsets = [1], sizes = [1], strides = [1]} : vector<16xf32> to vector<1xf32>
        %squeeze3A_110 = vector.extract %slice3A_109[0] : f32 from vector<1xf32>
        %slice3A_111 = vector.extract_strided_slice %get3A_61 {offsets = [1], sizes = [1], strides = [1]} : vector<16xf32> to vector<1xf32>
        %squeeze3A_112 = vector.extract %slice3A_111[0] : f32 from vector<1xf32>
        %slice3A_113 = vector.extract_strided_slice %get3A_64 {offsets = [1], sizes = [1], strides = [1]} : vector<16xf32> to vector<1xf32>
        %squeeze3A_114 = vector.extract %slice3A_113[0] : f32 from vector<1xf32>
        %slice3A_115 = vector.extract_strided_slice %get3A_67 {offsets = [1], sizes = [1], strides = [1]} : vector<16xf32> to vector<1xf32>
        %squeeze3A_116 = vector.extract %slice3A_115[0] : f32 from vector<1xf32>
        %slice3A_117 = vector.extract_strided_slice %get3A_70 {offsets = [1], sizes = [1], strides = [1]} : vector<16xf32> to vector<1xf32>
        %squeeze3A_118 = vector.extract %slice3A_117[0] : f32 from vector<1xf32>
        %sub3A_119 = arith.subf %squeeze3A_114, %squeeze3A_110 : f32
        %sub3A_120 = arith.subf %squeeze3A_116, %squeeze3A_112 : f32
        %mul3A_121 = arith.mulf %sub3A_119, %sub3A_120 : f32
        %max3A_122 = vector.broadcast %squeeze3A_110 : f32 to vector<16xf32>
        %max3A_123 = arith.maximumf %get3A_19, %max3A_122 : vector<16xf32>
        %max3A_124 = vector.broadcast %squeeze3A_112 : f32 to vector<16xf32>
        %max3A_125 = arith.maximumf %get3A_22, %max3A_124 : vector<16xf32>
        %min3A_126 = vector.broadcast %squeeze3A_114 : f32 to vector<16xf32>
        %min3A_127 = arith.minimumf %get3A_25, %min3A_126 : vector<16xf32>
        %min3A_128 = vector.broadcast %squeeze3A_116 : f32 to vector<16xf32>
        %min3A_129 = arith.minimumf %get3A_28, %min3A_128 : vector<16xf32>
        %sub3A_130 = arith.subf %min3A_127, %max3A_123 : vector<16xf32>
        %max3A_131 = arith.constant 0.000000e+00 : f32
        %max3A_132 = vector.broadcast %max3A_131 : f32 to vector<16xf32>
        %max3A_133 = arith.maximumf %sub3A_130, %max3A_132 : vector<16xf32>
        %sub3A_134 = arith.subf %min3A_129, %max3A_125 : vector<16xf32>
        %max3A_135 = arith.constant 0.000000e+00 : f32
        %max3A_136 = vector.broadcast %max3A_135 : f32 to vector<16xf32>
        %max3A_137 = arith.maximumf %sub3A_134, %max3A_136 : vector<16xf32>
        %mul3A_138 = arith.mulf %max3A_133, %max3A_137 : vector<16xf32>
        %add3A_139 = vector.broadcast %mul3A_121 : f32 to vector<16xf32>
        %add3A_140 = arith.addf %mul3A_33, %add3A_139 : vector<16xf32>
        %sub3A_141 = arith.subf %add3A_140, %mul3A_138 : vector<16xf32>
        %div3A_142 = arith.divf %mul3A_138, %sub3A_141 : vector<16xf32>
        %mul3A_143 = arith.constant 16 : i32
        %mul3A_144 = arith.muli %scan3A_52, %mul3A_143 : i32
        %add3A_145 = arith.constant 1 : i32
        %add3A_146 = arith.addi %mul3A_144, %add3A_145 : i32
        %gt3A_147 = vector.broadcast %squeeze3A_118 : f32 to vector<16xf32>
        %gt3A_148 = arith.cmpf ogt, %gt3A_147, %get3A_31 : vector<16xf32>
        %eq3A_149 = vector.broadcast %squeeze3A_118 : f32 to vector<16xf32>
        %eq3A_150 = arith.cmpf oeq, %eq3A_149, %get3A_31 : vector<16xf32>
        %lt3A_151 = vector.broadcast %add3A_146 : i32 to vector<16xi32>
        %lt3A_152 = arith.cmpi slt, %lt3A_151, %add3A_38 : vector<16xi32>
        %and3A_153 = arith.andi %eq3A_150, %lt3A_152 : vector<16xi1>
        %or3A_154 = arith.ori %gt3A_148, %and3A_153 : vector<16xi1>
        %jit3A_155 = arith.constant 0.000000e+00 : f32
        %broadcast_in_dim3A_156 = vector.broadcast %jit3A_155 : f32 to vector<16xf32>
        %select_n3A_157 = arith.select %or3A_154, %div3A_142, %broadcast_in_dim3A_156 : vector<16xi1>, vector<16xf32>
        %max3A_158 = arith.maximumf %max3A_108, %select_n3A_157 : vector<16xf32>
        %slice3A_159 = vector.extract_strided_slice %get3A_58 {offsets = [2], sizes = [1], strides = [1]} : vector<16xf32> to vector<1xf32>
        %squeeze3A_160 = vector.extract %slice3A_159[0] : f32 from vector<1xf32>
        %slice3A_161 = vector.extract_strided_slice %get3A_61 {offsets = [2], sizes = [1], strides = [1]} : vector<16xf32> to vector<1xf32>
        %squeeze3A_162 = vector.extract %slice3A_161[0] : f32 from vector<1xf32>
        %slice3A_163 = vector.extract_strided_slice %get3A_64 {offsets = [2], sizes = [1], strides = [1]} : vector<16xf32> to vector<1xf32>
        %squeeze3A_164 = vector.extract %slice3A_163[0] : f32 from vector<1xf32>
        %slice3A_165 = vector.extract_strided_slice %get3A_67 {offsets = [2], sizes = [1], strides = [1]} : vector<16xf32> to vector<1xf32>
        %squeeze3A_166 = vector.extract %slice3A_165[0] : f32 from vector<1xf32>
        %slice3A_167 = vector.extract_strided_slice %get3A_70 {offsets = [2], sizes = [1], strides = [1]} : vector<16xf32> to vector<1xf32>
        %squeeze3A_168 = vector.extract %slice3A_167[0] : f32 from vector<1xf32>
        %sub3A_169 = arith.subf %squeeze3A_164, %squeeze3A_160 : f32
        %sub3A_170 = arith.subf %squeeze3A_166, %squeeze3A_162 : f32
        %mul3A_171 = arith.mulf %sub3A_169, %sub3A_170 : f32
        %max3A_172 = vector.broadcast %squeeze3A_160 : f32 to vector<16xf32>
        %max3A_173 = arith.maximumf %get3A_19, %max3A_172 : vector<16xf32>
        %max3A_174 = vector.broadcast %squeeze3A_162 : f32 to vector<16xf32>
        %max3A_175 = arith.maximumf %get3A_22, %max3A_174 : vector<16xf32>
        %min3A_176 = vector.broadcast %squeeze3A_164 : f32 to vector<16xf32>
        %min3A_177 = arith.minimumf %get3A_25, %min3A_176 : vector<16xf32>
        %min3A_178 = vector.broadcast %squeeze3A_166 : f32 to vector<16xf32>
        %min3A_179 = arith.minimumf %get3A_28, %min3A_178 : vector<16xf32>
        %sub3A_180 = arith.subf %min3A_177, %max3A_173 : vector<16xf32>
        %max3A_181 = arith.constant 0.000000e+00 : f32
        %max3A_182 = vector.broadcast %max3A_181 : f32 to vector<16xf32>
        %max3A_183 = arith.maximumf %sub3A_180, %max3A_182 : vector<16xf32>
        %sub3A_184 = arith.subf %min3A_179, %max3A_175 : vector<16xf32>
        %max3A_185 = arith.constant 0.000000e+00 : f32
        %max3A_186 = vector.broadcast %max3A_185 : f32 to vector<16xf32>
        %max3A_187 = arith.maximumf %sub3A_184, %max3A_186 : vector<16xf32>
        %mul3A_188 = arith.mulf %max3A_183, %max3A_187 : vector<16xf32>
        %add3A_189 = vector.broadcast %mul3A_171 : f32 to vector<16xf32>
        %add3A_190 = arith.addf %mul3A_33, %add3A_189 : vector<16xf32>
        %sub3A_191 = arith.subf %add3A_190, %mul3A_188 : vector<16xf32>
        %div3A_192 = arith.divf %mul3A_188, %sub3A_191 : vector<16xf32>
        %mul3A_193 = arith.constant 16 : i32
        %mul3A_194 = arith.muli %scan3A_52, %mul3A_193 : i32
        %add3A_195 = arith.constant 2 : i32
        %add3A_196 = arith.addi %mul3A_194, %add3A_195 : i32
        %gt3A_197 = vector.broadcast %squeeze3A_168 : f32 to vector<16xf32>
        %gt3A_198 = arith.cmpf ogt, %gt3A_197, %get3A_31 : vector<16xf32>
        %eq3A_199 = vector.broadcast %squeeze3A_168 : f32 to vector<16xf32>
        %eq3A_200 = arith.cmpf oeq, %eq3A_199, %get3A_31 : vector<16xf32>
        %lt3A_201 = vector.broadcast %add3A_196 : i32 to vector<16xi32>
        %lt3A_202 = arith.cmpi slt, %lt3A_201, %add3A_38 : vector<16xi32>
        %and3A_203 = arith.andi %eq3A_200, %lt3A_202 : vector<16xi1>
        %or3A_204 = arith.ori %gt3A_198, %and3A_203 : vector<16xi1>
        %jit3A_205 = arith.constant 0.000000e+00 : f32
        %broadcast_in_dim3A_206 = vector.broadcast %jit3A_205 : f32 to vector<16xf32>
        %select_n3A_207 = arith.select %or3A_204, %div3A_192, %broadcast_in_dim3A_206 : vector<16xi1>, vector<16xf32>
        %max3A_208 = arith.maximumf %max3A_158, %select_n3A_207 : vector<16xf32>
        %slice3A_209 = vector.extract_strided_slice %get3A_58 {offsets = [3], sizes = [1], strides = [1]} : vector<16xf32> to vector<1xf32>
        %squeeze3A_210 = vector.extract %slice3A_209[0] : f32 from vector<1xf32>
        %slice3A_211 = vector.extract_strided_slice %get3A_61 {offsets = [3], sizes = [1], strides = [1]} : vector<16xf32> to vector<1xf32>
        %squeeze3A_212 = vector.extract %slice3A_211[0] : f32 from vector<1xf32>
        %slice3A_213 = vector.extract_strided_slice %get3A_64 {offsets = [3], sizes = [1], strides = [1]} : vector<16xf32> to vector<1xf32>
        %squeeze3A_214 = vector.extract %slice3A_213[0] : f32 from vector<1xf32>
        %slice3A_215 = vector.extract_strided_slice %get3A_67 {offsets = [3], sizes = [1], strides = [1]} : vector<16xf32> to vector<1xf32>
        %squeeze3A_216 = vector.extract %slice3A_215[0] : f32 from vector<1xf32>
        %slice3A_217 = vector.extract_strided_slice %get3A_70 {offsets = [3], sizes = [1], strides = [1]} : vector<16xf32> to vector<1xf32>
        %squeeze3A_218 = vector.extract %slice3A_217[0] : f32 from vector<1xf32>
        %sub3A_219 = arith.subf %squeeze3A_214, %squeeze3A_210 : f32
        %sub3A_220 = arith.subf %squeeze3A_216, %squeeze3A_212 : f32
        %mul3A_221 = arith.mulf %sub3A_219, %sub3A_220 : f32
        %max3A_222 = vector.broadcast %squeeze3A_210 : f32 to vector<16xf32>
        %max3A_223 = arith.maximumf %get3A_19, %max3A_222 : vector<16xf32>
        %max3A_224 = vector.broadcast %squeeze3A_212 : f32 to vector<16xf32>
        %max3A_225 = arith.maximumf %get3A_22, %max3A_224 : vector<16xf32>
        %min3A_226 = vector.broadcast %squeeze3A_214 : f32 to vector<16xf32>
        %min3A_227 = arith.minimumf %get3A_25, %min3A_226 : vector<16xf32>
        %min3A_228 = vector.broadcast %squeeze3A_216 : f32 to vector<16xf32>
        %min3A_229 = arith.minimumf %get3A_28, %min3A_228 : vector<16xf32>
        %sub3A_230 = arith.subf %min3A_227, %max3A_223 : vector<16xf32>
        %max3A_231 = arith.constant 0.000000e+00 : f32
        %max3A_232 = vector.broadcast %max3A_231 : f32 to vector<16xf32>
        %max3A_233 = arith.maximumf %sub3A_230, %max3A_232 : vector<16xf32>
        %sub3A_234 = arith.subf %min3A_229, %max3A_225 : vector<16xf32>
        %max3A_235 = arith.constant 0.000000e+00 : f32
        %max3A_236 = vector.broadcast %max3A_235 : f32 to vector<16xf32>
        %max3A_237 = arith.maximumf %sub3A_234, %max3A_236 : vector<16xf32>
        %mul3A_238 = arith.mulf %max3A_233, %max3A_237 : vector<16xf32>
        %add3A_239 = vector.broadcast %mul3A_221 : f32 to vector<16xf32>
        %add3A_240 = arith.addf %mul3A_33, %add3A_239 : vector<16xf32>
        %sub3A_241 = arith.subf %add3A_240, %mul3A_238 : vector<16xf32>
        %div3A_242 = arith.divf %mul3A_238, %sub3A_241 : vector<16xf32>
        %mul3A_243 = arith.constant 16 : i32
        %mul3A_244 = arith.muli %scan3A_52, %mul3A_243 : i32
        %add3A_245 = arith.constant 3 : i32
        %add3A_246 = arith.addi %mul3A_244, %add3A_245 : i32
        %gt3A_247 = vector.broadcast %squeeze3A_218 : f32 to vector<16xf32>
        %gt3A_248 = arith.cmpf ogt, %gt3A_247, %get3A_31 : vector<16xf32>
        %eq3A_249 = vector.broadcast %squeeze3A_218 : f32 to vector<16xf32>
        %eq3A_250 = arith.cmpf oeq, %eq3A_249, %get3A_31 : vector<16xf32>
        %lt3A_251 = vector.broadcast %add3A_246 : i32 to vector<16xi32>
        %lt3A_252 = arith.cmpi slt, %lt3A_251, %add3A_38 : vector<16xi32>
        %and3A_253 = arith.andi %eq3A_250, %lt3A_252 : vector<16xi1>
        %or3A_254 = arith.ori %gt3A_248, %and3A_253 : vector<16xi1>
        %jit3A_255 = arith.constant 0.000000e+00 : f32
        %broadcast_in_dim3A_256 = vector.broadcast %jit3A_255 : f32 to vector<16xf32>
        %select_n3A_257 = arith.select %or3A_254, %div3A_242, %broadcast_in_dim3A_256 : vector<16xi1>, vector<16xf32>
        %max3A_258 = arith.maximumf %max3A_208, %select_n3A_257 : vector<16xf32>
        %slice3A_259 = vector.extract_strided_slice %get3A_58 {offsets = [4], sizes = [1], strides = [1]} : vector<16xf32> to vector<1xf32>
        %squeeze3A_260 = vector.extract %slice3A_259[0] : f32 from vector<1xf32>
        %slice3A_261 = vector.extract_strided_slice %get3A_61 {offsets = [4], sizes = [1], strides = [1]} : vector<16xf32> to vector<1xf32>
        %squeeze3A_262 = vector.extract %slice3A_261[0] : f32 from vector<1xf32>
        %slice3A_263 = vector.extract_strided_slice %get3A_64 {offsets = [4], sizes = [1], strides = [1]} : vector<16xf32> to vector<1xf32>
        %squeeze3A_264 = vector.extract %slice3A_263[0] : f32 from vector<1xf32>
        %slice3A_265 = vector.extract_strided_slice %get3A_67 {offsets = [4], sizes = [1], strides = [1]} : vector<16xf32> to vector<1xf32>
        %squeeze3A_266 = vector.extract %slice3A_265[0] : f32 from vector<1xf32>
        %slice3A_267 = vector.extract_strided_slice %get3A_70 {offsets = [4], sizes = [1], strides = [1]} : vector<16xf32> to vector<1xf32>
        %squeeze3A_268 = vector.extract %slice3A_267[0] : f32 from vector<1xf32>
        %sub3A_269 = arith.subf %squeeze3A_264, %squeeze3A_260 : f32
        %sub3A_270 = arith.subf %squeeze3A_266, %squeeze3A_262 : f32
        %mul3A_271 = arith.mulf %sub3A_269, %sub3A_270 : f32
        %max3A_272 = vector.broadcast %squeeze3A_260 : f32 to vector<16xf32>
        %max3A_273 = arith.maximumf %get3A_19, %max3A_272 : vector<16xf32>
        %max3A_274 = vector.broadcast %squeeze3A_262 : f32 to vector<16xf32>
        %max3A_275 = arith.maximumf %get3A_22, %max3A_274 : vector<16xf32>
        %min3A_276 = vector.broadcast %squeeze3A_264 : f32 to vector<16xf32>
        %min3A_277 = arith.minimumf %get3A_25, %min3A_276 : vector<16xf32>
        %min3A_278 = vector.broadcast %squeeze3A_266 : f32 to vector<16xf32>
        %min3A_279 = arith.minimumf %get3A_28, %min3A_278 : vector<16xf32>
        %sub3A_280 = arith.subf %min3A_277, %max3A_273 : vector<16xf32>
        %max3A_281 = arith.constant 0.000000e+00 : f32
        %max3A_282 = vector.broadcast %max3A_281 : f32 to vector<16xf32>
        %max3A_283 = arith.maximumf %sub3A_280, %max3A_282 : vector<16xf32>
        %sub3A_284 = arith.subf %min3A_279, %max3A_275 : vector<16xf32>
        %max3A_285 = arith.constant 0.000000e+00 : f32
        %max3A_286 = vector.broadcast %max3A_285 : f32 to vector<16xf32>
        %max3A_287 = arith.maximumf %sub3A_284, %max3A_286 : vector<16xf32>
        %mul3A_288 = arith.mulf %max3A_283, %max3A_287 : vector<16xf32>
        %add3A_289 = vector.broadcast %mul3A_271 : f32 to vector<16xf32>
        %add3A_290 = arith.addf %mul3A_33, %add3A_289 : vector<16xf32>
        %sub3A_291 = arith.subf %add3A_290, %mul3A_288 : vector<16xf32>
        %div3A_292 = arith.divf %mul3A_288, %sub3A_291 : vector<16xf32>
        %mul3A_293 = arith.constant 16 : i32
        %mul3A_294 = arith.muli %scan3A_52, %mul3A_293 : i32
        %add3A_295 = arith.constant 4 : i32
        %add3A_296 = arith.addi %mul3A_294, %add3A_295 : i32
        %gt3A_297 = vector.broadcast %squeeze3A_268 : f32 to vector<16xf32>
        %gt3A_298 = arith.cmpf ogt, %gt3A_297, %get3A_31 : vector<16xf32>
        %eq3A_299 = vector.broadcast %squeeze3A_268 : f32 to vector<16xf32>
        %eq3A_300 = arith.cmpf oeq, %eq3A_299, %get3A_31 : vector<16xf32>
        %lt3A_301 = vector.broadcast %add3A_296 : i32 to vector<16xi32>
        %lt3A_302 = arith.cmpi slt, %lt3A_301, %add3A_38 : vector<16xi32>
        %and3A_303 = arith.andi %eq3A_300, %lt3A_302 : vector<16xi1>
        %or3A_304 = arith.ori %gt3A_298, %and3A_303 : vector<16xi1>
        %jit3A_305 = arith.constant 0.000000e+00 : f32
        %broadcast_in_dim3A_306 = vector.broadcast %jit3A_305 : f32 to vector<16xf32>
        %select_n3A_307 = arith.select %or3A_304, %div3A_292, %broadcast_in_dim3A_306 : vector<16xi1>, vector<16xf32>
        %max3A_308 = arith.maximumf %max3A_258, %select_n3A_307 : vector<16xf32>
        %slice3A_309 = vector.extract_strided_slice %get3A_58 {offsets = [5], sizes = [1], strides = [1]} : vector<16xf32> to vector<1xf32>
        %squeeze3A_310 = vector.extract %slice3A_309[0] : f32 from vector<1xf32>
        %slice3A_311 = vector.extract_strided_slice %get3A_61 {offsets = [5], sizes = [1], strides = [1]} : vector<16xf32> to vector<1xf32>
        %squeeze3A_312 = vector.extract %slice3A_311[0] : f32 from vector<1xf32>
        %slice3A_313 = vector.extract_strided_slice %get3A_64 {offsets = [5], sizes = [1], strides = [1]} : vector<16xf32> to vector<1xf32>
        %squeeze3A_314 = vector.extract %slice3A_313[0] : f32 from vector<1xf32>
        %slice3A_315 = vector.extract_strided_slice %get3A_67 {offsets = [5], sizes = [1], strides = [1]} : vector<16xf32> to vector<1xf32>
        %squeeze3A_316 = vector.extract %slice3A_315[0] : f32 from vector<1xf32>
        %slice3A_317 = vector.extract_strided_slice %get3A_70 {offsets = [5], sizes = [1], strides = [1]} : vector<16xf32> to vector<1xf32>
        %squeeze3A_318 = vector.extract %slice3A_317[0] : f32 from vector<1xf32>
        %sub3A_319 = arith.subf %squeeze3A_314, %squeeze3A_310 : f32
        %sub3A_320 = arith.subf %squeeze3A_316, %squeeze3A_312 : f32
        %mul3A_321 = arith.mulf %sub3A_319, %sub3A_320 : f32
        %max3A_322 = vector.broadcast %squeeze3A_310 : f32 to vector<16xf32>
        %max3A_323 = arith.maximumf %get3A_19, %max3A_322 : vector<16xf32>
        %max3A_324 = vector.broadcast %squeeze3A_312 : f32 to vector<16xf32>
        %max3A_325 = arith.maximumf %get3A_22, %max3A_324 : vector<16xf32>
        %min3A_326 = vector.broadcast %squeeze3A_314 : f32 to vector<16xf32>
        %min3A_327 = arith.minimumf %get3A_25, %min3A_326 : vector<16xf32>
        %min3A_328 = vector.broadcast %squeeze3A_316 : f32 to vector<16xf32>
        %min3A_329 = arith.minimumf %get3A_28, %min3A_328 : vector<16xf32>
        %sub3A_330 = arith.subf %min3A_327, %max3A_323 : vector<16xf32>
        %max3A_331 = arith.constant 0.000000e+00 : f32
        %max3A_332 = vector.broadcast %max3A_331 : f32 to vector<16xf32>
        %max3A_333 = arith.maximumf %sub3A_330, %max3A_332 : vector<16xf32>
        %sub3A_334 = arith.subf %min3A_329, %max3A_325 : vector<16xf32>
        %max3A_335 = arith.constant 0.000000e+00 : f32
        %max3A_336 = vector.broadcast %max3A_335 : f32 to vector<16xf32>
        %max3A_337 = arith.maximumf %sub3A_334, %max3A_336 : vector<16xf32>
        %mul3A_338 = arith.mulf %max3A_333, %max3A_337 : vector<16xf32>
        %add3A_339 = vector.broadcast %mul3A_321 : f32 to vector<16xf32>
        %add3A_340 = arith.addf %mul3A_33, %add3A_339 : vector<16xf32>
        %sub3A_341 = arith.subf %add3A_340, %mul3A_338 : vector<16xf32>
        %div3A_342 = arith.divf %mul3A_338, %sub3A_341 : vector<16xf32>
        %mul3A_343 = arith.constant 16 : i32
        %mul3A_344 = arith.muli %scan3A_52, %mul3A_343 : i32
        %add3A_345 = arith.constant 5 : i32
        %add3A_346 = arith.addi %mul3A_344, %add3A_345 : i32
        %gt3A_347 = vector.broadcast %squeeze3A_318 : f32 to vector<16xf32>
        %gt3A_348 = arith.cmpf ogt, %gt3A_347, %get3A_31 : vector<16xf32>
        %eq3A_349 = vector.broadcast %squeeze3A_318 : f32 to vector<16xf32>
        %eq3A_350 = arith.cmpf oeq, %eq3A_349, %get3A_31 : vector<16xf32>
        %lt3A_351 = vector.broadcast %add3A_346 : i32 to vector<16xi32>
        %lt3A_352 = arith.cmpi slt, %lt3A_351, %add3A_38 : vector<16xi32>
        %and3A_353 = arith.andi %eq3A_350, %lt3A_352 : vector<16xi1>
        %or3A_354 = arith.ori %gt3A_348, %and3A_353 : vector<16xi1>
        %jit3A_355 = arith.constant 0.000000e+00 : f32
        %broadcast_in_dim3A_356 = vector.broadcast %jit3A_355 : f32 to vector<16xf32>
        %select_n3A_357 = arith.select %or3A_354, %div3A_342, %broadcast_in_dim3A_356 : vector<16xi1>, vector<16xf32>
        %max3A_358 = arith.maximumf %max3A_308, %select_n3A_357 : vector<16xf32>
        %slice3A_359 = vector.extract_strided_slice %get3A_58 {offsets = [6], sizes = [1], strides = [1]} : vector<16xf32> to vector<1xf32>
        %squeeze3A_360 = vector.extract %slice3A_359[0] : f32 from vector<1xf32>
        %slice3A_361 = vector.extract_strided_slice %get3A_61 {offsets = [6], sizes = [1], strides = [1]} : vector<16xf32> to vector<1xf32>
        %squeeze3A_362 = vector.extract %slice3A_361[0] : f32 from vector<1xf32>
        %slice3A_363 = vector.extract_strided_slice %get3A_64 {offsets = [6], sizes = [1], strides = [1]} : vector<16xf32> to vector<1xf32>
        %squeeze3A_364 = vector.extract %slice3A_363[0] : f32 from vector<1xf32>
        %slice3A_365 = vector.extract_strided_slice %get3A_67 {offsets = [6], sizes = [1], strides = [1]} : vector<16xf32> to vector<1xf32>
        %squeeze3A_366 = vector.extract %slice3A_365[0] : f32 from vector<1xf32>
        %slice3A_367 = vector.extract_strided_slice %get3A_70 {offsets = [6], sizes = [1], strides = [1]} : vector<16xf32> to vector<1xf32>
        %squeeze3A_368 = vector.extract %slice3A_367[0] : f32 from vector<1xf32>
        %sub3A_369 = arith.subf %squeeze3A_364, %squeeze3A_360 : f32
        %sub3A_370 = arith.subf %squeeze3A_366, %squeeze3A_362 : f32
        %mul3A_371 = arith.mulf %sub3A_369, %sub3A_370 : f32
        %max3A_372 = vector.broadcast %squeeze3A_360 : f32 to vector<16xf32>
        %max3A_373 = arith.maximumf %get3A_19, %max3A_372 : vector<16xf32>
        %max3A_374 = vector.broadcast %squeeze3A_362 : f32 to vector<16xf32>
        %max3A_375 = arith.maximumf %get3A_22, %max3A_374 : vector<16xf32>
        %min3A_376 = vector.broadcast %squeeze3A_364 : f32 to vector<16xf32>
        %min3A_377 = arith.minimumf %get3A_25, %min3A_376 : vector<16xf32>
        %min3A_378 = vector.broadcast %squeeze3A_366 : f32 to vector<16xf32>
        %min3A_379 = arith.minimumf %get3A_28, %min3A_378 : vector<16xf32>
        %sub3A_380 = arith.subf %min3A_377, %max3A_373 : vector<16xf32>
        %max3A_381 = arith.constant 0.000000e+00 : f32
        %max3A_382 = vector.broadcast %max3A_381 : f32 to vector<16xf32>
        %max3A_383 = arith.maximumf %sub3A_380, %max3A_382 : vector<16xf32>
        %sub3A_384 = arith.subf %min3A_379, %max3A_375 : vector<16xf32>
        %max3A_385 = arith.constant 0.000000e+00 : f32
        %max3A_386 = vector.broadcast %max3A_385 : f32 to vector<16xf32>
        %max3A_387 = arith.maximumf %sub3A_384, %max3A_386 : vector<16xf32>
        %mul3A_388 = arith.mulf %max3A_383, %max3A_387 : vector<16xf32>
        %add3A_389 = vector.broadcast %mul3A_371 : f32 to vector<16xf32>
        %add3A_390 = arith.addf %mul3A_33, %add3A_389 : vector<16xf32>
        %sub3A_391 = arith.subf %add3A_390, %mul3A_388 : vector<16xf32>
        %div3A_392 = arith.divf %mul3A_388, %sub3A_391 : vector<16xf32>
        %mul3A_393 = arith.constant 16 : i32
        %mul3A_394 = arith.muli %scan3A_52, %mul3A_393 : i32
        %add3A_395 = arith.constant 6 : i32
        %add3A_396 = arith.addi %mul3A_394, %add3A_395 : i32
        %gt3A_397 = vector.broadcast %squeeze3A_368 : f32 to vector<16xf32>
        %gt3A_398 = arith.cmpf ogt, %gt3A_397, %get3A_31 : vector<16xf32>
        %eq3A_399 = vector.broadcast %squeeze3A_368 : f32 to vector<16xf32>
        %eq3A_400 = arith.cmpf oeq, %eq3A_399, %get3A_31 : vector<16xf32>
        %lt3A_401 = vector.broadcast %add3A_396 : i32 to vector<16xi32>
        %lt3A_402 = arith.cmpi slt, %lt3A_401, %add3A_38 : vector<16xi32>
        %and3A_403 = arith.andi %eq3A_400, %lt3A_402 : vector<16xi1>
        %or3A_404 = arith.ori %gt3A_398, %and3A_403 : vector<16xi1>
        %jit3A_405 = arith.constant 0.000000e+00 : f32
        %broadcast_in_dim3A_406 = vector.broadcast %jit3A_405 : f32 to vector<16xf32>
        %select_n3A_407 = arith.select %or3A_404, %div3A_392, %broadcast_in_dim3A_406 : vector<16xi1>, vector<16xf32>
        %max3A_408 = arith.maximumf %max3A_358, %select_n3A_407 : vector<16xf32>
        %slice3A_409 = vector.extract_strided_slice %get3A_58 {offsets = [7], sizes = [1], strides = [1]} : vector<16xf32> to vector<1xf32>
        %squeeze3A_410 = vector.extract %slice3A_409[0] : f32 from vector<1xf32>
        %slice3A_411 = vector.extract_strided_slice %get3A_61 {offsets = [7], sizes = [1], strides = [1]} : vector<16xf32> to vector<1xf32>
        %squeeze3A_412 = vector.extract %slice3A_411[0] : f32 from vector<1xf32>
        %slice3A_413 = vector.extract_strided_slice %get3A_64 {offsets = [7], sizes = [1], strides = [1]} : vector<16xf32> to vector<1xf32>
        %squeeze3A_414 = vector.extract %slice3A_413[0] : f32 from vector<1xf32>
        %slice3A_415 = vector.extract_strided_slice %get3A_67 {offsets = [7], sizes = [1], strides = [1]} : vector<16xf32> to vector<1xf32>
        %squeeze3A_416 = vector.extract %slice3A_415[0] : f32 from vector<1xf32>
        %slice3A_417 = vector.extract_strided_slice %get3A_70 {offsets = [7], sizes = [1], strides = [1]} : vector<16xf32> to vector<1xf32>
        %squeeze3A_418 = vector.extract %slice3A_417[0] : f32 from vector<1xf32>
        %sub3A_419 = arith.subf %squeeze3A_414, %squeeze3A_410 : f32
        %sub3A_420 = arith.subf %squeeze3A_416, %squeeze3A_412 : f32
        %mul3A_421 = arith.mulf %sub3A_419, %sub3A_420 : f32
        %max3A_422 = vector.broadcast %squeeze3A_410 : f32 to vector<16xf32>
        %max3A_423 = arith.maximumf %get3A_19, %max3A_422 : vector<16xf32>
        %max3A_424 = vector.broadcast %squeeze3A_412 : f32 to vector<16xf32>
        %max3A_425 = arith.maximumf %get3A_22, %max3A_424 : vector<16xf32>
        %min3A_426 = vector.broadcast %squeeze3A_414 : f32 to vector<16xf32>
        %min3A_427 = arith.minimumf %get3A_25, %min3A_426 : vector<16xf32>
        %min3A_428 = vector.broadcast %squeeze3A_416 : f32 to vector<16xf32>
        %min3A_429 = arith.minimumf %get3A_28, %min3A_428 : vector<16xf32>
        %sub3A_430 = arith.subf %min3A_427, %max3A_423 : vector<16xf32>
        %max3A_431 = arith.constant 0.000000e+00 : f32
        %max3A_432 = vector.broadcast %max3A_431 : f32 to vector<16xf32>
        %max3A_433 = arith.maximumf %sub3A_430, %max3A_432 : vector<16xf32>
        %sub3A_434 = arith.subf %min3A_429, %max3A_425 : vector<16xf32>
        %max3A_435 = arith.constant 0.000000e+00 : f32
        %max3A_436 = vector.broadcast %max3A_435 : f32 to vector<16xf32>
        %max3A_437 = arith.maximumf %sub3A_434, %max3A_436 : vector<16xf32>
        %mul3A_438 = arith.mulf %max3A_433, %max3A_437 : vector<16xf32>
        %add3A_439 = vector.broadcast %mul3A_421 : f32 to vector<16xf32>
        %add3A_440 = arith.addf %mul3A_33, %add3A_439 : vector<16xf32>
        %sub3A_441 = arith.subf %add3A_440, %mul3A_438 : vector<16xf32>
        %div3A_442 = arith.divf %mul3A_438, %sub3A_441 : vector<16xf32>
        %mul3A_443 = arith.constant 16 : i32
        %mul3A_444 = arith.muli %scan3A_52, %mul3A_443 : i32
        %add3A_445 = arith.constant 7 : i32
        %add3A_446 = arith.addi %mul3A_444, %add3A_445 : i32
        %gt3A_447 = vector.broadcast %squeeze3A_418 : f32 to vector<16xf32>
        %gt3A_448 = arith.cmpf ogt, %gt3A_447, %get3A_31 : vector<16xf32>
        %eq3A_449 = vector.broadcast %squeeze3A_418 : f32 to vector<16xf32>
        %eq3A_450 = arith.cmpf oeq, %eq3A_449, %get3A_31 : vector<16xf32>
        %lt3A_451 = vector.broadcast %add3A_446 : i32 to vector<16xi32>
        %lt3A_452 = arith.cmpi slt, %lt3A_451, %add3A_38 : vector<16xi32>
        %and3A_453 = arith.andi %eq3A_450, %lt3A_452 : vector<16xi1>
        %or3A_454 = arith.ori %gt3A_448, %and3A_453 : vector<16xi1>
        %jit3A_455 = arith.constant 0.000000e+00 : f32
        %broadcast_in_dim3A_456 = vector.broadcast %jit3A_455 : f32 to vector<16xf32>
        %select_n3A_457 = arith.select %or3A_454, %div3A_442, %broadcast_in_dim3A_456 : vector<16xi1>, vector<16xf32>
        %max3A_458 = arith.maximumf %max3A_408, %select_n3A_457 : vector<16xf32>
        %slice3A_459 = vector.extract_strided_slice %get3A_58 {offsets = [8], sizes = [1], strides = [1]} : vector<16xf32> to vector<1xf32>
        %squeeze3A_460 = vector.extract %slice3A_459[0] : f32 from vector<1xf32>
        %slice3A_461 = vector.extract_strided_slice %get3A_61 {offsets = [8], sizes = [1], strides = [1]} : vector<16xf32> to vector<1xf32>
        %squeeze3A_462 = vector.extract %slice3A_461[0] : f32 from vector<1xf32>
        %slice3A_463 = vector.extract_strided_slice %get3A_64 {offsets = [8], sizes = [1], strides = [1]} : vector<16xf32> to vector<1xf32>
        %squeeze3A_464 = vector.extract %slice3A_463[0] : f32 from vector<1xf32>
        %slice3A_465 = vector.extract_strided_slice %get3A_67 {offsets = [8], sizes = [1], strides = [1]} : vector<16xf32> to vector<1xf32>
        %squeeze3A_466 = vector.extract %slice3A_465[0] : f32 from vector<1xf32>
        %slice3A_467 = vector.extract_strided_slice %get3A_70 {offsets = [8], sizes = [1], strides = [1]} : vector<16xf32> to vector<1xf32>
        %squeeze3A_468 = vector.extract %slice3A_467[0] : f32 from vector<1xf32>
        %sub3A_469 = arith.subf %squeeze3A_464, %squeeze3A_460 : f32
        %sub3A_470 = arith.subf %squeeze3A_466, %squeeze3A_462 : f32
        %mul3A_471 = arith.mulf %sub3A_469, %sub3A_470 : f32
        %max3A_472 = vector.broadcast %squeeze3A_460 : f32 to vector<16xf32>
        %max3A_473 = arith.maximumf %get3A_19, %max3A_472 : vector<16xf32>
        %max3A_474 = vector.broadcast %squeeze3A_462 : f32 to vector<16xf32>
        %max3A_475 = arith.maximumf %get3A_22, %max3A_474 : vector<16xf32>
        %min3A_476 = vector.broadcast %squeeze3A_464 : f32 to vector<16xf32>
        %min3A_477 = arith.minimumf %get3A_25, %min3A_476 : vector<16xf32>
        %min3A_478 = vector.broadcast %squeeze3A_466 : f32 to vector<16xf32>
        %min3A_479 = arith.minimumf %get3A_28, %min3A_478 : vector<16xf32>
        %sub3A_480 = arith.subf %min3A_477, %max3A_473 : vector<16xf32>
        %max3A_481 = arith.constant 0.000000e+00 : f32
        %max3A_482 = vector.broadcast %max3A_481 : f32 to vector<16xf32>
        %max3A_483 = arith.maximumf %sub3A_480, %max3A_482 : vector<16xf32>
        %sub3A_484 = arith.subf %min3A_479, %max3A_475 : vector<16xf32>
        %max3A_485 = arith.constant 0.000000e+00 : f32
        %max3A_486 = vector.broadcast %max3A_485 : f32 to vector<16xf32>
        %max3A_487 = arith.maximumf %sub3A_484, %max3A_486 : vector<16xf32>
        %mul3A_488 = arith.mulf %max3A_483, %max3A_487 : vector<16xf32>
        %add3A_489 = vector.broadcast %mul3A_471 : f32 to vector<16xf32>
        %add3A_490 = arith.addf %mul3A_33, %add3A_489 : vector<16xf32>
        %sub3A_491 = arith.subf %add3A_490, %mul3A_488 : vector<16xf32>
        %div3A_492 = arith.divf %mul3A_488, %sub3A_491 : vector<16xf32>
        %mul3A_493 = arith.constant 16 : i32
        %mul3A_494 = arith.muli %scan3A_52, %mul3A_493 : i32
        %add3A_495 = arith.constant 8 : i32
        %add3A_496 = arith.addi %mul3A_494, %add3A_495 : i32
        %gt3A_497 = vector.broadcast %squeeze3A_468 : f32 to vector<16xf32>
        %gt3A_498 = arith.cmpf ogt, %gt3A_497, %get3A_31 : vector<16xf32>
        %eq3A_499 = vector.broadcast %squeeze3A_468 : f32 to vector<16xf32>
        %eq3A_500 = arith.cmpf oeq, %eq3A_499, %get3A_31 : vector<16xf32>
        %lt3A_501 = vector.broadcast %add3A_496 : i32 to vector<16xi32>
        %lt3A_502 = arith.cmpi slt, %lt3A_501, %add3A_38 : vector<16xi32>
        %and3A_503 = arith.andi %eq3A_500, %lt3A_502 : vector<16xi1>
        %or3A_504 = arith.ori %gt3A_498, %and3A_503 : vector<16xi1>
        %jit3A_505 = arith.constant 0.000000e+00 : f32
        %broadcast_in_dim3A_506 = vector.broadcast %jit3A_505 : f32 to vector<16xf32>
        %select_n3A_507 = arith.select %or3A_504, %div3A_492, %broadcast_in_dim3A_506 : vector<16xi1>, vector<16xf32>
        %max3A_508 = arith.maximumf %max3A_458, %select_n3A_507 : vector<16xf32>
        %slice3A_509 = vector.extract_strided_slice %get3A_58 {offsets = [9], sizes = [1], strides = [1]} : vector<16xf32> to vector<1xf32>
        %squeeze3A_510 = vector.extract %slice3A_509[0] : f32 from vector<1xf32>
        %slice3A_511 = vector.extract_strided_slice %get3A_61 {offsets = [9], sizes = [1], strides = [1]} : vector<16xf32> to vector<1xf32>
        %squeeze3A_512 = vector.extract %slice3A_511[0] : f32 from vector<1xf32>
        %slice3A_513 = vector.extract_strided_slice %get3A_64 {offsets = [9], sizes = [1], strides = [1]} : vector<16xf32> to vector<1xf32>
        %squeeze3A_514 = vector.extract %slice3A_513[0] : f32 from vector<1xf32>
        %slice3A_515 = vector.extract_strided_slice %get3A_67 {offsets = [9], sizes = [1], strides = [1]} : vector<16xf32> to vector<1xf32>
        %squeeze3A_516 = vector.extract %slice3A_515[0] : f32 from vector<1xf32>
        %slice3A_517 = vector.extract_strided_slice %get3A_70 {offsets = [9], sizes = [1], strides = [1]} : vector<16xf32> to vector<1xf32>
        %squeeze3A_518 = vector.extract %slice3A_517[0] : f32 from vector<1xf32>
        %sub3A_519 = arith.subf %squeeze3A_514, %squeeze3A_510 : f32
        %sub3A_520 = arith.subf %squeeze3A_516, %squeeze3A_512 : f32
        %mul3A_521 = arith.mulf %sub3A_519, %sub3A_520 : f32
        %max3A_522 = vector.broadcast %squeeze3A_510 : f32 to vector<16xf32>
        %max3A_523 = arith.maximumf %get3A_19, %max3A_522 : vector<16xf32>
        %max3A_524 = vector.broadcast %squeeze3A_512 : f32 to vector<16xf32>
        %max3A_525 = arith.maximumf %get3A_22, %max3A_524 : vector<16xf32>
        %min3A_526 = vector.broadcast %squeeze3A_514 : f32 to vector<16xf32>
        %min3A_527 = arith.minimumf %get3A_25, %min3A_526 : vector<16xf32>
        %min3A_528 = vector.broadcast %squeeze3A_516 : f32 to vector<16xf32>
        %min3A_529 = arith.minimumf %get3A_28, %min3A_528 : vector<16xf32>
        %sub3A_530 = arith.subf %min3A_527, %max3A_523 : vector<16xf32>
        %max3A_531 = arith.constant 0.000000e+00 : f32
        %max3A_532 = vector.broadcast %max3A_531 : f32 to vector<16xf32>
        %max3A_533 = arith.maximumf %sub3A_530, %max3A_532 : vector<16xf32>
        %sub3A_534 = arith.subf %min3A_529, %max3A_525 : vector<16xf32>
        %max3A_535 = arith.constant 0.000000e+00 : f32
        %max3A_536 = vector.broadcast %max3A_535 : f32 to vector<16xf32>
        %max3A_537 = arith.maximumf %sub3A_534, %max3A_536 : vector<16xf32>
        %mul3A_538 = arith.mulf %max3A_533, %max3A_537 : vector<16xf32>
        %add3A_539 = vector.broadcast %mul3A_521 : f32 to vector<16xf32>
        %add3A_540 = arith.addf %mul3A_33, %add3A_539 : vector<16xf32>
        %sub3A_541 = arith.subf %add3A_540, %mul3A_538 : vector<16xf32>
        %div3A_542 = arith.divf %mul3A_538, %sub3A_541 : vector<16xf32>
        %mul3A_543 = arith.constant 16 : i32
        %mul3A_544 = arith.muli %scan3A_52, %mul3A_543 : i32
        %add3A_545 = arith.constant 9 : i32
        %add3A_546 = arith.addi %mul3A_544, %add3A_545 : i32
        %gt3A_547 = vector.broadcast %squeeze3A_518 : f32 to vector<16xf32>
        %gt3A_548 = arith.cmpf ogt, %gt3A_547, %get3A_31 : vector<16xf32>
        %eq3A_549 = vector.broadcast %squeeze3A_518 : f32 to vector<16xf32>
        %eq3A_550 = arith.cmpf oeq, %eq3A_549, %get3A_31 : vector<16xf32>
        %lt3A_551 = vector.broadcast %add3A_546 : i32 to vector<16xi32>
        %lt3A_552 = arith.cmpi slt, %lt3A_551, %add3A_38 : vector<16xi32>
        %and3A_553 = arith.andi %eq3A_550, %lt3A_552 : vector<16xi1>
        %or3A_554 = arith.ori %gt3A_548, %and3A_553 : vector<16xi1>
        %jit3A_555 = arith.constant 0.000000e+00 : f32
        %broadcast_in_dim3A_556 = vector.broadcast %jit3A_555 : f32 to vector<16xf32>
        %select_n3A_557 = arith.select %or3A_554, %div3A_542, %broadcast_in_dim3A_556 : vector<16xi1>, vector<16xf32>
        %max3A_558 = arith.maximumf %max3A_508, %select_n3A_557 : vector<16xf32>
        %slice3A_559 = vector.extract_strided_slice %get3A_58 {offsets = [10], sizes = [1], strides = [1]} : vector<16xf32> to vector<1xf32>
        %squeeze3A_560 = vector.extract %slice3A_559[0] : f32 from vector<1xf32>
        %slice3A_561 = vector.extract_strided_slice %get3A_61 {offsets = [10], sizes = [1], strides = [1]} : vector<16xf32> to vector<1xf32>
        %squeeze3A_562 = vector.extract %slice3A_561[0] : f32 from vector<1xf32>
        %slice3A_563 = vector.extract_strided_slice %get3A_64 {offsets = [10], sizes = [1], strides = [1]} : vector<16xf32> to vector<1xf32>
        %squeeze3A_564 = vector.extract %slice3A_563[0] : f32 from vector<1xf32>
        %slice3A_565 = vector.extract_strided_slice %get3A_67 {offsets = [10], sizes = [1], strides = [1]} : vector<16xf32> to vector<1xf32>
        %squeeze3A_566 = vector.extract %slice3A_565[0] : f32 from vector<1xf32>
        %slice3A_567 = vector.extract_strided_slice %get3A_70 {offsets = [10], sizes = [1], strides = [1]} : vector<16xf32> to vector<1xf32>
        %squeeze3A_568 = vector.extract %slice3A_567[0] : f32 from vector<1xf32>
        %sub3A_569 = arith.subf %squeeze3A_564, %squeeze3A_560 : f32
        %sub3A_570 = arith.subf %squeeze3A_566, %squeeze3A_562 : f32
        %mul3A_571 = arith.mulf %sub3A_569, %sub3A_570 : f32
        %max3A_572 = vector.broadcast %squeeze3A_560 : f32 to vector<16xf32>
        %max3A_573 = arith.maximumf %get3A_19, %max3A_572 : vector<16xf32>
        %max3A_574 = vector.broadcast %squeeze3A_562 : f32 to vector<16xf32>
        %max3A_575 = arith.maximumf %get3A_22, %max3A_574 : vector<16xf32>
        %min3A_576 = vector.broadcast %squeeze3A_564 : f32 to vector<16xf32>
        %min3A_577 = arith.minimumf %get3A_25, %min3A_576 : vector<16xf32>
        %min3A_578 = vector.broadcast %squeeze3A_566 : f32 to vector<16xf32>
        %min3A_579 = arith.minimumf %get3A_28, %min3A_578 : vector<16xf32>
        %sub3A_580 = arith.subf %min3A_577, %max3A_573 : vector<16xf32>
        %max3A_581 = arith.constant 0.000000e+00 : f32
        %max3A_582 = vector.broadcast %max3A_581 : f32 to vector<16xf32>
        %max3A_583 = arith.maximumf %sub3A_580, %max3A_582 : vector<16xf32>
        %sub3A_584 = arith.subf %min3A_579, %max3A_575 : vector<16xf32>
        %max3A_585 = arith.constant 0.000000e+00 : f32
        %max3A_586 = vector.broadcast %max3A_585 : f32 to vector<16xf32>
        %max3A_587 = arith.maximumf %sub3A_584, %max3A_586 : vector<16xf32>
        %mul3A_588 = arith.mulf %max3A_583, %max3A_587 : vector<16xf32>
        %add3A_589 = vector.broadcast %mul3A_571 : f32 to vector<16xf32>
        %add3A_590 = arith.addf %mul3A_33, %add3A_589 : vector<16xf32>
        %sub3A_591 = arith.subf %add3A_590, %mul3A_588 : vector<16xf32>
        %div3A_592 = arith.divf %mul3A_588, %sub3A_591 : vector<16xf32>
        %mul3A_593 = arith.constant 16 : i32
        %mul3A_594 = arith.muli %scan3A_52, %mul3A_593 : i32
        %add3A_595 = arith.constant 10 : i32
        %add3A_596 = arith.addi %mul3A_594, %add3A_595 : i32
        %gt3A_597 = vector.broadcast %squeeze3A_568 : f32 to vector<16xf32>
        %gt3A_598 = arith.cmpf ogt, %gt3A_597, %get3A_31 : vector<16xf32>
        %eq3A_599 = vector.broadcast %squeeze3A_568 : f32 to vector<16xf32>
        %eq3A_600 = arith.cmpf oeq, %eq3A_599, %get3A_31 : vector<16xf32>
        %lt3A_601 = vector.broadcast %add3A_596 : i32 to vector<16xi32>
        %lt3A_602 = arith.cmpi slt, %lt3A_601, %add3A_38 : vector<16xi32>
        %and3A_603 = arith.andi %eq3A_600, %lt3A_602 : vector<16xi1>
        %or3A_604 = arith.ori %gt3A_598, %and3A_603 : vector<16xi1>
        %jit3A_605 = arith.constant 0.000000e+00 : f32
        %broadcast_in_dim3A_606 = vector.broadcast %jit3A_605 : f32 to vector<16xf32>
        %select_n3A_607 = arith.select %or3A_604, %div3A_592, %broadcast_in_dim3A_606 : vector<16xi1>, vector<16xf32>
        %max3A_608 = arith.maximumf %max3A_558, %select_n3A_607 : vector<16xf32>
        %slice3A_609 = vector.extract_strided_slice %get3A_58 {offsets = [11], sizes = [1], strides = [1]} : vector<16xf32> to vector<1xf32>
        %squeeze3A_610 = vector.extract %slice3A_609[0] : f32 from vector<1xf32>
        %slice3A_611 = vector.extract_strided_slice %get3A_61 {offsets = [11], sizes = [1], strides = [1]} : vector<16xf32> to vector<1xf32>
        %squeeze3A_612 = vector.extract %slice3A_611[0] : f32 from vector<1xf32>
        %slice3A_613 = vector.extract_strided_slice %get3A_64 {offsets = [11], sizes = [1], strides = [1]} : vector<16xf32> to vector<1xf32>
        %squeeze3A_614 = vector.extract %slice3A_613[0] : f32 from vector<1xf32>
        %slice3A_615 = vector.extract_strided_slice %get3A_67 {offsets = [11], sizes = [1], strides = [1]} : vector<16xf32> to vector<1xf32>
        %squeeze3A_616 = vector.extract %slice3A_615[0] : f32 from vector<1xf32>
        %slice3A_617 = vector.extract_strided_slice %get3A_70 {offsets = [11], sizes = [1], strides = [1]} : vector<16xf32> to vector<1xf32>
        %squeeze3A_618 = vector.extract %slice3A_617[0] : f32 from vector<1xf32>
        %sub3A_619 = arith.subf %squeeze3A_614, %squeeze3A_610 : f32
        %sub3A_620 = arith.subf %squeeze3A_616, %squeeze3A_612 : f32
        %mul3A_621 = arith.mulf %sub3A_619, %sub3A_620 : f32
        %max3A_622 = vector.broadcast %squeeze3A_610 : f32 to vector<16xf32>
        %max3A_623 = arith.maximumf %get3A_19, %max3A_622 : vector<16xf32>
        %max3A_624 = vector.broadcast %squeeze3A_612 : f32 to vector<16xf32>
        %max3A_625 = arith.maximumf %get3A_22, %max3A_624 : vector<16xf32>
        %min3A_626 = vector.broadcast %squeeze3A_614 : f32 to vector<16xf32>
        %min3A_627 = arith.minimumf %get3A_25, %min3A_626 : vector<16xf32>
        %min3A_628 = vector.broadcast %squeeze3A_616 : f32 to vector<16xf32>
        %min3A_629 = arith.minimumf %get3A_28, %min3A_628 : vector<16xf32>
        %sub3A_630 = arith.subf %min3A_627, %max3A_623 : vector<16xf32>
        %max3A_631 = arith.constant 0.000000e+00 : f32
        %max3A_632 = vector.broadcast %max3A_631 : f32 to vector<16xf32>
        %max3A_633 = arith.maximumf %sub3A_630, %max3A_632 : vector<16xf32>
        %sub3A_634 = arith.subf %min3A_629, %max3A_625 : vector<16xf32>
        %max3A_635 = arith.constant 0.000000e+00 : f32
        %max3A_636 = vector.broadcast %max3A_635 : f32 to vector<16xf32>
        %max3A_637 = arith.maximumf %sub3A_634, %max3A_636 : vector<16xf32>
        %mul3A_638 = arith.mulf %max3A_633, %max3A_637 : vector<16xf32>
        %add3A_639 = vector.broadcast %mul3A_621 : f32 to vector<16xf32>
        %add3A_640 = arith.addf %mul3A_33, %add3A_639 : vector<16xf32>
        %sub3A_641 = arith.subf %add3A_640, %mul3A_638 : vector<16xf32>
        %div3A_642 = arith.divf %mul3A_638, %sub3A_641 : vector<16xf32>
        %mul3A_643 = arith.constant 16 : i32
        %mul3A_644 = arith.muli %scan3A_52, %mul3A_643 : i32
        %add3A_645 = arith.constant 11 : i32
        %add3A_646 = arith.addi %mul3A_644, %add3A_645 : i32
        %gt3A_647 = vector.broadcast %squeeze3A_618 : f32 to vector<16xf32>
        %gt3A_648 = arith.cmpf ogt, %gt3A_647, %get3A_31 : vector<16xf32>
        %eq3A_649 = vector.broadcast %squeeze3A_618 : f32 to vector<16xf32>
        %eq3A_650 = arith.cmpf oeq, %eq3A_649, %get3A_31 : vector<16xf32>
        %lt3A_651 = vector.broadcast %add3A_646 : i32 to vector<16xi32>
        %lt3A_652 = arith.cmpi slt, %lt3A_651, %add3A_38 : vector<16xi32>
        %and3A_653 = arith.andi %eq3A_650, %lt3A_652 : vector<16xi1>
        %or3A_654 = arith.ori %gt3A_648, %and3A_653 : vector<16xi1>
        %jit3A_655 = arith.constant 0.000000e+00 : f32
        %broadcast_in_dim3A_656 = vector.broadcast %jit3A_655 : f32 to vector<16xf32>
        %select_n3A_657 = arith.select %or3A_654, %div3A_642, %broadcast_in_dim3A_656 : vector<16xi1>, vector<16xf32>
        %max3A_658 = arith.maximumf %max3A_608, %select_n3A_657 : vector<16xf32>
        %slice3A_659 = vector.extract_strided_slice %get3A_58 {offsets = [12], sizes = [1], strides = [1]} : vector<16xf32> to vector<1xf32>
        %squeeze3A_660 = vector.extract %slice3A_659[0] : f32 from vector<1xf32>
        %slice3A_661 = vector.extract_strided_slice %get3A_61 {offsets = [12], sizes = [1], strides = [1]} : vector<16xf32> to vector<1xf32>
        %squeeze3A_662 = vector.extract %slice3A_661[0] : f32 from vector<1xf32>
        %slice3A_663 = vector.extract_strided_slice %get3A_64 {offsets = [12], sizes = [1], strides = [1]} : vector<16xf32> to vector<1xf32>
        %squeeze3A_664 = vector.extract %slice3A_663[0] : f32 from vector<1xf32>
        %slice3A_665 = vector.extract_strided_slice %get3A_67 {offsets = [12], sizes = [1], strides = [1]} : vector<16xf32> to vector<1xf32>
        %squeeze3A_666 = vector.extract %slice3A_665[0] : f32 from vector<1xf32>
        %slice3A_667 = vector.extract_strided_slice %get3A_70 {offsets = [12], sizes = [1], strides = [1]} : vector<16xf32> to vector<1xf32>
        %squeeze3A_668 = vector.extract %slice3A_667[0] : f32 from vector<1xf32>
        %sub3A_669 = arith.subf %squeeze3A_664, %squeeze3A_660 : f32
        %sub3A_670 = arith.subf %squeeze3A_666, %squeeze3A_662 : f32
        %mul3A_671 = arith.mulf %sub3A_669, %sub3A_670 : f32
        %max3A_672 = vector.broadcast %squeeze3A_660 : f32 to vector<16xf32>
        %max3A_673 = arith.maximumf %get3A_19, %max3A_672 : vector<16xf32>
        %max3A_674 = vector.broadcast %squeeze3A_662 : f32 to vector<16xf32>
        %max3A_675 = arith.maximumf %get3A_22, %max3A_674 : vector<16xf32>
        %min3A_676 = vector.broadcast %squeeze3A_664 : f32 to vector<16xf32>
        %min3A_677 = arith.minimumf %get3A_25, %min3A_676 : vector<16xf32>
        %min3A_678 = vector.broadcast %squeeze3A_666 : f32 to vector<16xf32>
        %min3A_679 = arith.minimumf %get3A_28, %min3A_678 : vector<16xf32>
        %sub3A_680 = arith.subf %min3A_677, %max3A_673 : vector<16xf32>
        %max3A_681 = arith.constant 0.000000e+00 : f32
        %max3A_682 = vector.broadcast %max3A_681 : f32 to vector<16xf32>
        %max3A_683 = arith.maximumf %sub3A_680, %max3A_682 : vector<16xf32>
        %sub3A_684 = arith.subf %min3A_679, %max3A_675 : vector<16xf32>
        %max3A_685 = arith.constant 0.000000e+00 : f32
        %max3A_686 = vector.broadcast %max3A_685 : f32 to vector<16xf32>
        %max3A_687 = arith.maximumf %sub3A_684, %max3A_686 : vector<16xf32>
        %mul3A_688 = arith.mulf %max3A_683, %max3A_687 : vector<16xf32>
        %add3A_689 = vector.broadcast %mul3A_671 : f32 to vector<16xf32>
        %add3A_690 = arith.addf %mul3A_33, %add3A_689 : vector<16xf32>
        %sub3A_691 = arith.subf %add3A_690, %mul3A_688 : vector<16xf32>
        %div3A_692 = arith.divf %mul3A_688, %sub3A_691 : vector<16xf32>
        %mul3A_693 = arith.constant 16 : i32
        %mul3A_694 = arith.muli %scan3A_52, %mul3A_693 : i32
        %add3A_695 = arith.constant 12 : i32
        %add3A_696 = arith.addi %mul3A_694, %add3A_695 : i32
        %gt3A_697 = vector.broadcast %squeeze3A_668 : f32 to vector<16xf32>
        %gt3A_698 = arith.cmpf ogt, %gt3A_697, %get3A_31 : vector<16xf32>
        %eq3A_699 = vector.broadcast %squeeze3A_668 : f32 to vector<16xf32>
        %eq3A_700 = arith.cmpf oeq, %eq3A_699, %get3A_31 : vector<16xf32>
        %lt3A_701 = vector.broadcast %add3A_696 : i32 to vector<16xi32>
        %lt3A_702 = arith.cmpi slt, %lt3A_701, %add3A_38 : vector<16xi32>
        %and3A_703 = arith.andi %eq3A_700, %lt3A_702 : vector<16xi1>
        %or3A_704 = arith.ori %gt3A_698, %and3A_703 : vector<16xi1>
        %jit3A_705 = arith.constant 0.000000e+00 : f32
        %broadcast_in_dim3A_706 = vector.broadcast %jit3A_705 : f32 to vector<16xf32>
        %select_n3A_707 = arith.select %or3A_704, %div3A_692, %broadcast_in_dim3A_706 : vector<16xi1>, vector<16xf32>
        %max3A_708 = arith.maximumf %max3A_658, %select_n3A_707 : vector<16xf32>
        %slice3A_709 = vector.extract_strided_slice %get3A_58 {offsets = [13], sizes = [1], strides = [1]} : vector<16xf32> to vector<1xf32>
        %squeeze3A_710 = vector.extract %slice3A_709[0] : f32 from vector<1xf32>
        %slice3A_711 = vector.extract_strided_slice %get3A_61 {offsets = [13], sizes = [1], strides = [1]} : vector<16xf32> to vector<1xf32>
        %squeeze3A_712 = vector.extract %slice3A_711[0] : f32 from vector<1xf32>
        %slice3A_713 = vector.extract_strided_slice %get3A_64 {offsets = [13], sizes = [1], strides = [1]} : vector<16xf32> to vector<1xf32>
        %squeeze3A_714 = vector.extract %slice3A_713[0] : f32 from vector<1xf32>
        %slice3A_715 = vector.extract_strided_slice %get3A_67 {offsets = [13], sizes = [1], strides = [1]} : vector<16xf32> to vector<1xf32>
        %squeeze3A_716 = vector.extract %slice3A_715[0] : f32 from vector<1xf32>
        %slice3A_717 = vector.extract_strided_slice %get3A_70 {offsets = [13], sizes = [1], strides = [1]} : vector<16xf32> to vector<1xf32>
        %squeeze3A_718 = vector.extract %slice3A_717[0] : f32 from vector<1xf32>
        %sub3A_719 = arith.subf %squeeze3A_714, %squeeze3A_710 : f32
        %sub3A_720 = arith.subf %squeeze3A_716, %squeeze3A_712 : f32
        %mul3A_721 = arith.mulf %sub3A_719, %sub3A_720 : f32
        %max3A_722 = vector.broadcast %squeeze3A_710 : f32 to vector<16xf32>
        %max3A_723 = arith.maximumf %get3A_19, %max3A_722 : vector<16xf32>
        %max3A_724 = vector.broadcast %squeeze3A_712 : f32 to vector<16xf32>
        %max3A_725 = arith.maximumf %get3A_22, %max3A_724 : vector<16xf32>
        %min3A_726 = vector.broadcast %squeeze3A_714 : f32 to vector<16xf32>
        %min3A_727 = arith.minimumf %get3A_25, %min3A_726 : vector<16xf32>
        %min3A_728 = vector.broadcast %squeeze3A_716 : f32 to vector<16xf32>
        %min3A_729 = arith.minimumf %get3A_28, %min3A_728 : vector<16xf32>
        %sub3A_730 = arith.subf %min3A_727, %max3A_723 : vector<16xf32>
        %max3A_731 = arith.constant 0.000000e+00 : f32
        %max3A_732 = vector.broadcast %max3A_731 : f32 to vector<16xf32>
        %max3A_733 = arith.maximumf %sub3A_730, %max3A_732 : vector<16xf32>
        %sub3A_734 = arith.subf %min3A_729, %max3A_725 : vector<16xf32>
        %max3A_735 = arith.constant 0.000000e+00 : f32
        %max3A_736 = vector.broadcast %max3A_735 : f32 to vector<16xf32>
        %max3A_737 = arith.maximumf %sub3A_734, %max3A_736 : vector<16xf32>
        %mul3A_738 = arith.mulf %max3A_733, %max3A_737 : vector<16xf32>
        %add3A_739 = vector.broadcast %mul3A_721 : f32 to vector<16xf32>
        %add3A_740 = arith.addf %mul3A_33, %add3A_739 : vector<16xf32>
        %sub3A_741 = arith.subf %add3A_740, %mul3A_738 : vector<16xf32>
        %div3A_742 = arith.divf %mul3A_738, %sub3A_741 : vector<16xf32>
        %mul3A_743 = arith.constant 16 : i32
        %mul3A_744 = arith.muli %scan3A_52, %mul3A_743 : i32
        %add3A_745 = arith.constant 13 : i32
        %add3A_746 = arith.addi %mul3A_744, %add3A_745 : i32
        %gt3A_747 = vector.broadcast %squeeze3A_718 : f32 to vector<16xf32>
        %gt3A_748 = arith.cmpf ogt, %gt3A_747, %get3A_31 : vector<16xf32>
        %eq3A_749 = vector.broadcast %squeeze3A_718 : f32 to vector<16xf32>
        %eq3A_750 = arith.cmpf oeq, %eq3A_749, %get3A_31 : vector<16xf32>
        %lt3A_751 = vector.broadcast %add3A_746 : i32 to vector<16xi32>
        %lt3A_752 = arith.cmpi slt, %lt3A_751, %add3A_38 : vector<16xi32>
        %and3A_753 = arith.andi %eq3A_750, %lt3A_752 : vector<16xi1>
        %or3A_754 = arith.ori %gt3A_748, %and3A_753 : vector<16xi1>
        %jit3A_755 = arith.constant 0.000000e+00 : f32
        %broadcast_in_dim3A_756 = vector.broadcast %jit3A_755 : f32 to vector<16xf32>
        %select_n3A_757 = arith.select %or3A_754, %div3A_742, %broadcast_in_dim3A_756 : vector<16xi1>, vector<16xf32>
        %max3A_758 = arith.maximumf %max3A_708, %select_n3A_757 : vector<16xf32>
        %slice3A_759 = vector.extract_strided_slice %get3A_58 {offsets = [14], sizes = [1], strides = [1]} : vector<16xf32> to vector<1xf32>
        %squeeze3A_760 = vector.extract %slice3A_759[0] : f32 from vector<1xf32>
        %slice3A_761 = vector.extract_strided_slice %get3A_61 {offsets = [14], sizes = [1], strides = [1]} : vector<16xf32> to vector<1xf32>
        %squeeze3A_762 = vector.extract %slice3A_761[0] : f32 from vector<1xf32>
        %slice3A_763 = vector.extract_strided_slice %get3A_64 {offsets = [14], sizes = [1], strides = [1]} : vector<16xf32> to vector<1xf32>
        %squeeze3A_764 = vector.extract %slice3A_763[0] : f32 from vector<1xf32>
        %slice3A_765 = vector.extract_strided_slice %get3A_67 {offsets = [14], sizes = [1], strides = [1]} : vector<16xf32> to vector<1xf32>
        %squeeze3A_766 = vector.extract %slice3A_765[0] : f32 from vector<1xf32>
        %slice3A_767 = vector.extract_strided_slice %get3A_70 {offsets = [14], sizes = [1], strides = [1]} : vector<16xf32> to vector<1xf32>
        %squeeze3A_768 = vector.extract %slice3A_767[0] : f32 from vector<1xf32>
        %sub3A_769 = arith.subf %squeeze3A_764, %squeeze3A_760 : f32
        %sub3A_770 = arith.subf %squeeze3A_766, %squeeze3A_762 : f32
        %mul3A_771 = arith.mulf %sub3A_769, %sub3A_770 : f32
        %max3A_772 = vector.broadcast %squeeze3A_760 : f32 to vector<16xf32>
        %max3A_773 = arith.maximumf %get3A_19, %max3A_772 : vector<16xf32>
        %max3A_774 = vector.broadcast %squeeze3A_762 : f32 to vector<16xf32>
        %max3A_775 = arith.maximumf %get3A_22, %max3A_774 : vector<16xf32>
        %min3A_776 = vector.broadcast %squeeze3A_764 : f32 to vector<16xf32>
        %min3A_777 = arith.minimumf %get3A_25, %min3A_776 : vector<16xf32>
        %min3A_778 = vector.broadcast %squeeze3A_766 : f32 to vector<16xf32>
        %min3A_779 = arith.minimumf %get3A_28, %min3A_778 : vector<16xf32>
        %sub3A_780 = arith.subf %min3A_777, %max3A_773 : vector<16xf32>
        %max3A_781 = arith.constant 0.000000e+00 : f32
        %max3A_782 = vector.broadcast %max3A_781 : f32 to vector<16xf32>
        %max3A_783 = arith.maximumf %sub3A_780, %max3A_782 : vector<16xf32>
        %sub3A_784 = arith.subf %min3A_779, %max3A_775 : vector<16xf32>
        %max3A_785 = arith.constant 0.000000e+00 : f32
        %max3A_786 = vector.broadcast %max3A_785 : f32 to vector<16xf32>
        %max3A_787 = arith.maximumf %sub3A_784, %max3A_786 : vector<16xf32>
        %mul3A_788 = arith.mulf %max3A_783, %max3A_787 : vector<16xf32>
        %add3A_789 = vector.broadcast %mul3A_771 : f32 to vector<16xf32>
        %add3A_790 = arith.addf %mul3A_33, %add3A_789 : vector<16xf32>
        %sub3A_791 = arith.subf %add3A_790, %mul3A_788 : vector<16xf32>
        %div3A_792 = arith.divf %mul3A_788, %sub3A_791 : vector<16xf32>
        %mul3A_793 = arith.constant 16 : i32
        %mul3A_794 = arith.muli %scan3A_52, %mul3A_793 : i32
        %add3A_795 = arith.constant 14 : i32
        %add3A_796 = arith.addi %mul3A_794, %add3A_795 : i32
        %gt3A_797 = vector.broadcast %squeeze3A_768 : f32 to vector<16xf32>
        %gt3A_798 = arith.cmpf ogt, %gt3A_797, %get3A_31 : vector<16xf32>
        %eq3A_799 = vector.broadcast %squeeze3A_768 : f32 to vector<16xf32>
        %eq3A_800 = arith.cmpf oeq, %eq3A_799, %get3A_31 : vector<16xf32>
        %lt3A_801 = vector.broadcast %add3A_796 : i32 to vector<16xi32>
        %lt3A_802 = arith.cmpi slt, %lt3A_801, %add3A_38 : vector<16xi32>
        %and3A_803 = arith.andi %eq3A_800, %lt3A_802 : vector<16xi1>
        %or3A_804 = arith.ori %gt3A_798, %and3A_803 : vector<16xi1>
        %jit3A_805 = arith.constant 0.000000e+00 : f32
        %broadcast_in_dim3A_806 = vector.broadcast %jit3A_805 : f32 to vector<16xf32>
        %select_n3A_807 = arith.select %or3A_804, %div3A_792, %broadcast_in_dim3A_806 : vector<16xi1>, vector<16xf32>
        %max3A_808 = arith.maximumf %max3A_758, %select_n3A_807 : vector<16xf32>
        %slice3A_809 = vector.extract_strided_slice %get3A_58 {offsets = [15], sizes = [1], strides = [1]} : vector<16xf32> to vector<1xf32>
        %squeeze3A_810 = vector.extract %slice3A_809[0] : f32 from vector<1xf32>
        %slice3A_811 = vector.extract_strided_slice %get3A_61 {offsets = [15], sizes = [1], strides = [1]} : vector<16xf32> to vector<1xf32>
        %squeeze3A_812 = vector.extract %slice3A_811[0] : f32 from vector<1xf32>
        %slice3A_813 = vector.extract_strided_slice %get3A_64 {offsets = [15], sizes = [1], strides = [1]} : vector<16xf32> to vector<1xf32>
        %squeeze3A_814 = vector.extract %slice3A_813[0] : f32 from vector<1xf32>
        %slice3A_815 = vector.extract_strided_slice %get3A_67 {offsets = [15], sizes = [1], strides = [1]} : vector<16xf32> to vector<1xf32>
        %squeeze3A_816 = vector.extract %slice3A_815[0] : f32 from vector<1xf32>
        %slice3A_817 = vector.extract_strided_slice %get3A_70 {offsets = [15], sizes = [1], strides = [1]} : vector<16xf32> to vector<1xf32>
        %squeeze3A_818 = vector.extract %slice3A_817[0] : f32 from vector<1xf32>
        %sub3A_819 = arith.subf %squeeze3A_814, %squeeze3A_810 : f32
        %sub3A_820 = arith.subf %squeeze3A_816, %squeeze3A_812 : f32
        %mul3A_821 = arith.mulf %sub3A_819, %sub3A_820 : f32
        %max3A_822 = vector.broadcast %squeeze3A_810 : f32 to vector<16xf32>
        %max3A_823 = arith.maximumf %get3A_19, %max3A_822 : vector<16xf32>
        %max3A_824 = vector.broadcast %squeeze3A_812 : f32 to vector<16xf32>
        %max3A_825 = arith.maximumf %get3A_22, %max3A_824 : vector<16xf32>
        %min3A_826 = vector.broadcast %squeeze3A_814 : f32 to vector<16xf32>
        %min3A_827 = arith.minimumf %get3A_25, %min3A_826 : vector<16xf32>
        %min3A_828 = vector.broadcast %squeeze3A_816 : f32 to vector<16xf32>
        %min3A_829 = arith.minimumf %get3A_28, %min3A_828 : vector<16xf32>
        %sub3A_830 = arith.subf %min3A_827, %max3A_823 : vector<16xf32>
        %max3A_831 = arith.constant 0.000000e+00 : f32
        %max3A_832 = vector.broadcast %max3A_831 : f32 to vector<16xf32>
        %max3A_833 = arith.maximumf %sub3A_830, %max3A_832 : vector<16xf32>
        %sub3A_834 = arith.subf %min3A_829, %max3A_825 : vector<16xf32>
        %max3A_835 = arith.constant 0.000000e+00 : f32
        %max3A_836 = vector.broadcast %max3A_835 : f32 to vector<16xf32>
        %max3A_837 = arith.maximumf %sub3A_834, %max3A_836 : vector<16xf32>
        %mul3A_838 = arith.mulf %max3A_833, %max3A_837 : vector<16xf32>
        %add3A_839 = vector.broadcast %mul3A_821 : f32 to vector<16xf32>
        %add3A_840 = arith.addf %mul3A_33, %add3A_839 : vector<16xf32>
        %sub3A_841 = arith.subf %add3A_840, %mul3A_838 : vector<16xf32>
        %div3A_842 = arith.divf %mul3A_838, %sub3A_841 : vector<16xf32>
        %mul3A_843 = arith.constant 16 : i32
        %mul3A_844 = arith.muli %scan3A_52, %mul3A_843 : i32
        %add3A_845 = arith.constant 15 : i32
        %add3A_846 = arith.addi %mul3A_844, %add3A_845 : i32
        %gt3A_847 = vector.broadcast %squeeze3A_818 : f32 to vector<16xf32>
        %gt3A_848 = arith.cmpf ogt, %gt3A_847, %get3A_31 : vector<16xf32>
        %eq3A_849 = vector.broadcast %squeeze3A_818 : f32 to vector<16xf32>
        %eq3A_850 = arith.cmpf oeq, %eq3A_849, %get3A_31 : vector<16xf32>
        %lt3A_851 = vector.broadcast %add3A_846 : i32 to vector<16xi32>
        %lt3A_852 = arith.cmpi slt, %lt3A_851, %add3A_38 : vector<16xi32>
        %and3A_853 = arith.andi %eq3A_850, %lt3A_852 : vector<16xi1>
        %or3A_854 = arith.ori %gt3A_848, %and3A_853 : vector<16xi1>
        %jit3A_855 = arith.constant 0.000000e+00 : f32
        %broadcast_in_dim3A_856 = vector.broadcast %jit3A_855 : f32 to vector<16xf32>
        %select_n3A_857 = arith.select %or3A_854, %div3A_842, %broadcast_in_dim3A_856 : vector<16xi1>, vector<16xf32>
        %max3A_858 = arith.maximumf %max3A_808, %select_n3A_857 : vector<16xf32>
        scf.yield %max3A_858 : vector<16xf32>
      }
      %scan3A_45 = arith.constant 320 : i32
      %mul3A_46 = arith.constant 16 : i32
      %mul3A_47 = arith.muli %scan3A_13, %mul3A_46 : i32
      %swap3A = arith.index_cast %mul3A_47 : i32 to index
      %swap3A_48 = tpu.vector_load %arg13[%swap3A] {strides = array<i32>} : memref<32xf32, #tpu.memory_space<vmem>>, vector<16xf32>,
      %swap3A_49 = vector.shape_cast %swap3A_48 : vector<16xf32> to vector<16xf32>
      %swap3A_50 = vector.shape_cast %scan3A_44 : vector<16xf32> to vector<16xf32>
      tpu.vector_store %arg13[%swap3A], %swap3A_50 {strides = array<i32>} : memref<32xf32, #tpu.memory_space<vmem>>, vector<16xf32>,
      %scan3A_51 = arith.constant 0 : i32
      scf.yield %scan3A_51 : i32
    }
    %scan3A_10 = arith.constant 2 : i32
    %mul3A_11 = arith.constant 32 : i32
    %mul3A_12 = arith.muli %add3A, %mul3A_11 : i32
    "tpu.region"() ({
      %run_scoped3A = tpu.sem_alloc : memref<!tpu.dma_semaphore, #tpu.memory_space<semaphore_mem>>
      %dma_start3A = tpu.memref_slice %arg7[%mul3A_12] : memref<1024xf32, #tpu.memory_space<hbm>> -> memref<32xf32, #tpu.memory_space<hbm>>
      %dma_start3A_13 = tpu.memref_slice %arg7[%mul3A_12] : memref<1024xf32, #tpu.memory_space<hbm>> -> memref<32xf32, #tpu.memory_space<hbm>>
      tpu.enqueue_dma source(%arg13 : memref<32xf32, #tpu.memory_space<vmem>>) target(%dma_start3A_13 : memref<32xf32, #tpu.memory_space<hbm>>) target_semaphore(%run_scoped3A : memref<!tpu.dma_semaphore, #tpu.memory_space<semaphore_mem>>)
      %dma_wait3A = tpu.memref_slice %arg7[%mul3A_12] : memref<1024xf32, #tpu.memory_space<hbm>> -> memref<32xf32, #tpu.memory_space<hbm>>
      %dma_wait3A_14 = tpu.memref_slice %arg7[%mul3A_12] : memref<1024xf32, #tpu.memory_space<hbm>> -> memref<32xf32, #tpu.memory_space<hbm>>
      tpu.wait_dma2 semaphore(%run_scoped3A : memref<!tpu.dma_semaphore, #tpu.memory_space<semaphore_mem>>) src(%arg13 : memref<32xf32, #tpu.memory_space<vmem>>) dst(%dma_wait3A_14 : memref<32xf32, #tpu.memory_space<hbm>>)
      tpu.yield
    }) : () -> ()
    return
  }
}

module attributes {stable_mosaic.version = 14 : i64} {
  func.func @_nms_body(%arg0: i32, %arg1: memref<8x5120xf32, #tpu.memory_space<vmem>>, %arg2: memref<1024x8xf32, #tpu.memory_space<vmem>>, %arg3: memref<1024x1xf32, #tpu.memory_space<vmem>>) attributes {dimension_semantics = [#tpu.dimension_semantics<arbitrary>], iteration_bounds = array<i64: 4>, scalar_prefetch = 0 : i64, scratch_operands = 0 : i64, tpu.core_type = #tpu.core_type<tc>, window_params = [{pipeline_mode = #tpu.pipeline_mode<synchronous>, transform_indices = @transform_0, window_bounds = array<i64: 8, 5120>}, {transform_indices = @transform_1, window_bounds = array<i64: 1024, 8>}, {transform_indices = @transform_2, window_bounds = array<i64: 1024, 1>}]} {
    %get3A = arith.constant 0 : index
    %get3A_0 = arith.constant 0 : index
    %get3A_1 = vector.load %arg2[%get3A, %get3A_0] : memref<1024x8xf32, #tpu.memory_space<vmem>>, vector<1024x1xf32>
    %get3A_2 = arith.constant 0 : index
    %get3A_3 = arith.constant 1 : index
    %get3A_4 = vector.load %arg2[%get3A_2, %get3A_3] : memref<1024x8xf32, #tpu.memory_space<vmem>>, vector<1024x1xf32>
    %get3A_5 = arith.constant 0 : index
    %get3A_6 = arith.constant 2 : index
    %get3A_7 = vector.load %arg2[%get3A_5, %get3A_6] : memref<1024x8xf32, #tpu.memory_space<vmem>>, vector<1024x1xf32>
    %get3A_8 = arith.constant 0 : index
    %get3A_9 = arith.constant 3 : index
    %get3A_10 = vector.load %arg2[%get3A_8, %get3A_9] : memref<1024x8xf32, #tpu.memory_space<vmem>>, vector<1024x1xf32>
    %get3A_11 = arith.constant 0 : index
    %get3A_12 = arith.constant 4 : index
    %get3A_13 = vector.load %arg2[%get3A_11, %get3A_12] : memref<1024x8xf32, #tpu.memory_space<vmem>>, vector<1024x1xf32>
    %sub3A = arith.subf %get3A_7, %get3A_1 : vector<1024x1xf32>
    %sub3A_14 = arith.subf %get3A_10, %get3A_4 : vector<1024x1xf32>
    %mul3A = arith.mulf %sub3A, %sub3A_14 : vector<1024x1xf32>
    %iota3A = tpu.iota {dimensions = array<i32: 0>} : vector<1024x1xi32>
    %mul3A_15 = arith.constant 1024 : i32
    %mul3A_16 = arith.muli %arg0, %mul3A_15 : i32
    %add3A = vector.broadcast %mul3A_16 : i32 to vector<1024x1xi32>
    %add3A_17 = arith.addi %iota3A, %add3A : vector<1024x1xi32>
    %broadcast_in_dim3A = arith.constant 0.000000e+00 : f32
    %broadcast_in_dim3A_18 = vector.broadcast %broadcast_in_dim3A : f32 to vector<1024x1xf32>
    %get3A_19 = arith.constant 0 : index
    %get3A_20 = arith.constant 0 : index
    %get3A_21 = vector.load %arg1[%get3A_19, %get3A_20] : memref<8x5120xf32, #tpu.memory_space<vmem>>, vector<1x512xf32>
    %get3A_22 = arith.constant 1 : index
    %get3A_23 = arith.constant 0 : index
    %get3A_24 = vector.load %arg1[%get3A_22, %get3A_23] : memref<8x5120xf32, #tpu.memory_space<vmem>>, vector<1x512xf32>
    %get3A_25 = arith.constant 2 : index
    %get3A_26 = arith.constant 0 : index
    %get3A_27 = vector.load %arg1[%get3A_25, %get3A_26] : memref<8x5120xf32, #tpu.memory_space<vmem>>, vector<1x512xf32>
    %get3A_28 = arith.constant 3 : index
    %get3A_29 = arith.constant 0 : index
    %get3A_30 = vector.load %arg1[%get3A_28, %get3A_29] : memref<8x5120xf32, #tpu.memory_space<vmem>>, vector<1x512xf32>
    %get3A_31 = arith.constant 4 : index
    %get3A_32 = arith.constant 0 : index
    %get3A_33 = vector.load %arg1[%get3A_31, %get3A_32] : memref<8x5120xf32, #tpu.memory_space<vmem>>, vector<1x512xf32>
    %sub3A_34 = arith.subf %get3A_27, %get3A_21 : vector<1x512xf32>
    %sub3A_35 = arith.subf %get3A_30, %get3A_24 : vector<1x512xf32>
    %mul3A_36 = arith.mulf %sub3A_34, %sub3A_35 : vector<1x512xf32>
    %max3A = vector.broadcast %get3A_1 : vector<1024x1xf32> to vector<1024x512xf32>
    %max3A_37 = vector.broadcast %get3A_21 : vector<1x512xf32> to vector<1024x512xf32>
    %max3A_38 = arith.maximumf %max3A, %max3A_37 : vector<1024x512xf32>
    %max3A_39 = vector.broadcast %get3A_4 : vector<1024x1xf32> to vector<1024x512xf32>
    %max3A_40 = vector.broadcast %get3A_24 : vector<1x512xf32> to vector<1024x512xf32>
    %max3A_41 = arith.maximumf %max3A_39, %max3A_40 : vector<1024x512xf32>
    %min3A = vector.broadcast %get3A_7 : vector<1024x1xf32> to vector<1024x512xf32>
    %min3A_42 = vector.broadcast %get3A_27 : vector<1x512xf32> to vector<1024x512xf32>
    %min3A_43 = arith.minimumf %min3A, %min3A_42 : vector<1024x512xf32>
    %min3A_44 = vector.broadcast %get3A_10 : vector<1024x1xf32> to vector<1024x512xf32>
    %min3A_45 = vector.broadcast %get3A_30 : vector<1x512xf32> to vector<1024x512xf32>
    %min3A_46 = arith.minimumf %min3A_44, %min3A_45 : vector<1024x512xf32>
    %sub3A_47 = arith.subf %min3A_43, %max3A_38 : vector<1024x512xf32>
    %max3A_48 = arith.constant 0.000000e+00 : f32
    %max3A_49 = vector.broadcast %max3A_48 : f32 to vector<1024x512xf32>
    %max3A_50 = arith.maximumf %sub3A_47, %max3A_49 : vector<1024x512xf32>
    %sub3A_51 = arith.subf %min3A_46, %max3A_41 : vector<1024x512xf32>
    %max3A_52 = arith.constant 0.000000e+00 : f32
    %max3A_53 = vector.broadcast %max3A_52 : f32 to vector<1024x512xf32>
    %max3A_54 = arith.maximumf %sub3A_51, %max3A_53 : vector<1024x512xf32>
    %mul3A_55 = arith.mulf %max3A_50, %max3A_54 : vector<1024x512xf32>
    %add3A_56 = vector.broadcast %mul3A : vector<1024x1xf32> to vector<1024x512xf32>
    %add3A_57 = vector.broadcast %mul3A_36 : vector<1x512xf32> to vector<1024x512xf32>
    %add3A_58 = arith.addf %add3A_56, %add3A_57 : vector<1024x512xf32>
    %sub3A_59 = arith.subf %add3A_58, %mul3A_55 : vector<1024x512xf32>
    %div3A = arith.divf %mul3A_55, %sub3A_59 : vector<1024x512xf32>
    %iota3A_60 = tpu.iota {dimensions = array<i32: 1>} : vector<1x512xi32>
    %add3A_61 = arith.constant 0 : i32
    %add3A_62 = vector.broadcast %add3A_61 : i32 to vector<1x512xi32>
    %add3A_63 = arith.addi %iota3A_60, %add3A_62 : vector<1x512xi32>
    %gt3A = vector.broadcast %get3A_33 : vector<1x512xf32> to vector<1024x512xf32>
    %gt3A_64 = vector.broadcast %get3A_13 : vector<1024x1xf32> to vector<1024x512xf32>
    %gt3A_65 = arith.cmpf ogt, %gt3A, %gt3A_64 : vector<1024x512xf32>
    %eq3A = vector.broadcast %get3A_33 : vector<1x512xf32> to vector<1024x512xf32>
    %eq3A_66 = vector.broadcast %get3A_13 : vector<1024x1xf32> to vector<1024x512xf32>
    %eq3A_67 = arith.cmpf oeq, %eq3A, %eq3A_66 : vector<1024x512xf32>
    %lt3A = vector.broadcast %add3A_63 : vector<1x512xi32> to vector<1024x512xi32>
    %lt3A_68 = vector.broadcast %add3A_17 : vector<1024x1xi32> to vector<1024x512xi32>
    %lt3A_69 = arith.cmpi slt, %lt3A, %lt3A_68 : vector<1024x512xi32>
    %and3A = arith.andi %eq3A_67, %lt3A_69 : vector<1024x512xi1>
    %or3A = arith.ori %gt3A_65, %and3A : vector<1024x512xi1>
    %jit3A = arith.constant 0.000000e+00 : f32
    %broadcast_in_dim3A_70 = vector.broadcast %jit3A : f32 to vector<1024x512xf32>
    %select_n3A = arith.select %or3A, %div3A, %broadcast_in_dim3A_70 : vector<1024x512xi1>, vector<1024x512xf32>
    %reduce_max3A = arith.constant dense<0xFF800000> : vector<1024xf32>
    %reduce_max3A_71 = vector.multi_reduction <maximumf>, %select_n3A, %reduce_max3A [1] : vector<1024x512xf32> to vector<1024xf32>
    %broadcast_in_dim3A_72 = vector.shape_cast %reduce_max3A_71 : vector<1024xf32> to vector<1024x1xf32>
    %max3A_73 = arith.maximumf %broadcast_in_dim3A_18, %broadcast_in_dim3A_72 : vector<1024x1xf32>
    %get3A_74 = arith.constant 0 : index
    %get3A_75 = arith.constant 512 : index
    %get3A_76 = vector.load %arg1[%get3A_74, %get3A_75] : memref<8x5120xf32, #tpu.memory_space<vmem>>, vector<1x512xf32>
    %get3A_77 = arith.constant 1 : index
    %get3A_78 = arith.constant 512 : index
    %get3A_79 = vector.load %arg1[%get3A_77, %get3A_78] : memref<8x5120xf32, #tpu.memory_space<vmem>>, vector<1x512xf32>
    %get3A_80 = arith.constant 2 : index
    %get3A_81 = arith.constant 512 : index
    %get3A_82 = vector.load %arg1[%get3A_80, %get3A_81] : memref<8x5120xf32, #tpu.memory_space<vmem>>, vector<1x512xf32>
    %get3A_83 = arith.constant 3 : index
    %get3A_84 = arith.constant 512 : index
    %get3A_85 = vector.load %arg1[%get3A_83, %get3A_84] : memref<8x5120xf32, #tpu.memory_space<vmem>>, vector<1x512xf32>
    %get3A_86 = arith.constant 4 : index
    %get3A_87 = arith.constant 512 : index
    %get3A_88 = vector.load %arg1[%get3A_86, %get3A_87] : memref<8x5120xf32, #tpu.memory_space<vmem>>, vector<1x512xf32>
    %sub3A_89 = arith.subf %get3A_82, %get3A_76 : vector<1x512xf32>
    %sub3A_90 = arith.subf %get3A_85, %get3A_79 : vector<1x512xf32>
    %mul3A_91 = arith.mulf %sub3A_89, %sub3A_90 : vector<1x512xf32>
    %max3A_92 = vector.broadcast %get3A_1 : vector<1024x1xf32> to vector<1024x512xf32>
    %max3A_93 = vector.broadcast %get3A_76 : vector<1x512xf32> to vector<1024x512xf32>
    %max3A_94 = arith.maximumf %max3A_92, %max3A_93 : vector<1024x512xf32>
    %max3A_95 = vector.broadcast %get3A_4 : vector<1024x1xf32> to vector<1024x512xf32>
    %max3A_96 = vector.broadcast %get3A_79 : vector<1x512xf32> to vector<1024x512xf32>
    %max3A_97 = arith.maximumf %max3A_95, %max3A_96 : vector<1024x512xf32>
    %min3A_98 = vector.broadcast %get3A_7 : vector<1024x1xf32> to vector<1024x512xf32>
    %min3A_99 = vector.broadcast %get3A_82 : vector<1x512xf32> to vector<1024x512xf32>
    %min3A_100 = arith.minimumf %min3A_98, %min3A_99 : vector<1024x512xf32>
    %min3A_101 = vector.broadcast %get3A_10 : vector<1024x1xf32> to vector<1024x512xf32>
    %min3A_102 = vector.broadcast %get3A_85 : vector<1x512xf32> to vector<1024x512xf32>
    %min3A_103 = arith.minimumf %min3A_101, %min3A_102 : vector<1024x512xf32>
    %sub3A_104 = arith.subf %min3A_100, %max3A_94 : vector<1024x512xf32>
    %max3A_105 = arith.constant 0.000000e+00 : f32
    %max3A_106 = vector.broadcast %max3A_105 : f32 to vector<1024x512xf32>
    %max3A_107 = arith.maximumf %sub3A_104, %max3A_106 : vector<1024x512xf32>
    %sub3A_108 = arith.subf %min3A_103, %max3A_97 : vector<1024x512xf32>
    %max3A_109 = arith.constant 0.000000e+00 : f32
    %max3A_110 = vector.broadcast %max3A_109 : f32 to vector<1024x512xf32>
    %max3A_111 = arith.maximumf %sub3A_108, %max3A_110 : vector<1024x512xf32>
    %mul3A_112 = arith.mulf %max3A_107, %max3A_111 : vector<1024x512xf32>
    %add3A_113 = vector.broadcast %mul3A : vector<1024x1xf32> to vector<1024x512xf32>
    %add3A_114 = vector.broadcast %mul3A_91 : vector<1x512xf32> to vector<1024x512xf32>
    %add3A_115 = arith.addf %add3A_113, %add3A_114 : vector<1024x512xf32>
    %sub3A_116 = arith.subf %add3A_115, %mul3A_112 : vector<1024x512xf32>
    %div3A_117 = arith.divf %mul3A_112, %sub3A_116 : vector<1024x512xf32>
    %iota3A_118 = tpu.iota {dimensions = array<i32: 1>} : vector<1x512xi32>
    %add3A_119 = arith.constant 512 : i32
    %add3A_120 = vector.broadcast %add3A_119 : i32 to vector<1x512xi32>
    %add3A_121 = arith.addi %iota3A_118, %add3A_120 : vector<1x512xi32>
    %gt3A_122 = vector.broadcast %get3A_88 : vector<1x512xf32> to vector<1024x512xf32>
    %gt3A_123 = vector.broadcast %get3A_13 : vector<1024x1xf32> to vector<1024x512xf32>
    %gt3A_124 = arith.cmpf ogt, %gt3A_122, %gt3A_123 : vector<1024x512xf32>
    %eq3A_125 = vector.broadcast %get3A_88 : vector<1x512xf32> to vector<1024x512xf32>
    %eq3A_126 = vector.broadcast %get3A_13 : vector<1024x1xf32> to vector<1024x512xf32>
    %eq3A_127 = arith.cmpf oeq, %eq3A_125, %eq3A_126 : vector<1024x512xf32>
    %lt3A_128 = vector.broadcast %add3A_121 : vector<1x512xi32> to vector<1024x512xi32>
    %lt3A_129 = vector.broadcast %add3A_17 : vector<1024x1xi32> to vector<1024x512xi32>
    %lt3A_130 = arith.cmpi slt, %lt3A_128, %lt3A_129 : vector<1024x512xi32>
    %and3A_131 = arith.andi %eq3A_127, %lt3A_130 : vector<1024x512xi1>
    %or3A_132 = arith.ori %gt3A_124, %and3A_131 : vector<1024x512xi1>
    %jit3A_133 = arith.constant 0.000000e+00 : f32
    %broadcast_in_dim3A_134 = vector.broadcast %jit3A_133 : f32 to vector<1024x512xf32>
    %select_n3A_135 = arith.select %or3A_132, %div3A_117, %broadcast_in_dim3A_134 : vector<1024x512xi1>, vector<1024x512xf32>
    %reduce_max3A_136 = arith.constant dense<0xFF800000> : vector<1024xf32>
    %reduce_max3A_137 = vector.multi_reduction <maximumf>, %select_n3A_135, %reduce_max3A_136 [1] : vector<1024x512xf32> to vector<1024xf32>
    %broadcast_in_dim3A_138 = vector.shape_cast %reduce_max3A_137 : vector<1024xf32> to vector<1024x1xf32>
    %max3A_139 = arith.maximumf %max3A_73, %broadcast_in_dim3A_138 : vector<1024x1xf32>
    %get3A_140 = arith.constant 0 : index
    %get3A_141 = arith.constant 1024 : index
    %get3A_142 = vector.load %arg1[%get3A_140, %get3A_141] : memref<8x5120xf32, #tpu.memory_space<vmem>>, vector<1x512xf32>
    %get3A_143 = arith.constant 1 : index
    %get3A_144 = arith.constant 1024 : index
    %get3A_145 = vector.load %arg1[%get3A_143, %get3A_144] : memref<8x5120xf32, #tpu.memory_space<vmem>>, vector<1x512xf32>
    %get3A_146 = arith.constant 2 : index
    %get3A_147 = arith.constant 1024 : index
    %get3A_148 = vector.load %arg1[%get3A_146, %get3A_147] : memref<8x5120xf32, #tpu.memory_space<vmem>>, vector<1x512xf32>
    %get3A_149 = arith.constant 3 : index
    %get3A_150 = arith.constant 1024 : index
    %get3A_151 = vector.load %arg1[%get3A_149, %get3A_150] : memref<8x5120xf32, #tpu.memory_space<vmem>>, vector<1x512xf32>
    %get3A_152 = arith.constant 4 : index
    %get3A_153 = arith.constant 1024 : index
    %get3A_154 = vector.load %arg1[%get3A_152, %get3A_153] : memref<8x5120xf32, #tpu.memory_space<vmem>>, vector<1x512xf32>
    %sub3A_155 = arith.subf %get3A_148, %get3A_142 : vector<1x512xf32>
    %sub3A_156 = arith.subf %get3A_151, %get3A_145 : vector<1x512xf32>
    %mul3A_157 = arith.mulf %sub3A_155, %sub3A_156 : vector<1x512xf32>
    %max3A_158 = vector.broadcast %get3A_1 : vector<1024x1xf32> to vector<1024x512xf32>
    %max3A_159 = vector.broadcast %get3A_142 : vector<1x512xf32> to vector<1024x512xf32>
    %max3A_160 = arith.maximumf %max3A_158, %max3A_159 : vector<1024x512xf32>
    %max3A_161 = vector.broadcast %get3A_4 : vector<1024x1xf32> to vector<1024x512xf32>
    %max3A_162 = vector.broadcast %get3A_145 : vector<1x512xf32> to vector<1024x512xf32>
    %max3A_163 = arith.maximumf %max3A_161, %max3A_162 : vector<1024x512xf32>
    %min3A_164 = vector.broadcast %get3A_7 : vector<1024x1xf32> to vector<1024x512xf32>
    %min3A_165 = vector.broadcast %get3A_148 : vector<1x512xf32> to vector<1024x512xf32>
    %min3A_166 = arith.minimumf %min3A_164, %min3A_165 : vector<1024x512xf32>
    %min3A_167 = vector.broadcast %get3A_10 : vector<1024x1xf32> to vector<1024x512xf32>
    %min3A_168 = vector.broadcast %get3A_151 : vector<1x512xf32> to vector<1024x512xf32>
    %min3A_169 = arith.minimumf %min3A_167, %min3A_168 : vector<1024x512xf32>
    %sub3A_170 = arith.subf %min3A_166, %max3A_160 : vector<1024x512xf32>
    %max3A_171 = arith.constant 0.000000e+00 : f32
    %max3A_172 = vector.broadcast %max3A_171 : f32 to vector<1024x512xf32>
    %max3A_173 = arith.maximumf %sub3A_170, %max3A_172 : vector<1024x512xf32>
    %sub3A_174 = arith.subf %min3A_169, %max3A_163 : vector<1024x512xf32>
    %max3A_175 = arith.constant 0.000000e+00 : f32
    %max3A_176 = vector.broadcast %max3A_175 : f32 to vector<1024x512xf32>
    %max3A_177 = arith.maximumf %sub3A_174, %max3A_176 : vector<1024x512xf32>
    %mul3A_178 = arith.mulf %max3A_173, %max3A_177 : vector<1024x512xf32>
    %add3A_179 = vector.broadcast %mul3A : vector<1024x1xf32> to vector<1024x512xf32>
    %add3A_180 = vector.broadcast %mul3A_157 : vector<1x512xf32> to vector<1024x512xf32>
    %add3A_181 = arith.addf %add3A_179, %add3A_180 : vector<1024x512xf32>
    %sub3A_182 = arith.subf %add3A_181, %mul3A_178 : vector<1024x512xf32>
    %div3A_183 = arith.divf %mul3A_178, %sub3A_182 : vector<1024x512xf32>
    %iota3A_184 = tpu.iota {dimensions = array<i32: 1>} : vector<1x512xi32>
    %add3A_185 = arith.constant 1024 : i32
    %add3A_186 = vector.broadcast %add3A_185 : i32 to vector<1x512xi32>
    %add3A_187 = arith.addi %iota3A_184, %add3A_186 : vector<1x512xi32>
    %gt3A_188 = vector.broadcast %get3A_154 : vector<1x512xf32> to vector<1024x512xf32>
    %gt3A_189 = vector.broadcast %get3A_13 : vector<1024x1xf32> to vector<1024x512xf32>
    %gt3A_190 = arith.cmpf ogt, %gt3A_188, %gt3A_189 : vector<1024x512xf32>
    %eq3A_191 = vector.broadcast %get3A_154 : vector<1x512xf32> to vector<1024x512xf32>
    %eq3A_192 = vector.broadcast %get3A_13 : vector<1024x1xf32> to vector<1024x512xf32>
    %eq3A_193 = arith.cmpf oeq, %eq3A_191, %eq3A_192 : vector<1024x512xf32>
    %lt3A_194 = vector.broadcast %add3A_187 : vector<1x512xi32> to vector<1024x512xi32>
    %lt3A_195 = vector.broadcast %add3A_17 : vector<1024x1xi32> to vector<1024x512xi32>
    %lt3A_196 = arith.cmpi slt, %lt3A_194, %lt3A_195 : vector<1024x512xi32>
    %and3A_197 = arith.andi %eq3A_193, %lt3A_196 : vector<1024x512xi1>
    %or3A_198 = arith.ori %gt3A_190, %and3A_197 : vector<1024x512xi1>
    %jit3A_199 = arith.constant 0.000000e+00 : f32
    %broadcast_in_dim3A_200 = vector.broadcast %jit3A_199 : f32 to vector<1024x512xf32>
    %select_n3A_201 = arith.select %or3A_198, %div3A_183, %broadcast_in_dim3A_200 : vector<1024x512xi1>, vector<1024x512xf32>
    %reduce_max3A_202 = arith.constant dense<0xFF800000> : vector<1024xf32>
    %reduce_max3A_203 = vector.multi_reduction <maximumf>, %select_n3A_201, %reduce_max3A_202 [1] : vector<1024x512xf32> to vector<1024xf32>
    %broadcast_in_dim3A_204 = vector.shape_cast %reduce_max3A_203 : vector<1024xf32> to vector<1024x1xf32>
    %max3A_205 = arith.maximumf %max3A_139, %broadcast_in_dim3A_204 : vector<1024x1xf32>
    %get3A_206 = arith.constant 0 : index
    %get3A_207 = arith.constant 1536 : index
    %get3A_208 = vector.load %arg1[%get3A_206, %get3A_207] : memref<8x5120xf32, #tpu.memory_space<vmem>>, vector<1x512xf32>
    %get3A_209 = arith.constant 1 : index
    %get3A_210 = arith.constant 1536 : index
    %get3A_211 = vector.load %arg1[%get3A_209, %get3A_210] : memref<8x5120xf32, #tpu.memory_space<vmem>>, vector<1x512xf32>
    %get3A_212 = arith.constant 2 : index
    %get3A_213 = arith.constant 1536 : index
    %get3A_214 = vector.load %arg1[%get3A_212, %get3A_213] : memref<8x5120xf32, #tpu.memory_space<vmem>>, vector<1x512xf32>
    %get3A_215 = arith.constant 3 : index
    %get3A_216 = arith.constant 1536 : index
    %get3A_217 = vector.load %arg1[%get3A_215, %get3A_216] : memref<8x5120xf32, #tpu.memory_space<vmem>>, vector<1x512xf32>
    %get3A_218 = arith.constant 4 : index
    %get3A_219 = arith.constant 1536 : index
    %get3A_220 = vector.load %arg1[%get3A_218, %get3A_219] : memref<8x5120xf32, #tpu.memory_space<vmem>>, vector<1x512xf32>
    %sub3A_221 = arith.subf %get3A_214, %get3A_208 : vector<1x512xf32>
    %sub3A_222 = arith.subf %get3A_217, %get3A_211 : vector<1x512xf32>
    %mul3A_223 = arith.mulf %sub3A_221, %sub3A_222 : vector<1x512xf32>
    %max3A_224 = vector.broadcast %get3A_1 : vector<1024x1xf32> to vector<1024x512xf32>
    %max3A_225 = vector.broadcast %get3A_208 : vector<1x512xf32> to vector<1024x512xf32>
    %max3A_226 = arith.maximumf %max3A_224, %max3A_225 : vector<1024x512xf32>
    %max3A_227 = vector.broadcast %get3A_4 : vector<1024x1xf32> to vector<1024x512xf32>
    %max3A_228 = vector.broadcast %get3A_211 : vector<1x512xf32> to vector<1024x512xf32>
    %max3A_229 = arith.maximumf %max3A_227, %max3A_228 : vector<1024x512xf32>
    %min3A_230 = vector.broadcast %get3A_7 : vector<1024x1xf32> to vector<1024x512xf32>
    %min3A_231 = vector.broadcast %get3A_214 : vector<1x512xf32> to vector<1024x512xf32>
    %min3A_232 = arith.minimumf %min3A_230, %min3A_231 : vector<1024x512xf32>
    %min3A_233 = vector.broadcast %get3A_10 : vector<1024x1xf32> to vector<1024x512xf32>
    %min3A_234 = vector.broadcast %get3A_217 : vector<1x512xf32> to vector<1024x512xf32>
    %min3A_235 = arith.minimumf %min3A_233, %min3A_234 : vector<1024x512xf32>
    %sub3A_236 = arith.subf %min3A_232, %max3A_226 : vector<1024x512xf32>
    %max3A_237 = arith.constant 0.000000e+00 : f32
    %max3A_238 = vector.broadcast %max3A_237 : f32 to vector<1024x512xf32>
    %max3A_239 = arith.maximumf %sub3A_236, %max3A_238 : vector<1024x512xf32>
    %sub3A_240 = arith.subf %min3A_235, %max3A_229 : vector<1024x512xf32>
    %max3A_241 = arith.constant 0.000000e+00 : f32
    %max3A_242 = vector.broadcast %max3A_241 : f32 to vector<1024x512xf32>
    %max3A_243 = arith.maximumf %sub3A_240, %max3A_242 : vector<1024x512xf32>
    %mul3A_244 = arith.mulf %max3A_239, %max3A_243 : vector<1024x512xf32>
    %add3A_245 = vector.broadcast %mul3A : vector<1024x1xf32> to vector<1024x512xf32>
    %add3A_246 = vector.broadcast %mul3A_223 : vector<1x512xf32> to vector<1024x512xf32>
    %add3A_247 = arith.addf %add3A_245, %add3A_246 : vector<1024x512xf32>
    %sub3A_248 = arith.subf %add3A_247, %mul3A_244 : vector<1024x512xf32>
    %div3A_249 = arith.divf %mul3A_244, %sub3A_248 : vector<1024x512xf32>
    %iota3A_250 = tpu.iota {dimensions = array<i32: 1>} : vector<1x512xi32>
    %add3A_251 = arith.constant 1536 : i32
    %add3A_252 = vector.broadcast %add3A_251 : i32 to vector<1x512xi32>
    %add3A_253 = arith.addi %iota3A_250, %add3A_252 : vector<1x512xi32>
    %gt3A_254 = vector.broadcast %get3A_220 : vector<1x512xf32> to vector<1024x512xf32>
    %gt3A_255 = vector.broadcast %get3A_13 : vector<1024x1xf32> to vector<1024x512xf32>
    %gt3A_256 = arith.cmpf ogt, %gt3A_254, %gt3A_255 : vector<1024x512xf32>
    %eq3A_257 = vector.broadcast %get3A_220 : vector<1x512xf32> to vector<1024x512xf32>
    %eq3A_258 = vector.broadcast %get3A_13 : vector<1024x1xf32> to vector<1024x512xf32>
    %eq3A_259 = arith.cmpf oeq, %eq3A_257, %eq3A_258 : vector<1024x512xf32>
    %lt3A_260 = vector.broadcast %add3A_253 : vector<1x512xi32> to vector<1024x512xi32>
    %lt3A_261 = vector.broadcast %add3A_17 : vector<1024x1xi32> to vector<1024x512xi32>
    %lt3A_262 = arith.cmpi slt, %lt3A_260, %lt3A_261 : vector<1024x512xi32>
    %and3A_263 = arith.andi %eq3A_259, %lt3A_262 : vector<1024x512xi1>
    %or3A_264 = arith.ori %gt3A_256, %and3A_263 : vector<1024x512xi1>
    %jit3A_265 = arith.constant 0.000000e+00 : f32
    %broadcast_in_dim3A_266 = vector.broadcast %jit3A_265 : f32 to vector<1024x512xf32>
    %select_n3A_267 = arith.select %or3A_264, %div3A_249, %broadcast_in_dim3A_266 : vector<1024x512xi1>, vector<1024x512xf32>
    %reduce_max3A_268 = arith.constant dense<0xFF800000> : vector<1024xf32>
    %reduce_max3A_269 = vector.multi_reduction <maximumf>, %select_n3A_267, %reduce_max3A_268 [1] : vector<1024x512xf32> to vector<1024xf32>
    %broadcast_in_dim3A_270 = vector.shape_cast %reduce_max3A_269 : vector<1024xf32> to vector<1024x1xf32>
    %max3A_271 = arith.maximumf %max3A_205, %broadcast_in_dim3A_270 : vector<1024x1xf32>
    %get3A_272 = arith.constant 0 : index
    %get3A_273 = arith.constant 2048 : index
    %get3A_274 = vector.load %arg1[%get3A_272, %get3A_273] : memref<8x5120xf32, #tpu.memory_space<vmem>>, vector<1x512xf32>
    %get3A_275 = arith.constant 1 : index
    %get3A_276 = arith.constant 2048 : index
    %get3A_277 = vector.load %arg1[%get3A_275, %get3A_276] : memref<8x5120xf32, #tpu.memory_space<vmem>>, vector<1x512xf32>
    %get3A_278 = arith.constant 2 : index
    %get3A_279 = arith.constant 2048 : index
    %get3A_280 = vector.load %arg1[%get3A_278, %get3A_279] : memref<8x5120xf32, #tpu.memory_space<vmem>>, vector<1x512xf32>
    %get3A_281 = arith.constant 3 : index
    %get3A_282 = arith.constant 2048 : index
    %get3A_283 = vector.load %arg1[%get3A_281, %get3A_282] : memref<8x5120xf32, #tpu.memory_space<vmem>>, vector<1x512xf32>
    %get3A_284 = arith.constant 4 : index
    %get3A_285 = arith.constant 2048 : index
    %get3A_286 = vector.load %arg1[%get3A_284, %get3A_285] : memref<8x5120xf32, #tpu.memory_space<vmem>>, vector<1x512xf32>
    %sub3A_287 = arith.subf %get3A_280, %get3A_274 : vector<1x512xf32>
    %sub3A_288 = arith.subf %get3A_283, %get3A_277 : vector<1x512xf32>
    %mul3A_289 = arith.mulf %sub3A_287, %sub3A_288 : vector<1x512xf32>
    %max3A_290 = vector.broadcast %get3A_1 : vector<1024x1xf32> to vector<1024x512xf32>
    %max3A_291 = vector.broadcast %get3A_274 : vector<1x512xf32> to vector<1024x512xf32>
    %max3A_292 = arith.maximumf %max3A_290, %max3A_291 : vector<1024x512xf32>
    %max3A_293 = vector.broadcast %get3A_4 : vector<1024x1xf32> to vector<1024x512xf32>
    %max3A_294 = vector.broadcast %get3A_277 : vector<1x512xf32> to vector<1024x512xf32>
    %max3A_295 = arith.maximumf %max3A_293, %max3A_294 : vector<1024x512xf32>
    %min3A_296 = vector.broadcast %get3A_7 : vector<1024x1xf32> to vector<1024x512xf32>
    %min3A_297 = vector.broadcast %get3A_280 : vector<1x512xf32> to vector<1024x512xf32>
    %min3A_298 = arith.minimumf %min3A_296, %min3A_297 : vector<1024x512xf32>
    %min3A_299 = vector.broadcast %get3A_10 : vector<1024x1xf32> to vector<1024x512xf32>
    %min3A_300 = vector.broadcast %get3A_283 : vector<1x512xf32> to vector<1024x512xf32>
    %min3A_301 = arith.minimumf %min3A_299, %min3A_300 : vector<1024x512xf32>
    %sub3A_302 = arith.subf %min3A_298, %max3A_292 : vector<1024x512xf32>
    %max3A_303 = arith.constant 0.000000e+00 : f32
    %max3A_304 = vector.broadcast %max3A_303 : f32 to vector<1024x512xf32>
    %max3A_305 = arith.maximumf %sub3A_302, %max3A_304 : vector<1024x512xf32>
    %sub3A_306 = arith.subf %min3A_301, %max3A_295 : vector<1024x512xf32>
    %max3A_307 = arith.constant 0.000000e+00 : f32
    %max3A_308 = vector.broadcast %max3A_307 : f32 to vector<1024x512xf32>
    %max3A_309 = arith.maximumf %sub3A_306, %max3A_308 : vector<1024x512xf32>
    %mul3A_310 = arith.mulf %max3A_305, %max3A_309 : vector<1024x512xf32>
    %add3A_311 = vector.broadcast %mul3A : vector<1024x1xf32> to vector<1024x512xf32>
    %add3A_312 = vector.broadcast %mul3A_289 : vector<1x512xf32> to vector<1024x512xf32>
    %add3A_313 = arith.addf %add3A_311, %add3A_312 : vector<1024x512xf32>
    %sub3A_314 = arith.subf %add3A_313, %mul3A_310 : vector<1024x512xf32>
    %div3A_315 = arith.divf %mul3A_310, %sub3A_314 : vector<1024x512xf32>
    %iota3A_316 = tpu.iota {dimensions = array<i32: 1>} : vector<1x512xi32>
    %add3A_317 = arith.constant 2048 : i32
    %add3A_318 = vector.broadcast %add3A_317 : i32 to vector<1x512xi32>
    %add3A_319 = arith.addi %iota3A_316, %add3A_318 : vector<1x512xi32>
    %gt3A_320 = vector.broadcast %get3A_286 : vector<1x512xf32> to vector<1024x512xf32>
    %gt3A_321 = vector.broadcast %get3A_13 : vector<1024x1xf32> to vector<1024x512xf32>
    %gt3A_322 = arith.cmpf ogt, %gt3A_320, %gt3A_321 : vector<1024x512xf32>
    %eq3A_323 = vector.broadcast %get3A_286 : vector<1x512xf32> to vector<1024x512xf32>
    %eq3A_324 = vector.broadcast %get3A_13 : vector<1024x1xf32> to vector<1024x512xf32>
    %eq3A_325 = arith.cmpf oeq, %eq3A_323, %eq3A_324 : vector<1024x512xf32>
    %lt3A_326 = vector.broadcast %add3A_319 : vector<1x512xi32> to vector<1024x512xi32>
    %lt3A_327 = vector.broadcast %add3A_17 : vector<1024x1xi32> to vector<1024x512xi32>
    %lt3A_328 = arith.cmpi slt, %lt3A_326, %lt3A_327 : vector<1024x512xi32>
    %and3A_329 = arith.andi %eq3A_325, %lt3A_328 : vector<1024x512xi1>
    %or3A_330 = arith.ori %gt3A_322, %and3A_329 : vector<1024x512xi1>
    %jit3A_331 = arith.constant 0.000000e+00 : f32
    %broadcast_in_dim3A_332 = vector.broadcast %jit3A_331 : f32 to vector<1024x512xf32>
    %select_n3A_333 = arith.select %or3A_330, %div3A_315, %broadcast_in_dim3A_332 : vector<1024x512xi1>, vector<1024x512xf32>
    %reduce_max3A_334 = arith.constant dense<0xFF800000> : vector<1024xf32>
    %reduce_max3A_335 = vector.multi_reduction <maximumf>, %select_n3A_333, %reduce_max3A_334 [1] : vector<1024x512xf32> to vector<1024xf32>
    %broadcast_in_dim3A_336 = vector.shape_cast %reduce_max3A_335 : vector<1024xf32> to vector<1024x1xf32>
    %max3A_337 = arith.maximumf %max3A_271, %broadcast_in_dim3A_336 : vector<1024x1xf32>
    %get3A_338 = arith.constant 0 : index
    %get3A_339 = arith.constant 2560 : index
    %get3A_340 = vector.load %arg1[%get3A_338, %get3A_339] : memref<8x5120xf32, #tpu.memory_space<vmem>>, vector<1x512xf32>
    %get3A_341 = arith.constant 1 : index
    %get3A_342 = arith.constant 2560 : index
    %get3A_343 = vector.load %arg1[%get3A_341, %get3A_342] : memref<8x5120xf32, #tpu.memory_space<vmem>>, vector<1x512xf32>
    %get3A_344 = arith.constant 2 : index
    %get3A_345 = arith.constant 2560 : index
    %get3A_346 = vector.load %arg1[%get3A_344, %get3A_345] : memref<8x5120xf32, #tpu.memory_space<vmem>>, vector<1x512xf32>
    %get3A_347 = arith.constant 3 : index
    %get3A_348 = arith.constant 2560 : index
    %get3A_349 = vector.load %arg1[%get3A_347, %get3A_348] : memref<8x5120xf32, #tpu.memory_space<vmem>>, vector<1x512xf32>
    %get3A_350 = arith.constant 4 : index
    %get3A_351 = arith.constant 2560 : index
    %get3A_352 = vector.load %arg1[%get3A_350, %get3A_351] : memref<8x5120xf32, #tpu.memory_space<vmem>>, vector<1x512xf32>
    %sub3A_353 = arith.subf %get3A_346, %get3A_340 : vector<1x512xf32>
    %sub3A_354 = arith.subf %get3A_349, %get3A_343 : vector<1x512xf32>
    %mul3A_355 = arith.mulf %sub3A_353, %sub3A_354 : vector<1x512xf32>
    %max3A_356 = vector.broadcast %get3A_1 : vector<1024x1xf32> to vector<1024x512xf32>
    %max3A_357 = vector.broadcast %get3A_340 : vector<1x512xf32> to vector<1024x512xf32>
    %max3A_358 = arith.maximumf %max3A_356, %max3A_357 : vector<1024x512xf32>
    %max3A_359 = vector.broadcast %get3A_4 : vector<1024x1xf32> to vector<1024x512xf32>
    %max3A_360 = vector.broadcast %get3A_343 : vector<1x512xf32> to vector<1024x512xf32>
    %max3A_361 = arith.maximumf %max3A_359, %max3A_360 : vector<1024x512xf32>
    %min3A_362 = vector.broadcast %get3A_7 : vector<1024x1xf32> to vector<1024x512xf32>
    %min3A_363 = vector.broadcast %get3A_346 : vector<1x512xf32> to vector<1024x512xf32>
    %min3A_364 = arith.minimumf %min3A_362, %min3A_363 : vector<1024x512xf32>
    %min3A_365 = vector.broadcast %get3A_10 : vector<1024x1xf32> to vector<1024x512xf32>
    %min3A_366 = vector.broadcast %get3A_349 : vector<1x512xf32> to vector<1024x512xf32>
    %min3A_367 = arith.minimumf %min3A_365, %min3A_366 : vector<1024x512xf32>
    %sub3A_368 = arith.subf %min3A_364, %max3A_358 : vector<1024x512xf32>
    %max3A_369 = arith.constant 0.000000e+00 : f32
    %max3A_370 = vector.broadcast %max3A_369 : f32 to vector<1024x512xf32>
    %max3A_371 = arith.maximumf %sub3A_368, %max3A_370 : vector<1024x512xf32>
    %sub3A_372 = arith.subf %min3A_367, %max3A_361 : vector<1024x512xf32>
    %max3A_373 = arith.constant 0.000000e+00 : f32
    %max3A_374 = vector.broadcast %max3A_373 : f32 to vector<1024x512xf32>
    %max3A_375 = arith.maximumf %sub3A_372, %max3A_374 : vector<1024x512xf32>
    %mul3A_376 = arith.mulf %max3A_371, %max3A_375 : vector<1024x512xf32>
    %add3A_377 = vector.broadcast %mul3A : vector<1024x1xf32> to vector<1024x512xf32>
    %add3A_378 = vector.broadcast %mul3A_355 : vector<1x512xf32> to vector<1024x512xf32>
    %add3A_379 = arith.addf %add3A_377, %add3A_378 : vector<1024x512xf32>
    %sub3A_380 = arith.subf %add3A_379, %mul3A_376 : vector<1024x512xf32>
    %div3A_381 = arith.divf %mul3A_376, %sub3A_380 : vector<1024x512xf32>
    %iota3A_382 = tpu.iota {dimensions = array<i32: 1>} : vector<1x512xi32>
    %add3A_383 = arith.constant 2560 : i32
    %add3A_384 = vector.broadcast %add3A_383 : i32 to vector<1x512xi32>
    %add3A_385 = arith.addi %iota3A_382, %add3A_384 : vector<1x512xi32>
    %gt3A_386 = vector.broadcast %get3A_352 : vector<1x512xf32> to vector<1024x512xf32>
    %gt3A_387 = vector.broadcast %get3A_13 : vector<1024x1xf32> to vector<1024x512xf32>
    %gt3A_388 = arith.cmpf ogt, %gt3A_386, %gt3A_387 : vector<1024x512xf32>
    %eq3A_389 = vector.broadcast %get3A_352 : vector<1x512xf32> to vector<1024x512xf32>
    %eq3A_390 = vector.broadcast %get3A_13 : vector<1024x1xf32> to vector<1024x512xf32>
    %eq3A_391 = arith.cmpf oeq, %eq3A_389, %eq3A_390 : vector<1024x512xf32>
    %lt3A_392 = vector.broadcast %add3A_385 : vector<1x512xi32> to vector<1024x512xi32>
    %lt3A_393 = vector.broadcast %add3A_17 : vector<1024x1xi32> to vector<1024x512xi32>
    %lt3A_394 = arith.cmpi slt, %lt3A_392, %lt3A_393 : vector<1024x512xi32>
    %and3A_395 = arith.andi %eq3A_391, %lt3A_394 : vector<1024x512xi1>
    %or3A_396 = arith.ori %gt3A_388, %and3A_395 : vector<1024x512xi1>
    %jit3A_397 = arith.constant 0.000000e+00 : f32
    %broadcast_in_dim3A_398 = vector.broadcast %jit3A_397 : f32 to vector<1024x512xf32>
    %select_n3A_399 = arith.select %or3A_396, %div3A_381, %broadcast_in_dim3A_398 : vector<1024x512xi1>, vector<1024x512xf32>
    %reduce_max3A_400 = arith.constant dense<0xFF800000> : vector<1024xf32>
    %reduce_max3A_401 = vector.multi_reduction <maximumf>, %select_n3A_399, %reduce_max3A_400 [1] : vector<1024x512xf32> to vector<1024xf32>
    %broadcast_in_dim3A_402 = vector.shape_cast %reduce_max3A_401 : vector<1024xf32> to vector<1024x1xf32>
    %max3A_403 = arith.maximumf %max3A_337, %broadcast_in_dim3A_402 : vector<1024x1xf32>
    %get3A_404 = arith.constant 0 : index
    %get3A_405 = arith.constant 3072 : index
    %get3A_406 = vector.load %arg1[%get3A_404, %get3A_405] : memref<8x5120xf32, #tpu.memory_space<vmem>>, vector<1x512xf32>
    %get3A_407 = arith.constant 1 : index
    %get3A_408 = arith.constant 3072 : index
    %get3A_409 = vector.load %arg1[%get3A_407, %get3A_408] : memref<8x5120xf32, #tpu.memory_space<vmem>>, vector<1x512xf32>
    %get3A_410 = arith.constant 2 : index
    %get3A_411 = arith.constant 3072 : index
    %get3A_412 = vector.load %arg1[%get3A_410, %get3A_411] : memref<8x5120xf32, #tpu.memory_space<vmem>>, vector<1x512xf32>
    %get3A_413 = arith.constant 3 : index
    %get3A_414 = arith.constant 3072 : index
    %get3A_415 = vector.load %arg1[%get3A_413, %get3A_414] : memref<8x5120xf32, #tpu.memory_space<vmem>>, vector<1x512xf32>
    %get3A_416 = arith.constant 4 : index
    %get3A_417 = arith.constant 3072 : index
    %get3A_418 = vector.load %arg1[%get3A_416, %get3A_417] : memref<8x5120xf32, #tpu.memory_space<vmem>>, vector<1x512xf32>
    %sub3A_419 = arith.subf %get3A_412, %get3A_406 : vector<1x512xf32>
    %sub3A_420 = arith.subf %get3A_415, %get3A_409 : vector<1x512xf32>
    %mul3A_421 = arith.mulf %sub3A_419, %sub3A_420 : vector<1x512xf32>
    %max3A_422 = vector.broadcast %get3A_1 : vector<1024x1xf32> to vector<1024x512xf32>
    %max3A_423 = vector.broadcast %get3A_406 : vector<1x512xf32> to vector<1024x512xf32>
    %max3A_424 = arith.maximumf %max3A_422, %max3A_423 : vector<1024x512xf32>
    %max3A_425 = vector.broadcast %get3A_4 : vector<1024x1xf32> to vector<1024x512xf32>
    %max3A_426 = vector.broadcast %get3A_409 : vector<1x512xf32> to vector<1024x512xf32>
    %max3A_427 = arith.maximumf %max3A_425, %max3A_426 : vector<1024x512xf32>
    %min3A_428 = vector.broadcast %get3A_7 : vector<1024x1xf32> to vector<1024x512xf32>
    %min3A_429 = vector.broadcast %get3A_412 : vector<1x512xf32> to vector<1024x512xf32>
    %min3A_430 = arith.minimumf %min3A_428, %min3A_429 : vector<1024x512xf32>
    %min3A_431 = vector.broadcast %get3A_10 : vector<1024x1xf32> to vector<1024x512xf32>
    %min3A_432 = vector.broadcast %get3A_415 : vector<1x512xf32> to vector<1024x512xf32>
    %min3A_433 = arith.minimumf %min3A_431, %min3A_432 : vector<1024x512xf32>
    %sub3A_434 = arith.subf %min3A_430, %max3A_424 : vector<1024x512xf32>
    %max3A_435 = arith.constant 0.000000e+00 : f32
    %max3A_436 = vector.broadcast %max3A_435 : f32 to vector<1024x512xf32>
    %max3A_437 = arith.maximumf %sub3A_434, %max3A_436 : vector<1024x512xf32>
    %sub3A_438 = arith.subf %min3A_433, %max3A_427 : vector<1024x512xf32>
    %max3A_439 = arith.constant 0.000000e+00 : f32
    %max3A_440 = vector.broadcast %max3A_439 : f32 to vector<1024x512xf32>
    %max3A_441 = arith.maximumf %sub3A_438, %max3A_440 : vector<1024x512xf32>
    %mul3A_442 = arith.mulf %max3A_437, %max3A_441 : vector<1024x512xf32>
    %add3A_443 = vector.broadcast %mul3A : vector<1024x1xf32> to vector<1024x512xf32>
    %add3A_444 = vector.broadcast %mul3A_421 : vector<1x512xf32> to vector<1024x512xf32>
    %add3A_445 = arith.addf %add3A_443, %add3A_444 : vector<1024x512xf32>
    %sub3A_446 = arith.subf %add3A_445, %mul3A_442 : vector<1024x512xf32>
    %div3A_447 = arith.divf %mul3A_442, %sub3A_446 : vector<1024x512xf32>
    %iota3A_448 = tpu.iota {dimensions = array<i32: 1>} : vector<1x512xi32>
    %add3A_449 = arith.constant 3072 : i32
    %add3A_450 = vector.broadcast %add3A_449 : i32 to vector<1x512xi32>
    %add3A_451 = arith.addi %iota3A_448, %add3A_450 : vector<1x512xi32>
    %gt3A_452 = vector.broadcast %get3A_418 : vector<1x512xf32> to vector<1024x512xf32>
    %gt3A_453 = vector.broadcast %get3A_13 : vector<1024x1xf32> to vector<1024x512xf32>
    %gt3A_454 = arith.cmpf ogt, %gt3A_452, %gt3A_453 : vector<1024x512xf32>
    %eq3A_455 = vector.broadcast %get3A_418 : vector<1x512xf32> to vector<1024x512xf32>
    %eq3A_456 = vector.broadcast %get3A_13 : vector<1024x1xf32> to vector<1024x512xf32>
    %eq3A_457 = arith.cmpf oeq, %eq3A_455, %eq3A_456 : vector<1024x512xf32>
    %lt3A_458 = vector.broadcast %add3A_451 : vector<1x512xi32> to vector<1024x512xi32>
    %lt3A_459 = vector.broadcast %add3A_17 : vector<1024x1xi32> to vector<1024x512xi32>
    %lt3A_460 = arith.cmpi slt, %lt3A_458, %lt3A_459 : vector<1024x512xi32>
    %and3A_461 = arith.andi %eq3A_457, %lt3A_460 : vector<1024x512xi1>
    %or3A_462 = arith.ori %gt3A_454, %and3A_461 : vector<1024x512xi1>
    %jit3A_463 = arith.constant 0.000000e+00 : f32
    %broadcast_in_dim3A_464 = vector.broadcast %jit3A_463 : f32 to vector<1024x512xf32>
    %select_n3A_465 = arith.select %or3A_462, %div3A_447, %broadcast_in_dim3A_464 : vector<1024x512xi1>, vector<1024x512xf32>
    %reduce_max3A_466 = arith.constant dense<0xFF800000> : vector<1024xf32>
    %reduce_max3A_467 = vector.multi_reduction <maximumf>, %select_n3A_465, %reduce_max3A_466 [1] : vector<1024x512xf32> to vector<1024xf32>
    %broadcast_in_dim3A_468 = vector.shape_cast %reduce_max3A_467 : vector<1024xf32> to vector<1024x1xf32>
    %max3A_469 = arith.maximumf %max3A_403, %broadcast_in_dim3A_468 : vector<1024x1xf32>
    %get3A_470 = arith.constant 0 : index
    %get3A_471 = arith.constant 3584 : index
    %get3A_472 = vector.load %arg1[%get3A_470, %get3A_471] : memref<8x5120xf32, #tpu.memory_space<vmem>>, vector<1x512xf32>
    %get3A_473 = arith.constant 1 : index
    %get3A_474 = arith.constant 3584 : index
    %get3A_475 = vector.load %arg1[%get3A_473, %get3A_474] : memref<8x5120xf32, #tpu.memory_space<vmem>>, vector<1x512xf32>
    %get3A_476 = arith.constant 2 : index
    %get3A_477 = arith.constant 3584 : index
    %get3A_478 = vector.load %arg1[%get3A_476, %get3A_477] : memref<8x5120xf32, #tpu.memory_space<vmem>>, vector<1x512xf32>
    %get3A_479 = arith.constant 3 : index
    %get3A_480 = arith.constant 3584 : index
    %get3A_481 = vector.load %arg1[%get3A_479, %get3A_480] : memref<8x5120xf32, #tpu.memory_space<vmem>>, vector<1x512xf32>
    %get3A_482 = arith.constant 4 : index
    %get3A_483 = arith.constant 3584 : index
    %get3A_484 = vector.load %arg1[%get3A_482, %get3A_483] : memref<8x5120xf32, #tpu.memory_space<vmem>>, vector<1x512xf32>
    %sub3A_485 = arith.subf %get3A_478, %get3A_472 : vector<1x512xf32>
    %sub3A_486 = arith.subf %get3A_481, %get3A_475 : vector<1x512xf32>
    %mul3A_487 = arith.mulf %sub3A_485, %sub3A_486 : vector<1x512xf32>
    %max3A_488 = vector.broadcast %get3A_1 : vector<1024x1xf32> to vector<1024x512xf32>
    %max3A_489 = vector.broadcast %get3A_472 : vector<1x512xf32> to vector<1024x512xf32>
    %max3A_490 = arith.maximumf %max3A_488, %max3A_489 : vector<1024x512xf32>
    %max3A_491 = vector.broadcast %get3A_4 : vector<1024x1xf32> to vector<1024x512xf32>
    %max3A_492 = vector.broadcast %get3A_475 : vector<1x512xf32> to vector<1024x512xf32>
    %max3A_493 = arith.maximumf %max3A_491, %max3A_492 : vector<1024x512xf32>
    %min3A_494 = vector.broadcast %get3A_7 : vector<1024x1xf32> to vector<1024x512xf32>
    %min3A_495 = vector.broadcast %get3A_478 : vector<1x512xf32> to vector<1024x512xf32>
    %min3A_496 = arith.minimumf %min3A_494, %min3A_495 : vector<1024x512xf32>
    %min3A_497 = vector.broadcast %get3A_10 : vector<1024x1xf32> to vector<1024x512xf32>
    %min3A_498 = vector.broadcast %get3A_481 : vector<1x512xf32> to vector<1024x512xf32>
    %min3A_499 = arith.minimumf %min3A_497, %min3A_498 : vector<1024x512xf32>
    %sub3A_500 = arith.subf %min3A_496, %max3A_490 : vector<1024x512xf32>
    %max3A_501 = arith.constant 0.000000e+00 : f32
    %max3A_502 = vector.broadcast %max3A_501 : f32 to vector<1024x512xf32>
    %max3A_503 = arith.maximumf %sub3A_500, %max3A_502 : vector<1024x512xf32>
    %sub3A_504 = arith.subf %min3A_499, %max3A_493 : vector<1024x512xf32>
    %max3A_505 = arith.constant 0.000000e+00 : f32
    %max3A_506 = vector.broadcast %max3A_505 : f32 to vector<1024x512xf32>
    %max3A_507 = arith.maximumf %sub3A_504, %max3A_506 : vector<1024x512xf32>
    %mul3A_508 = arith.mulf %max3A_503, %max3A_507 : vector<1024x512xf32>
    %add3A_509 = vector.broadcast %mul3A : vector<1024x1xf32> to vector<1024x512xf32>
    %add3A_510 = vector.broadcast %mul3A_487 : vector<1x512xf32> to vector<1024x512xf32>
    %add3A_511 = arith.addf %add3A_509, %add3A_510 : vector<1024x512xf32>
    %sub3A_512 = arith.subf %add3A_511, %mul3A_508 : vector<1024x512xf32>
    %div3A_513 = arith.divf %mul3A_508, %sub3A_512 : vector<1024x512xf32>
    %iota3A_514 = tpu.iota {dimensions = array<i32: 1>} : vector<1x512xi32>
    %add3A_515 = arith.constant 3584 : i32
    %add3A_516 = vector.broadcast %add3A_515 : i32 to vector<1x512xi32>
    %add3A_517 = arith.addi %iota3A_514, %add3A_516 : vector<1x512xi32>
    %gt3A_518 = vector.broadcast %get3A_484 : vector<1x512xf32> to vector<1024x512xf32>
    %gt3A_519 = vector.broadcast %get3A_13 : vector<1024x1xf32> to vector<1024x512xf32>
    %gt3A_520 = arith.cmpf ogt, %gt3A_518, %gt3A_519 : vector<1024x512xf32>
    %eq3A_521 = vector.broadcast %get3A_484 : vector<1x512xf32> to vector<1024x512xf32>
    %eq3A_522 = vector.broadcast %get3A_13 : vector<1024x1xf32> to vector<1024x512xf32>
    %eq3A_523 = arith.cmpf oeq, %eq3A_521, %eq3A_522 : vector<1024x512xf32>
    %lt3A_524 = vector.broadcast %add3A_517 : vector<1x512xi32> to vector<1024x512xi32>
    %lt3A_525 = vector.broadcast %add3A_17 : vector<1024x1xi32> to vector<1024x512xi32>
    %lt3A_526 = arith.cmpi slt, %lt3A_524, %lt3A_525 : vector<1024x512xi32>
    %and3A_527 = arith.andi %eq3A_523, %lt3A_526 : vector<1024x512xi1>
    %or3A_528 = arith.ori %gt3A_520, %and3A_527 : vector<1024x512xi1>
    %jit3A_529 = arith.constant 0.000000e+00 : f32
    %broadcast_in_dim3A_530 = vector.broadcast %jit3A_529 : f32 to vector<1024x512xf32>
    %select_n3A_531 = arith.select %or3A_528, %div3A_513, %broadcast_in_dim3A_530 : vector<1024x512xi1>, vector<1024x512xf32>
    %reduce_max3A_532 = arith.constant dense<0xFF800000> : vector<1024xf32>
    %reduce_max3A_533 = vector.multi_reduction <maximumf>, %select_n3A_531, %reduce_max3A_532 [1] : vector<1024x512xf32> to vector<1024xf32>
    %broadcast_in_dim3A_534 = vector.shape_cast %reduce_max3A_533 : vector<1024xf32> to vector<1024x1xf32>
    %max3A_535 = arith.maximumf %max3A_469, %broadcast_in_dim3A_534 : vector<1024x1xf32>
    %get3A_536 = arith.constant 0 : index
    %get3A_537 = arith.constant 4096 : index
    %get3A_538 = vector.load %arg1[%get3A_536, %get3A_537] : memref<8x5120xf32, #tpu.memory_space<vmem>>, vector<1x512xf32>
    %get3A_539 = arith.constant 1 : index
    %get3A_540 = arith.constant 4096 : index
    %get3A_541 = vector.load %arg1[%get3A_539, %get3A_540] : memref<8x5120xf32, #tpu.memory_space<vmem>>, vector<1x512xf32>
    %get3A_542 = arith.constant 2 : index
    %get3A_543 = arith.constant 4096 : index
    %get3A_544 = vector.load %arg1[%get3A_542, %get3A_543] : memref<8x5120xf32, #tpu.memory_space<vmem>>, vector<1x512xf32>
    %get3A_545 = arith.constant 3 : index
    %get3A_546 = arith.constant 4096 : index
    %get3A_547 = vector.load %arg1[%get3A_545, %get3A_546] : memref<8x5120xf32, #tpu.memory_space<vmem>>, vector<1x512xf32>
    %get3A_548 = arith.constant 4 : index
    %get3A_549 = arith.constant 4096 : index
    %get3A_550 = vector.load %arg1[%get3A_548, %get3A_549] : memref<8x5120xf32, #tpu.memory_space<vmem>>, vector<1x512xf32>
    %sub3A_551 = arith.subf %get3A_544, %get3A_538 : vector<1x512xf32>
    %sub3A_552 = arith.subf %get3A_547, %get3A_541 : vector<1x512xf32>
    %mul3A_553 = arith.mulf %sub3A_551, %sub3A_552 : vector<1x512xf32>
    %max3A_554 = vector.broadcast %get3A_1 : vector<1024x1xf32> to vector<1024x512xf32>
    %max3A_555 = vector.broadcast %get3A_538 : vector<1x512xf32> to vector<1024x512xf32>
    %max3A_556 = arith.maximumf %max3A_554, %max3A_555 : vector<1024x512xf32>
    %max3A_557 = vector.broadcast %get3A_4 : vector<1024x1xf32> to vector<1024x512xf32>
    %max3A_558 = vector.broadcast %get3A_541 : vector<1x512xf32> to vector<1024x512xf32>
    %max3A_559 = arith.maximumf %max3A_557, %max3A_558 : vector<1024x512xf32>
    %min3A_560 = vector.broadcast %get3A_7 : vector<1024x1xf32> to vector<1024x512xf32>
    %min3A_561 = vector.broadcast %get3A_544 : vector<1x512xf32> to vector<1024x512xf32>
    %min3A_562 = arith.minimumf %min3A_560, %min3A_561 : vector<1024x512xf32>
    %min3A_563 = vector.broadcast %get3A_10 : vector<1024x1xf32> to vector<1024x512xf32>
    %min3A_564 = vector.broadcast %get3A_547 : vector<1x512xf32> to vector<1024x512xf32>
    %min3A_565 = arith.minimumf %min3A_563, %min3A_564 : vector<1024x512xf32>
    %sub3A_566 = arith.subf %min3A_562, %max3A_556 : vector<1024x512xf32>
    %max3A_567 = arith.constant 0.000000e+00 : f32
    %max3A_568 = vector.broadcast %max3A_567 : f32 to vector<1024x512xf32>
    %max3A_569 = arith.maximumf %sub3A_566, %max3A_568 : vector<1024x512xf32>
    %sub3A_570 = arith.subf %min3A_565, %max3A_559 : vector<1024x512xf32>
    %max3A_571 = arith.constant 0.000000e+00 : f32
    %max3A_572 = vector.broadcast %max3A_571 : f32 to vector<1024x512xf32>
    %max3A_573 = arith.maximumf %sub3A_570, %max3A_572 : vector<1024x512xf32>
    %mul3A_574 = arith.mulf %max3A_569, %max3A_573 : vector<1024x512xf32>
    %add3A_575 = vector.broadcast %mul3A : vector<1024x1xf32> to vector<1024x512xf32>
    %add3A_576 = vector.broadcast %mul3A_553 : vector<1x512xf32> to vector<1024x512xf32>
    %add3A_577 = arith.addf %add3A_575, %add3A_576 : vector<1024x512xf32>
    %sub3A_578 = arith.subf %add3A_577, %mul3A_574 : vector<1024x512xf32>
    %div3A_579 = arith.divf %mul3A_574, %sub3A_578 : vector<1024x512xf32>
    %iota3A_580 = tpu.iota {dimensions = array<i32: 1>} : vector<1x512xi32>
    %add3A_581 = arith.constant 4096 : i32
    %add3A_582 = vector.broadcast %add3A_581 : i32 to vector<1x512xi32>
    %add3A_583 = arith.addi %iota3A_580, %add3A_582 : vector<1x512xi32>
    %gt3A_584 = vector.broadcast %get3A_550 : vector<1x512xf32> to vector<1024x512xf32>
    %gt3A_585 = vector.broadcast %get3A_13 : vector<1024x1xf32> to vector<1024x512xf32>
    %gt3A_586 = arith.cmpf ogt, %gt3A_584, %gt3A_585 : vector<1024x512xf32>
    %eq3A_587 = vector.broadcast %get3A_550 : vector<1x512xf32> to vector<1024x512xf32>
    %eq3A_588 = vector.broadcast %get3A_13 : vector<1024x1xf32> to vector<1024x512xf32>
    %eq3A_589 = arith.cmpf oeq, %eq3A_587, %eq3A_588 : vector<1024x512xf32>
    %lt3A_590 = vector.broadcast %add3A_583 : vector<1x512xi32> to vector<1024x512xi32>
    %lt3A_591 = vector.broadcast %add3A_17 : vector<1024x1xi32> to vector<1024x512xi32>
    %lt3A_592 = arith.cmpi slt, %lt3A_590, %lt3A_591 : vector<1024x512xi32>
    %and3A_593 = arith.andi %eq3A_589, %lt3A_592 : vector<1024x512xi1>
    %or3A_594 = arith.ori %gt3A_586, %and3A_593 : vector<1024x512xi1>
    %jit3A_595 = arith.constant 0.000000e+00 : f32
    %broadcast_in_dim3A_596 = vector.broadcast %jit3A_595 : f32 to vector<1024x512xf32>
    %select_n3A_597 = arith.select %or3A_594, %div3A_579, %broadcast_in_dim3A_596 : vector<1024x512xi1>, vector<1024x512xf32>
    %reduce_max3A_598 = arith.constant dense<0xFF800000> : vector<1024xf32>
    %reduce_max3A_599 = vector.multi_reduction <maximumf>, %select_n3A_597, %reduce_max3A_598 [1] : vector<1024x512xf32> to vector<1024xf32>
    %broadcast_in_dim3A_600 = vector.shape_cast %reduce_max3A_599 : vector<1024xf32> to vector<1024x1xf32>
    %max3A_601 = arith.maximumf %max3A_535, %broadcast_in_dim3A_600 : vector<1024x1xf32>
    %get3A_602 = arith.constant 0 : index
    %get3A_603 = arith.constant 4608 : index
    %get3A_604 = vector.load %arg1[%get3A_602, %get3A_603] : memref<8x5120xf32, #tpu.memory_space<vmem>>, vector<1x512xf32>
    %get3A_605 = arith.constant 1 : index
    %get3A_606 = arith.constant 4608 : index
    %get3A_607 = vector.load %arg1[%get3A_605, %get3A_606] : memref<8x5120xf32, #tpu.memory_space<vmem>>, vector<1x512xf32>
    %get3A_608 = arith.constant 2 : index
    %get3A_609 = arith.constant 4608 : index
    %get3A_610 = vector.load %arg1[%get3A_608, %get3A_609] : memref<8x5120xf32, #tpu.memory_space<vmem>>, vector<1x512xf32>
    %get3A_611 = arith.constant 3 : index
    %get3A_612 = arith.constant 4608 : index
    %get3A_613 = vector.load %arg1[%get3A_611, %get3A_612] : memref<8x5120xf32, #tpu.memory_space<vmem>>, vector<1x512xf32>
    %get3A_614 = arith.constant 4 : index
    %get3A_615 = arith.constant 4608 : index
    %get3A_616 = vector.load %arg1[%get3A_614, %get3A_615] : memref<8x5120xf32, #tpu.memory_space<vmem>>, vector<1x512xf32>
    %sub3A_617 = arith.subf %get3A_610, %get3A_604 : vector<1x512xf32>
    %sub3A_618 = arith.subf %get3A_613, %get3A_607 : vector<1x512xf32>
    %mul3A_619 = arith.mulf %sub3A_617, %sub3A_618 : vector<1x512xf32>
    %max3A_620 = vector.broadcast %get3A_1 : vector<1024x1xf32> to vector<1024x512xf32>
    %max3A_621 = vector.broadcast %get3A_604 : vector<1x512xf32> to vector<1024x512xf32>
    %max3A_622 = arith.maximumf %max3A_620, %max3A_621 : vector<1024x512xf32>
    %max3A_623 = vector.broadcast %get3A_4 : vector<1024x1xf32> to vector<1024x512xf32>
    %max3A_624 = vector.broadcast %get3A_607 : vector<1x512xf32> to vector<1024x512xf32>
    %max3A_625 = arith.maximumf %max3A_623, %max3A_624 : vector<1024x512xf32>
    %min3A_626 = vector.broadcast %get3A_7 : vector<1024x1xf32> to vector<1024x512xf32>
    %min3A_627 = vector.broadcast %get3A_610 : vector<1x512xf32> to vector<1024x512xf32>
    %min3A_628 = arith.minimumf %min3A_626, %min3A_627 : vector<1024x512xf32>
    %min3A_629 = vector.broadcast %get3A_10 : vector<1024x1xf32> to vector<1024x512xf32>
    %min3A_630 = vector.broadcast %get3A_613 : vector<1x512xf32> to vector<1024x512xf32>
    %min3A_631 = arith.minimumf %min3A_629, %min3A_630 : vector<1024x512xf32>
    %sub3A_632 = arith.subf %min3A_628, %max3A_622 : vector<1024x512xf32>
    %max3A_633 = arith.constant 0.000000e+00 : f32
    %max3A_634 = vector.broadcast %max3A_633 : f32 to vector<1024x512xf32>
    %max3A_635 = arith.maximumf %sub3A_632, %max3A_634 : vector<1024x512xf32>
    %sub3A_636 = arith.subf %min3A_631, %max3A_625 : vector<1024x512xf32>
    %max3A_637 = arith.constant 0.000000e+00 : f32
    %max3A_638 = vector.broadcast %max3A_637 : f32 to vector<1024x512xf32>
    %max3A_639 = arith.maximumf %sub3A_636, %max3A_638 : vector<1024x512xf32>
    %mul3A_640 = arith.mulf %max3A_635, %max3A_639 : vector<1024x512xf32>
    %add3A_641 = vector.broadcast %mul3A : vector<1024x1xf32> to vector<1024x512xf32>
    %add3A_642 = vector.broadcast %mul3A_619 : vector<1x512xf32> to vector<1024x512xf32>
    %add3A_643 = arith.addf %add3A_641, %add3A_642 : vector<1024x512xf32>
    %sub3A_644 = arith.subf %add3A_643, %mul3A_640 : vector<1024x512xf32>
    %div3A_645 = arith.divf %mul3A_640, %sub3A_644 : vector<1024x512xf32>
    %iota3A_646 = tpu.iota {dimensions = array<i32: 1>} : vector<1x512xi32>
    %add3A_647 = arith.constant 4608 : i32
    %add3A_648 = vector.broadcast %add3A_647 : i32 to vector<1x512xi32>
    %add3A_649 = arith.addi %iota3A_646, %add3A_648 : vector<1x512xi32>
    %gt3A_650 = vector.broadcast %get3A_616 : vector<1x512xf32> to vector<1024x512xf32>
    %gt3A_651 = vector.broadcast %get3A_13 : vector<1024x1xf32> to vector<1024x512xf32>
    %gt3A_652 = arith.cmpf ogt, %gt3A_650, %gt3A_651 : vector<1024x512xf32>
    %eq3A_653 = vector.broadcast %get3A_616 : vector<1x512xf32> to vector<1024x512xf32>
    %eq3A_654 = vector.broadcast %get3A_13 : vector<1024x1xf32> to vector<1024x512xf32>
    %eq3A_655 = arith.cmpf oeq, %eq3A_653, %eq3A_654 : vector<1024x512xf32>
    %lt3A_656 = vector.broadcast %add3A_649 : vector<1x512xi32> to vector<1024x512xi32>
    %lt3A_657 = vector.broadcast %add3A_17 : vector<1024x1xi32> to vector<1024x512xi32>
    %lt3A_658 = arith.cmpi slt, %lt3A_656, %lt3A_657 : vector<1024x512xi32>
    %and3A_659 = arith.andi %eq3A_655, %lt3A_658 : vector<1024x512xi1>
    %or3A_660 = arith.ori %gt3A_652, %and3A_659 : vector<1024x512xi1>
    %jit3A_661 = arith.constant 0.000000e+00 : f32
    %broadcast_in_dim3A_662 = vector.broadcast %jit3A_661 : f32 to vector<1024x512xf32>
    %select_n3A_663 = arith.select %or3A_660, %div3A_645, %broadcast_in_dim3A_662 : vector<1024x512xi1>, vector<1024x512xf32>
    %reduce_max3A_664 = arith.constant dense<0xFF800000> : vector<1024xf32>
    %reduce_max3A_665 = vector.multi_reduction <maximumf>, %select_n3A_663, %reduce_max3A_664 [1] : vector<1024x512xf32> to vector<1024xf32>
    %broadcast_in_dim3A_666 = vector.shape_cast %reduce_max3A_665 : vector<1024xf32> to vector<1024x1xf32>
    %max3A_667 = arith.maximumf %max3A_601, %broadcast_in_dim3A_666 : vector<1024x1xf32>
    %mul3A_668 = arith.mulf %max3A_667, %max3A_667 : vector<1024x1xf32>
    %neg3A = arith.constant 0.000000e+00 : f32
    %neg3A_669 = vector.broadcast %neg3A : f32 to vector<1024x1xf32>
    %neg3A_670 = arith.subf %neg3A_669, %mul3A_668 : vector<1024x1xf32>
    %div3A_671 = arith.constant 5.000000e-01 : f32
    %div3A_672 = vector.broadcast %div3A_671 : f32 to vector<1024x1xf32>
    %div3A_673 = arith.divf %neg3A_670, %div3A_672 : vector<1024x1xf32>
    %exp3A = math.exp %div3A_673 : vector<1024x1xf32>
    %le3A = arith.constant 0.699999988 : f32
    %le3A_674 = vector.broadcast %le3A : f32 to vector<1024x1xf32>
    %le3A_675 = arith.cmpf ole, %max3A_667, %le3A_674 : vector<1024x1xf32>
    %convert_element_type3A = arith.extui %le3A_675 : vector<1024x1xi1> to vector<1024x1xi32>
    %convert_element_type3A_676 = arith.sitofp %convert_element_type3A : vector<1024x1xi32> to vector<1024x1xf32>
    %mul3A_677 = arith.mulf %get3A_13, %exp3A : vector<1024x1xf32>
    %mul3A_678 = arith.mulf %mul3A_677, %convert_element_type3A_676 : vector<1024x1xf32>
    %swap3A = arith.constant 0 : index
    %swap3A_679 = arith.constant 0 : index
    %swap3A_680 = vector.load %arg3[%swap3A, %swap3A_679] : memref<1024x1xf32, #tpu.memory_space<vmem>>, vector<1024x1xf32>
    tpu.vector_store %arg3[%swap3A, %swap3A_679], %mul3A_678 {strides = array<i32>} : memref<1024x1xf32, #tpu.memory_space<vmem>>, vector<1024x1xf32>,
    return
  }
  func.func @transform_0(%arg0: i32) -> (i32, i32) {
    %c0_i32 = arith.constant 0 : i32
    %c0_i32_0 = arith.constant 0 : i32
    %c0_i32_1 = arith.constant 0 : i32
    return %c0_i32, %c0_i32_0 : i32, i32
  }
  func.func @transform_1(%arg0: i32) -> (i32, i32) {
    %c0_i32 = arith.constant 0 : i32
    %c0_i32_0 = arith.constant 0 : i32
    return %arg0, %c0_i32 : i32, i32
  }
  func.func @transform_2(%arg0: i32) -> (i32, i32) {
    %c0_i32 = arith.constant 0 : i32
    %c0_i32_0 = arith.constant 0 : i32
    return %arg0, %c0_i32 : i32, i32
  }
}

</mosaic_0001>

<sc_bundles>
// kernel: _nms_scores_pallas.4.cloned.1.call-start
scs
__scs_entry_jumppad:
0x0: {  	(pc) =	sbr.rel $0x88, $3  }
0x1: {  	(tag) =	ssettag $0x0;
	lr =	simm.s32 $0x1  }
0x2: {  	[smem:$0x3F9F] =	sst lr;
	_ =	strace $0xD0000000  }
0x3: {  	_ = 	snop  }
0x4: {  	_ = 	snop  }
0x5: {  	_ = 	snop  }
0x6: {  	_ = 	snop  }
0x7: {  	_ = 	snop  }
__scs_overlays_trampoline_lowered:
0x8: {  	[smem:$0x3FAE] =	sst s0  }
0x9: {  	[smem:$0x3FAF] =	sst s1  }
0xa: {  	[smem:$0x3FB0] =	sst s2  }
0xb: {  	[smem:$0x3FB1] =	sst s3  }
0xc: {  	[smem:$0x3FB2] =	sst s4  }
0xd: {  	[smem:$0x3FB3] =	sst s5  }
0xe: {  	[smem:$0x3FB4] =	sst s6  }
0xf: {  	[smem:$0x3FB5] =	sst s7  }
0x10: {  	[smem:$0x3FB6] =	sst s8  }
0x11: {  	[smem:$0x3FB7] =	sst s9;
	s0 =	simm.s32 @!p0 $0x0  }
0x12: {  	s1 =	sld [smem:$0x3F9D];
	s0 =	simm.s32 @p0 $0x1  }
0x13: {  	[smem:$0x3FB8] =	sst s0;
	s0 =	simm.s32 @!p1 $0x0  }
0x14: {  	s2 =	sld [smem:$0x3F9C];
	s0 =	simm.s32 @p1 $0x1  }
0x15: {  	[smem:$0x3FB9] =	sst s0;
	s0 =	simm.s32 @!p2 $0x0  }
0x16: {  	s3 =	sld [smem:$0x3FDB];
	s0 =	simm.s32 @p2 $0x1  }
0x17: {  	s4 =	simm.s32 $0x1BF5;
	[smem:$0x3FBB] =	sst s0  }
0x18: {  	s0 =	sld [smem:$0x3F9E];
	_ =	swait.ge [sflag:s4], $0x0  }
0x19: {  	s7 =	sld [smem:$0x3F9F]  }
0x1a: {  	s8 =	sadd.s32 $0xFFFFE003, lr  }
0x1b: {  	s9 =	sadd.s32 $0xFFFFFEF7, lr;
	s5 =	simm.s32 $0xFFFFFFFF;
	p2 =	slt.u32 s8, $0xFFFFF086  }
0x1c: {  	p1 =	slt.u32 s9, $0xF7A;
	s5 =	simm.s32 @!p2 $0x0  }
0x1d: {  	s5 =	simm.s32 @p1 $0x1;
	p0 =	seq.s32 s7, s2  }
0x1e: {  	s7 =	smul.u32 @!p0 $0xF7A, s2;
	p2 =	seq.s32 @!p0 s5, $0x0  }
0x1f: {  	s9 =	smul.u32 $0xF7A, s1;
	s8 =	simm.s32 @!p0 $0x1BF5;
	p2 =	por !p2, p0  }
0x20: {  	[sflag:s8] =	ssyncset.s32 @!p0 $0xFFFFF086;
	s6 =	sadd.s32 @!p0 s3, s7;
	s7 =	simm.s32 @!p0 $0x108  }
0x21: {  	s3 =	sadd.s32 s3, s9;
	s6 =	sadd.s32 @!p0 $0x88, s6;
	s7 =	simm.s32 @p2 $0x1082  }
0x22: {  	[simem:s7], [sflag:s8] =	dma.local @!p0 [hbm:s6], $0xF7A  }
0x23: {  	s9 =	sor.u32 $0xD0000000, s2;
	s6 =	simm.s32 $0x108;
	_ =	swait.ge @!p0 [sflag:s8], $0x0  }
0x24: {  	s3 =	sadd.s32 $0x88, s3;
	s6 =	simm.s32 @!p1 $0x1082;
	[sflag:s4] =	ssyncset.s32 $0xFFFFF086  }
0x25: {  	[simem:s6], [sflag:s4] =	dma.local [hbm:s3], $0xF7A  }
0x26: {  	[smem:$0x3F9F] =	sst s1;
	(tag) =	ssettag s2;
	_ =	strace s9  }
0x27: {  	s1 =	sld [smem:$0x3FAF]  }
0x28: {  	s2 =	sld [smem:$0x3FB0]  }
0x29: {  	s4 =	sld [smem:$0x3FB2]  }
0x2a: {  	p0 =	seq.s32 s5, $0x0;
	s5 =	sld [smem:$0x3FB3]  }
0x2b: {  	s6 =	sld [smem:$0x3FB4]  }
0x2c: {  	s7 =	sld [smem:$0x3FB5]  }
0x2d: {  	s3 =	simm.s32 $0x108;
	s8 =	sld [smem:$0x3FB6]  }
0x2e: {  	s3 =	simm.s32 @!p0 $0x1082;
	s9 =	sld [smem:$0x3FB7]  }
0x2f: {  	lr =	sadd.s32 s0, s3;
	s0 =	sld [smem:$0x3FAE]  }
0x30: {  	s3 =	sld [smem:$0x3FB1]  }
0x31: {  	[smem:$0x3FBA] =	sst s10  }
0x32: {  	s10 =	sld [smem:$0x3FB8];
	_ =	sdelay $0x3  }
0x33: {  	p0 =	seq.s32 s10, $0x1;
	s10 =	sld [smem:$0x3FBA];
	_ =	sdelay $0x3  }
0x34: {  	[smem:$0x3FBA] =	sst s10  }
0x35: {  	s10 =	sld [smem:$0x3FB9];
	_ =	sdelay $0x3  }
0x36: {  	p1 =	seq.s32 s10, $0x1;
	s10 =	sld [smem:$0x3FBA];
	_ =	sdelay $0x3  }
0x37: {  	[smem:$0x3FBA] =	sst s10  }
0x38: {  	s10 =	sld [smem:$0x3FBB]  }
0x39: {  	_ = 	snop;
	(pc) =	sbr.ind lr, $3  }
0x3a: {  	_ = 	snop  }
0x3b: {  	_ = 	snop  }
0x3c: {  	p2 =	seq.s32 s10, $0x1;
	s10 =	sld [smem:$0x3FBA]  }
0x3d: {  	_ =	shalt  }
0x3e: {  	_ =	shalt  }
0x3f: {  	_ =	shalt  }
0x40: {  	_ =	shalt  }
0x41: {  	_ =	shalt  }
0x42: {  	_ =	shalt  }
0x43: {  	_ =	shalt  }
0x44: {  	_ =	shalt  }
0x45: {  	_ =	shalt  }
0x46: {  	_ =	shalt  }
0x47: {  	_ =	shalt  }
0x48: {  	_ =	shalt  }
0x49: {  	_ =	shalt  }
0x4a: {  	_ =	shalt  }
0x4b: {  	_ =	shalt  }
0x4c: {  	_ =	shalt  }
0x4d: {  	_ =	shalt  }
0x4e: {  	_ =	shalt  }
0x4f: {  	_ =	shalt  }
0x50: {  	_ =	shalt  }
0x51: {  	_ =	shalt  }
0x52: {  	_ =	shalt  }
0x53: {  	_ =	shalt  }
0x54: {  	_ =	shalt  }
0x55: {  	_ =	shalt  }
0x56: {  	_ =	shalt  }
0x57: {  	_ =	shalt  }
0x58: {  	_ =	shalt  }
0x59: {  	_ =	shalt  }
0x5a: {  	_ =	shalt  }
0x5b: {  	_ =	shalt  }
0x5c: {  	_ =	shalt  }
0x5d: {  	_ =	shalt  }
0x5e: {  	_ =	shalt  }
0x5f: {  	_ =	shalt  }
0x60: {  	_ =	shalt  }
0x61: {  	_ =	shalt  }
0x62: {  	_ =	shalt  }
0x63: {  	_ =	shalt  }
0x64: {  	_ =	shalt  }
0x65: {  	_ =	shalt  }
0x66: {  	_ =	shalt  }
0x67: {  	_ =	shalt  }
0x68: {  	_ =	shalt  }
0x69: {  	_ =	shalt  }
0x6a: {  	_ =	shalt  }
0x6b: {  	_ =	shalt  }
0x6c: {  	_ =	shalt  }
0x6d: {  	_ =	shalt  }
0x6e: {  	_ =	shalt  }
0x6f: {  	_ =	shalt  }
0x70: {  	_ =	shalt  }
0x71: {  	_ =	shalt  }
0x72: {  	_ =	shalt  }
0x73: {  	_ =	shalt  }
0x74: {  	_ =	shalt  }
0x75: {  	_ =	shalt  }
0x76: {  	_ =	shalt  }
0x77: {  	_ =	shalt  }
0x78: {  	_ =	shalt  }
0x79: {  	_ =	shalt  }
0x7a: {  	_ =	shalt  }
0x7b: {  	_ =	shalt  }
0x7c: {  	_ =	shalt  }
0x7d: {  	_ =	shalt  }
0x7e: {  	_ =	shalt  }
0x7f: {  	_ =	shalt  }
0x80: {  	_ =	shalt  }
0x81: {  	_ =	shalt  }
0x82: {  	_ =	shalt  }
0x83: {  	_ =	shalt  }
0x84: {  	_ =	shalt  }
0x85: {  	_ =	shalt  }
0x86: {  	_ =	shalt  }
0x87: {  	_ =	shalt  }
.Lfunc_end0:
.L_simem_size_0:
called_computation_lowered:
.L_overlay_start_0:
0x88: {  	s2 =	sld [smem:$0x3FD9]  }
0x89: {  	s3 =	sld [smem:$0x3FFE];
	_ =	sdelay $0x1  }
0x8a: {  	s1 =	srdreg.scid  }
0x8b: {  	s0 =	sand.u32 $0x1, s1  }
0x8c: {  	s17 =	sshll.u32 s0, $0xA;
	s2 =	sadd.s32 s3, s2  }
0x8d: {  	s2 =	sadd.s32 s2, s17  }
0x8e: {  	[smem:$0x3FC6] =	sst s2  }
0x8f: {  	_ = 	snop  }
0x90: {  	s2 =	sld [smem:$0x3FD0];
	(tm) =	ssettm $0x1  }
0x91: {  	s18 =	sld [smem:$0x3FFB];
	_ =	sdelay $0x3  }
0x92: {  	_ =	strace s18  }
0x93: {  	s3 =	sld [smem:$0x3FFC];
	_ =	sdelay $0x3  }
0x94: {  	_ =	strace s3  }
0x95: {  	s3 =	sld [smem:$0x3FFD];
	_ =	sdelay $0x3  }
0x96: {  	_ =	strace s3  }
0x97: {  	_ =	strace $0x8FFFFFFF  }
0x98: {  	s19 =	sld [smem:$0x3FDB];
	_ =	sdelay $0x1  }
0x99: {  	s4 =	simm.s32 $_scs_section_size  }
0x9a: {  	s5 =	simm.s32 $_size__tile_overlayer_lowered;
	s6 =	simm.s32 $_tile_overlayer_lowered  }
0x9b: {  	s22 =	simm.s32 $0x1BFF;
	s21 =	sshll.u32 s6, $0x1;
	s3 =	sadd.s32 s4, s19  }
0x9c: {  	s7 =	simm.s32 $0x0;
	s20 =	sshll.u32 s5, $0x1;
	s5 =	sadd.s32 s21, s3  }
0x9d: {  	[timem:s7], [sflag:s22] =	dma.local [hbm:s5], s20  }
0x9e: {  	_ =	swait.ge [sflag:s22], s20  }
0x9f: {  	s4 =	ssub.s32 $0x0, s20;
	[sflag:s22] =	ssyncset.done $0x0  }
0xa0: {  	[sflag:s22] =	ssyncadd.s32 s4;
	_ =	sdelay $0x1  }
0xa1: {  	s23 =	simm.s32 $0x1B8B  }
0xa2: {  	_ =	swait.ge [sflag:s23], $0x1  }
0xa3: {  	[sflag:s23] =	ssyncset.done $0x0  }
0xa4: {  	s25 =	simm.s32 $0x1B8E;
	s24 =	sld [smem:$0x3FFE];
	[sflag:s23] =	ssyncadd.s32 $0xFFFFFFFF  }
0xa5: {  	s26 =	simm.s32 $execute0_lowered;
	[smem:$0x3FD2] =	sst s25  }
0xa6: {  	s5 =	sshll.u32 s26, $0x1;
	_ =	strace $0x80000046;
	[dreg:$0x1] =	wrdreg $0xFFFFFFFF  }
0xa7: {  	s28 =	simm.s32 $_size_execute0_lowered;
	s3 =	sadd.s32 s3, s5;
	[dreg:$0x0] =	wrdreg $0x0  }
0xa8: {  	s5 =	sshll.u32 s28, $0x1;
	[dreg:$0x2] =	wrdreg s3  }
0xa9: {  	[dreg:$0x3] =	wrdreg s5  }
0xaa: {  	[dreg:$0x4] =	wrdreg $0xC0  }
0xab: {  	_ =	task [dreg:s7], $0x5FFFF  }
0xac: {  	[dreg:$0x1] =	wrdreg $0xFFFFFFFF  }
0xad: {  	[dreg:$0x0] =	wrdreg $0x60  }
0xae: {  	[dreg:$0x2] =	wrdreg s24  }
0xaf: {  	[dreg:$0x3] =	wrdreg s2  }
0xb0: {  	[dreg:$0x4] =	wrdreg $0x9  }
0xb1: {  	_ =	task.clear_ibuf [dreg:s7], $0x5FFFF;
	_ =	strace $0x90000046  }
0xb2: {  	s29 =	simm.s32 $0x9;
	_ =	strace $0x80000048  }
0xb3: {  	_ =	swait.ge [sflag:s29], $0x1  }
0xb4: {  	[sflag:s29] =	ssyncadd.s32 $0xFFFFFFFF  }
0xb5: {  	_ =	strace $0x90000048  }
0xb6: {  	_ =	sfence  }
0xb7: {  	s30 =	sld [smem:$0x0];
	_ =	sdelay $0x2  }
0xb8: {  	s31 =	sshll.u32 s1, $0xD;
	s1 =	sshrl.u32 s1, $0x2  }
0xb9: {  	s3 =	sand.u32 $0x4000, s31;
	s1 =	sadd.s32 s1, s30  }
0xba: {  	s0 =	sor.u32 s3, s0;
	s1 =	sshll.u32 s1, $0x11  }
0xbb: {  	s0 =	sor.u32 s1, s0  }
0xbc: {  	s0 =	sadd.s32 $0x8F2B, s0  }
0xbd: {  	[sflag:s0] =	ssyncadd.remote.s32 $0x1  }
0xbe: {  	_ =	sfence.sel $0xFFFF  }
0xbf: {  	[dreg:$0x0] =	wrdreg $0xFFFFFFFF;
	(pc) =	sbr.abs _section_cstart, $3  }
0xc0: {  	[dreg:$0x1] =	wrdreg $0xFFFFFFFF  }
0xc1: {  	_ =	task.clear_ibuf [dreg:s7], $0x2FFFF;
	_ =	strace $0x9FFFFFFF  }
0xc2: {  	(tm) =	ssettm $0x7FFFFFFF  }
0xc3: {  	_ =	shalt  }
tec
execute0_lowered:
.L_overlay_start_1:
0x0: {  	(tag) =	ssettag $0x1  }
0x1: {  	s0 =	rddreg [dreg:$0x0];
	s1 =	srdreg.scid  }
0x2: {  	s5 =	simm.s32 $0x0;
	s2 =	stileid.u32;
	s1 =	sand.u32 $0x1, s1  }
0x3: {  	[smem:$0x7FF] =	sst s5;
	s2 =	sshll.u32 s2, $0x6;
	s4 =	sadd.s32 $0x200, s0  }
0x4: {  	s24 =	sadd.s32 $0x600, s0;
	_ =	strace $0x80000047;
	[smem:$0x7F7] =	sst s4  }
0x5: {  	s26 =	sadd.s32 $0xA00, s0;
	s3 =	sshll.u32 s1, $0x5;
	[smem:$0x7F8] =	sst s24  }
0x6: {  	s1 =	ssub.s32 $0x2, s1;
	[smem:$0x7F9] =	sst s26;
	s2 =	sor.u32 s3, s2  }
0x7: {  	s28 =	sshrl.u32 s1, $0x1;
	s25 =	sshrl.u32 s2, $0x3;
	s31 =	sor.u32 $0x1000, s2  }
0x8: {  	s3 =	sadd.s32 s25, s0;
	s0 =	sadd.s32 $0xE00, s0;
	[smem:$0x7FD] =	sst s31  }
0x9: {  	s29 =	ssub.s32 s1, s28;
	[smem:$0x7FA] =	sst s0;
	s30 =	sadd.s32 $0x1200, s3  }
0xa: {  	s0 =	smax.u32 s29, $0x1;
	[smem:$0x7FB] =	sst s30  }
0xb: {  	s1 =	simm.s32 $0x1;
	s2 =	simm.s32 $0x0;
	[smem:$0x7FC] =	sst s0  }
.LBB2_1:
0xc: {  	s0 =	sld [smem:$0x7F7];
	_ =	sdelay $0x1  }
0xd: {  	[smem:$0x7F6] =	sst s2  }
0xe: {  	[tilespmem:s5], [sflag:$0x1] =	stream.linear.gather [hbm4b:s0+s5], $0x1400, $0x38;
	[tilespmem:$0x6480] =	vst v63  }
0xf: {  	_ =	swait.ge [sflag:s1], $0x1400  }
0x10: {  	s23 =	sld [smem:$0x7F8]  }
0x11: {  	[sflag:s1] =	ssyncset.done $0x0  }
0x12: {  	s24 =	simm.s32 $0x1400;
	[sflag:s1] =	ssyncadd.s32 $0xFFFFEC00  }
0x13: {  	[tilespmem:s24], [sflag:$0x1] =	stream.linear.gather [hbm4b:s23+s5], $0x1400, $0x38;
	[tilespmem:$0x6480] =	vst v63  }
0x14: {  	_ =	swait.ge [sflag:s1], $0x1400  }
0x15: {  	s25 =	sld [smem:$0x7F9]  }
0x16: {  	[sflag:s1] =	ssyncset.done $0x0  }
0x17: {  	s26 =	simm.s32 $0x2800;
	[sflag:s1] =	ssyncadd.s32 $0xFFFFEC00  }
0x18: {  	[tilespmem:s26], [sflag:$0x1] =	stream.linear.gather [hbm4b:s25+s5], $0x1400, $0x38;
	[tilespmem:$0x6480] =	vst v63  }
0x19: {  	_ =	swait.ge [sflag:s1], $0x1400  }
0x1a: {  	[sflag:s1] =	ssyncset.done $0x0  }
0x1b: {  	[sflag:s1] =	ssyncadd.s32 $0xFFFFEC00  }
0x1c: {  	s29 =	simm.s32 $0x3C00;
	s28 =	rddreg [dreg:$0x1]  }
0x1d: {  	[tilespmem:s29], [sflag:$0x1] =	stream.linear.gather [hbm4b:s28+s5], $0x1400, $0x38;
	[tilespmem:$0x6480] =	vst v63  }
0x1e: {  	_ =	swait.ge [sflag:s1], $0x1400  }
0x1f: {  	s30 =	sld [smem:$0x7FA]  }
0x20: {  	[sflag:s1] =	ssyncset.done $0x0  }
0x21: {  	s31 =	simm.s32 $0x5000;
	[sflag:s1] =	ssyncadd.s32 $0xFFFFEC00  }
0x22: {  	[tilespmem:s31], [sflag:$0x1] =	stream.linear.gather [hbm4b:s30+s5], $0x1400, $0x38;
	[tilespmem:$0x6480] =	vst v63  }
0x23: {  	_ =	swait.ge [sflag:s1], $0x1400  }
0x24: {  	[sflag:s1] =	ssyncset.done $0x0  }
0x25: {  	p1 =	por $0x1, $0x1;
	[sflag:s1] =	ssyncadd.s32 $0xFFFFEC00;
	s1 =	simm.s32 $0x0  }
.LBB2_2:
0x26: {  	s5 =	simm.s32 $0x0  }
0x27: {  	s0 =	sld [smem:$0x7FD];
	s6 =	simm.s32 $0x1400;
	v15 =	vld [tilespmem:s5+$0x0]  }
0x28: {  	s7 =	simm.s32 $0x2800;
	v8 =	vld [tilespmem:s6+$0x0]  }
0x29: {  	s8 =	simm.s32 $0x3C00;
	s2 =	simm.s32 $0xE;
	s3 =	simm.s32 $0xD;
	v41 =	vimm.s32 $0x0;
	v11 =	vld [tilespmem:s7+$0x0]  }
0x2a: {  	s10 =	simm.s32 $0xA;
	s11 =	simm.s32 $0x8;
	v43 =	vimm.s32 $0x0;
	v44 =	vimm.s32 $0x0;
	v12 =	vld [tilespmem:s8+$0x0];
	v7 =	vmov s2;
	s0 =	sor.u32 s0, s1  }
0x2b: {  	s12 =	simm.s32 $0x9;
	s13 =	simm.s32 $0x6;
	s14 =	simm.s32 $0x7;
	v9 =	vmov s3;
	v10 =	vmov s10;
	v14 =	vmov s11;
	v42 =	vld [tilespmem:s0+$0x0]  }
0x2c: {  	s15 =	simm.s32 $0x4;
	s16 =	simm.s32 $0x5;
	s17 =	simm.s32 $0x2;
	v16 =	vmov s12;
	v17 =	vmov s13;
	v18 =	vmov s14;
	v3 =	vld [tilespmem:s0+$0x1400]  }
0x2d: {  	s18 =	simm.s32 $0x3;
	s19 =	simm.s32 $0x0;
	s20 =	simm.s32 $0x1;
	v19 =	vmov s15;
	v20 =	vmov s16;
	v21 =	vmov s17;
	v54 =	vld [tilespmem:s0+$0x2800]  }
0x2e: {  	v22 =	vmov s18;
	v23 =	vmov s19;
	v24 =	vmov s20;
	v49 =	vld [tilespmem:s0+$0x3C00]  }
0x2f: {  	(v2sf) =	vpush v15, $0xF;
	v45 =	vbroadcast v8, $0xF;
	v46 =	vbroadcast v11, $0xF  }
0x30: {  	v30 =	vbroadcast v8, $0xC;
	v25 =	vbroadcast v11, $0xC;
	(v2sf) =	vpush v8, $0xF  }
0x31: {  	v26 =	vbroadcast v15, $0xB;
	v27 =	vbroadcast v12, $0xC;
	(v2sf) =	vpush v11, $0xF  }
0x32: {  	v28 =	vbroadcast v12, $0xB;
	v48 =	vbroadcast v15, $0x9;
	(v2sf) =	vpush v12, $0xF  }
0x33: {  	v57 =	vbroadcast v11, $0x8;
	v0 =	vsub.f32 v54, v42;
	v1 =	vsub.f32 v49, v3  }
0x34: {  	v58 =	vbroadcast v15, $0x7;
	v59 =	vbroadcast v12, $0x8;
	(v2sf) =	vpush v15, $0xE  }
0x35: {  	v36 =	vbroadcast v15, $0x5;
	(v2sf) =	vpush v8, $0xE;
	v0 =	vmul.f32 v1, v0  }
0x36: {  	v61 =	vbroadcast v11, $0x7;
	v50 =	vmin.f32 v49, v27;
	(v2sf) =	vpush v11, $0xE  }
0x37: {  	s4 =	simm.s32 $0xF;
	v36 =	vmax.f32 v42, v36;
	[tilespmem:$0x1FDA0] =	vst v0;
	(v2sf) =	vpush v12, $0xE;
	v0 =	vlaneseq.u32  }
0x38: {  	s9 =	simm.s32 $0xC;
	v1 =	vor.u32 s0, v0;
	v0 =	vmov s4;
	(v2sf) =	vpush v15, $0xD  }
0x39: {  	s4 =	simm.s32 $0xB;
	vm0 =	vlt.u32 v0, v1;
	(v2sf) =	vpush v8, $0xD;
	v0 =	vmov s9  }
0x3a: {  	s3 =	simm.s32 $0x5000;
	v13 =	vmov s4;
	vm4 =	vlt.u32 v9, v1;
	vm10 =	vlt.u32 v7, v1  }
0x3b: {  	vm5 =	vlt.u32 v16, v1;
	vm11 =	vlt.u32 v10, v1;
	vm8 =	vlt.u32 v0, v1;
	v0 =	vld [tilespmem:s3+$0x0]  }
0x3c: {  	vm6 =	vlt.u32 v18, v1;
	vm12 =	vlt.u32 v14, v1;
	vm7 =	vlt.u32 v20, v1  }
0x3d: {  	vm13 =	vlt.u32 v17, v1;
	vm2 =	vlt.u32 v22, v1;
	vm9 =	vlt.u32 v19, v1  }
0x3e: {  	vm3 =	vlt.u32 v21, v1;
	v18 =	vbroadcast v15, $0xD;
	v19 =	vbroadcast v12, $0xE  }
0x3f: {  	v21 =	vbroadcast v11, $0xD;
	v22 =	vbroadcast v11, $0xB;
	(v2sf) =	vpush v11, $0xD  }
0x40: {  	vm1 =	vlt.u32 v13, v1;
	v2 =	vbroadcast v0, $0xF;
	v37 =	vbroadcast v0, $0xD  }
0x41: {  	v7 =	vld [tilespmem:s0+$0x5000];
	(v2sf) =	vpush v12, $0xD;
	v38 =	vbroadcast v0, $0xE;
	v4 =	vbroadcast v0, $0xB  }
0x42: {  	v18 =	vmax.f32 v42, v18;
	v14 =	vbroadcast v0, $0xC;
	v13 =	vbroadcast v0, $0x9  }
0x43: {  	v22 =	vmin.f32 v54, v22;
	v20 =	vbroadcast v0, $0xA;
	v39 =	vbroadcast v0, $0x7  }
0x44: {  	(v2sf) =	vpush v15, $0xC;
	v40 =	vbroadcast v0, $0x8;
	v16 =	vbroadcast v0, $0x5  }
0x45: {  	(v2sf) =	vpush v8, $0xC;
	v6 =	vbroadcast v0, $0x6;
	v17 =	vbroadcast v0, $0x3  }
0x46: {  	v5 =	vbroadcast v0, $0x4;
	v47 =	vbroadcast v0, $0x1;
	vm14 =	veq.f32 v2, v7  }
0x47: {  	[tilespmem:$0x1FF10] =	vst v2;
	v2 =	vbroadcast v0, $0x2;
	vm15 =	veq.f32 v38, v7;
	vm0 =	vmand vm0, vm14  }
0x48: {  	vm10 =	vmand vm10, vm15;
	v10 =	vsel vm0, $0xFFFFFFFF, v41;
	vm0 =	veq.f32 v37, v7  }
0x49: {  	[tilespmem:$0x1FF50] =	vst v14;
	v9 =	vsel vm10, $0xFFFFFFFF, v43;
	vm10 =	veq.f32 v14, v7;
	v14 =	vbroadcast v12, $0xF  }
0x4a: {  	v41 =	vbroadcast v15, $0x8;
	[tilespmem:$0x1FDB0] =	vst v10;
	vm0 =	vmand vm4, vm0;
	vm4 =	vmand vm8, vm10  }
0x4b: {  	[tilespmem:$0x1FDC0] =	vst v9;
	v10 =	vmax.f32 v3, v45;
	v45 =	vmin.f32 v54, v21;
	v9 =	vsel vm0, $0xFFFFFFFF, v44  }
0x4c: {  	[tilespmem:$0x1FF70] =	vst v4;
	vm0 =	veq.f32 v4, v7;
	v4 =	vimm.s32 $0x0;
	v14 =	vmin.f32 v49, v14  }
0x4d: {  	[tilespmem:$0x1FF60] =	vst v20;
	v27 =	vmax.f32 v42, v41;
	v4 =	vsel vm4, $0xFFFFFFFF, v4;
	vm4 =	veq.f32 v20, v7  }
0x4e: {  	[tilespmem:$0x1FDD0] =	vst v9;
	vm0 =	vmand vm1, vm0;
	v20 =	vbroadcast v15, $0xC;
	v9 =	vmin.f32 v54, v46  }
0x4f: {  	v44 =	vsub.f32 v14, v10;
	v14 =	vmin.f32 v49, v19;
	[tilespmem:$0x1FDE0] =	vst v4;
	v4 =	vimm.s32 $0x0  }
0x50: {  	[tilespmem:$0x1FF80] =	vst v13;
	vm1 =	vmand vm11, vm4;
	v4 =	vsel vm0, $0xFFFFFFFF, v4;
	vm0 =	veq.f32 v13, v7  }
0x51: {  	v13 =	vbroadcast v15, $0xE;
	v46 =	vmax.f32 v42, v20;
	[tilespmem:$0x1FDF0] =	vst v4;
	v4 =	vimm.s32 $0x0  }
0x52: {  	v20 =	vmin.f32 v54, v25;
	v25 =	vmax.f32 v42, v48;
	v4 =	vsel vm1, $0xFFFFFFFF, v4  }
0x53: {  	v48 =	vbroadcast v11, $0x4;
	vm0 =	vmand vm5, vm0;
	[tilespmem:$0x1FE00] =	vst v4;
	v4 =	vimm.s32 $0x0  }
0x54: {  	[tilespmem:$0x1FF40] =	vst v38;
	v38 =	vsub.f32 v20, v46;
	vm1 =	veq.f32 v40, v7;
	v4 =	vsel vm0, $0xFFFFFFFF, v4  }
0x55: {  	v20 =	vmax.f32 v42, v26;
	vm1 =	vmand vm12, vm1;
	[tilespmem:$0x1FE10] =	vst v4;
	v4 =	vimm.s32 $0x0  }
0x56: {  	v13 =	vmax.f32 v42, v13;
	vm0 =	veq.f32 v39, v7;
	v4 =	vsel vm1, $0xFFFFFFFF, v4  }
0x57: {  	v63 =	vsub.f32 v22, v20;
	vm0 =	vmand vm6, vm0;
	[tilespmem:$0x1FE20] =	vst v4;
	v4 =	vimm.s32 $0x0  }
0x58: {  	v22 =	vmin.f32 v49, v28;
	vm1 =	veq.f32 v6, v7;
	v4 =	vsel vm0, $0xFFFFFFFF, v4  }
0x59: {  	v28 =	vmin.f32 v54, v57;
	vm1 =	vmand vm13, vm1;
	[tilespmem:$0x1FE30] =	vst v4;
	v4 =	vimm.s32 $0x0  }
0x5a: {  	v27 =	vsub.f32 v28, v27;
	vm0 =	veq.f32 v16, v7;
	v4 =	vsel vm1, $0xFFFFFFFF, v4  }
0x5b: {  	vm0 =	vmand vm7, vm0;
	vm1 =	veq.f32 v5, v7;
	[tilespmem:$0x1FE40] =	vst v4;
	v4 =	vimm.s32 $0x0  }
0x5c: {  	[tilespmem:$0x1FFC0] =	vst v17;
	v28 =	vmin.f32 v49, v59;
	vm1 =	vmand vm9, vm1;
	v4 =	vsel vm0, $0xFFFFFFFF, v4  }
0x5d: {  	vm0 =	veq.f32 v17, v7;
	v17 =	vbroadcast v11, $0xE;
	[tilespmem:$0x1FE50] =	vst v4;
	v4 =	vimm.s32 $0x0  }
0x5e: {  	[tilespmem:$0x1FFB0] =	vst v16;
	v16 =	vbroadcast v8, $0xE;
	vm0 =	vmand vm2, vm0;
	v4 =	vsel vm1, $0xFFFFFFFF, v4  }
0x5f: {  	[tilespmem:$0x1FFD0] =	vst v2;
	vm1 =	veq.f32 v2, v7;
	v2 =	vimm.s32 $0x0;
	v17 =	vmin.f32 v54, v17  }
0x60: {  	[tilespmem:$0x1FE60] =	vst v4;
	v2 =	vsel vm0, $0xFFFFFFFF, v2;
	v4 =	vbroadcast v0, $0x0;
	v0 =	vbroadcast v15, $0xF  }
0x61: {  	vm0 =	vlt.u32 v24, v1;
	v24 =	vbroadcast v8, $0xD;
	[tilespmem:$0x1FE70] =	vst v2;
	v2 =	vimm.s32 $0x0  }
0x62: {  	v2 =	vsel vm0, $0xFFFFFFFF, v2;
	vm0 =	vmand vm3, vm1;
	v0 =	vmax.f32 v42, v0  }
0x63: {  	[tilespmem:$0x1FE80] =	vst v2;
	v2 =	vimm.s32 $0x0;
	v9 =	vsub.f32 v9, v0;
	v0 =	vsub.f32 v45, v18  }
0x64: {  	v17 =	vsub.f32 v17, v13;
	v13 =	vmax.f32 v3, v16;
	v2 =	vsel vm0, $0xFFFFFFFF, v2  }
0x65: {  	vm0 =	vlt.u32 v23, v1;
	v23 =	vbroadcast v12, $0xD;
	[tilespmem:$0x1FEC0] =	vst v0;
	v0 =	vbroadcast v11, $0x5  }
0x66: {  	v59 =	vmin.f32 v54, v61;
	v16 =	vsub.f32 v14, v13;
	[tilespmem:$0x1FE90] =	vst v2;
	v2 =	vbroadcast v11, $0xA  }
0x67: {  	v13 =	vmax.f32 v3, v24;
	v14 =	vmin.f32 v49, v23;
	v0 =	vmin.f32 v54, v0  }
0x68: {  	v24 =	vmin.f32 v54, v2;
	v2 =	vsub.f32 v0, v36;
	v0 =	vbroadcast v15, $0x1  }
0x69: {  	v21 =	vsub.f32 v14, v13;
	v14 =	vmax.f32 v3, v30;
	v30 =	vmax.f32 v42, v58  }
0x6a: {  	v46 =	vsub.f32 v59, v30;
	v59 =	vmin.f32 v54, v48;
	v48 =	vmax.f32 v42, v0;
	v0 =	vld [tilespmem:$0x1FF10]  }
0x6b: {  	(v2sf) =	vpush v11, $0xC  }
0x6c: {  	(v2sf) =	vpush v12, $0xC  }
0x6d: {  	s4 =	spop (v2sf);
	(v2sf) =	vpush v15, $0xB  }
0x6e: {  	[tilespmem:$0x1FEA0] =	vst v1;
	s9 =	spop (v2sf);
	(v2sf) =	vpush v8, $0xB;
	v1 =	vimm.s32 $0x0  }
0x6f: {  	s11 =	spop (v2sf);
	v1 =	vsel vm0, $0xFFFFFFFF, v1;
	vm0 =	vgt.f32 v0, v7;
	v0 =	vimm.s32 $0x0  }
0x70: {  	[tilespmem:$0x1FF30] =	vst v37;
	(v2sf) =	vpush v11, $0xB;
	s13 =	spop (v2sf);
	v0 =	vsel vm0, $0xFFFFFFFF, v0  }
0x71: {  	(v2sf) =	vpush v12, $0xB;
	s14 =	spop (v2sf);
	[tilespmem:$0x1FF20] =	vst v0;
	v0 =	vld [tilespmem:$0x1FF30]  }
0x72: {  	(v2sf) =	vpush v15, $0xA;
	s15 =	spop (v2sf)  }
0x73: {  	(v2sf) =	vpush v8, $0xA;
	s19 =	spop (v2sf)  }
0x74: {  	(v2sf) =	vpush v11, $0xA;
	s20 =	spop (v2sf)  }
0x75: {  	(v2sf) =	vpush v12, $0xA;
	s25 =	spop (v2sf)  }
0x76: {  	(v2sf) =	vpush v15, $0x9;
	s21 =	spop (v2sf);
	vm6 =	vgt.f32 v0, v7;
	v0 =	vld [tilespmem:$0x1FF40]  }
0x77: {  	(v2sf) =	vpush v8, $0x9;
	s22 =	spop (v2sf)  }
0x78: {  	(v2sf) =	vpush v11, $0x9;
	s23 =	spop (v2sf)  }
0x79: {  	(v2sf) =	vpush v12, $0x9;
	s24 =	spop (v2sf)  }
0x7a: {  	[dreg:$0x9] =	wrdreg s21;
	(v2sf) =	vpush v15, $0x8;
	s21 =	spop (v2sf)  }
0x7b: {  	(v2sf) =	vpush v8, $0x8;
	s26 =	spop (v2sf);
	vm11 =	vgt.f32 v0, v7;
	v0 =	vld [tilespmem:$0x1FF50]  }
0x7c: {  	[dreg:$0xb] =	wrdreg s23;
	(v2sf) =	vpush v11, $0x8;
	s23 =	spop (v2sf)  }
0x7d: {  	[smem:$0x7EA] =	sst s1;
	(v2sf) =	vpush v12, $0x8;
	s1 =	spop (v2sf)  }
0x7e: {  	[dreg:$0xc] =	wrdreg s24;
	(v2sf) =	vpush v15, $0x7;
	s24 =	spop (v2sf)  }
0x7f: {  	(v2sf) =	vpush v8, $0x7;
	s2 =	spop (v2sf)  }
0x80: {  	(v2sf) =	vpush v11, $0x7;
	s10 =	spop (v2sf);
	vm14 =	vgt.f32 v0, v7;
	v0 =	vld [tilespmem:$0x1FF60]  }
0x81: {  	v34 =	vbroadcast v8, $0xB;
	(v2sf) =	vpush v12, $0x7;
	s12 =	spop (v2sf)  }
0x82: {  	v32 =	vbroadcast v15, $0xA;
	v52 =	vbroadcast v8, $0x9;
	(v2sf) =	vpush v15, $0x6;
	s16 =	spop (v2sf)  }
0x83: {  	v53 =	vbroadcast v11, $0x9;
	v55 =	vbroadcast v12, $0x9;
	(v2sf) =	vpush v8, $0x6;
	s17 =	spop (v2sf)  }
0x84: {  	v56 =	vbroadcast v8, $0x8;
	v60 =	vbroadcast v8, $0x7;
	(v2sf) =	vpush v11, $0x6;
	s18 =	spop (v2sf)  }
0x85: {  	v62 =	vbroadcast v12, $0x7;
	[dreg:$0xa] =	wrdreg s22;
	(v2sf) =	vpush v12, $0x6;
	s22 =	spop (v2sf);
	vm5 =	vgt.f32 v0, v7;
	v0 =	vld [tilespmem:$0x1FF70]  }
0x86: {  	v29 =	vbroadcast v11, $0x6;
	v31 =	vbroadcast v12, $0x6;
	[dreg:$0xe] =	wrdreg s26;
	(v2sf) =	vpush v15, $0x5;
	s26 =	spop (v2sf)  }
0x87: {  	v35 =	vbroadcast v8, $0x5;
	v33 =	vbroadcast v15, $0x4;
	[dreg:$0xf] =	wrdreg s1;
	(v2sf) =	vpush v8, $0x5;
	s1 =	spop (v2sf)  }
0x88: {  	v51 =	vmax.f32 v3, v34;
	v34 =	vbroadcast v8, $0x4;
	[dreg:$0x11] =	wrdreg s2;
	(v2sf) =	vpush v11, $0x5;
	s2 =	spop (v2sf)  }
0x89: {  	v29 =	vmin.f32 v54, v29;
	v31 =	vmin.f32 v49, v31;
	[dreg:$0x4] =	wrdreg s10;
	(v2sf) =	vpush v12, $0x5;
	s10 =	spop (v2sf)  }
0x8a: {  	v35 =	vmax.f32 v3, v35;
	[dreg:$0x12] =	wrdreg s12;
	(v2sf) =	vpush v15, $0x4;
	s12 =	spop (v2sf);
	vm10 =	vgt.f32 v0, v7;
	v0 =	vld [tilespmem:$0x1FF80]  }
0x8b: {  	v33 =	vmax.f32 v42, v33;
	v37 =	vbroadcast v15, $0x6;
	[dreg:$0x5] =	wrdreg s16;
	(v2sf) =	vpush v8, $0x4;
	s16 =	spop (v2sf)  }
0x8c: {  	v34 =	vmax.f32 v3, v34;
	v43 =	vbroadcast v12, $0xA;
	[dreg:$0x13] =	wrdreg s17;
	(v2sf) =	vpush v11, $0x4;
	s17 =	spop (v2sf)  }
0x8d: {  	vm8 =	vgt.f32 v6, v7;
	v37 =	vmax.f32 v42, v37;
	[dreg:$0x6] =	wrdreg s18;
	(v2sf) =	vpush v12, $0x4;
	s18 =	spop (v2sf)  }
0x8e: {  	[tilespmem:$0x1FF90] =	vst v39;
	v10 =	vbroadcast v12, $0x4;
	v19 =	vbroadcast v12, $0x3;
	[dreg:$0x15] =	wrdreg s22;
	(v2sf) =	vpush v15, $0x3;
	s22 =	spop (v2sf)  }
0x8f: {  	vm4 =	vgt.f32 v5, v7;
	[dreg:$0x1a] =	wrdreg s16;
	(v2sf) =	vpush v8, $0x3;
	s16 =	spop (v2sf);
	vm9 =	vgt.f32 v0, v7;
	v0 =	vld [tilespmem:$0x1FF90]  }
0x90: {  	v26 =	vmin.f32 v54, v53;
	v53 =	vbroadcast v15, $0x3;
	[dreg:$0x7] =	wrdreg s26;
	(v2sf) =	vpush v11, $0x3;
	s26 =	spop (v2sf)  }
0x91: {  	v57 =	vbroadcast v11, $0x2;
	v61 =	vbroadcast v11, $0x3;
	[dreg:$0x16] =	wrdreg s1;
	(v2sf) =	vpush v12, $0x3;
	s1 =	spop (v2sf)  }
0x92: {  	v51 =	vsub.f32 v22, v51;
	v39 =	vbroadcast v8, $0xA;
	[dreg:$0x8] =	wrdreg s2;
	(v2sf) =	vpush v15, $0x2;
	s2 =	spop (v2sf)  }
0x93: {  	[tilespmem:$0x1FFA0] =	vst v40;
	v61 =	vmin.f32 v54, v61;
	vm13 =	veq.f32 v47, v7;
	[dreg:$0x18] =	wrdreg s10;
	(v2sf) =	vpush v8, $0x2;
	s10 =	spop (v2sf)  }
0x94: {  	vm1 =	vgt.f32 v47, v7;
	[dreg:$0xd] =	wrdreg s12;
	(v2sf) =	vpush v11, $0x2;
	s12 =	spop (v2sf);
	vm3 =	vgt.f32 v0, v7;
	v0 =	vld [tilespmem:$0x1FFA0]  }
0x95: {  	v18 =	vmin.f32 v49, v62;
	v62 =	vmin.f32 v49, v19;
	[dreg:$0x10] =	wrdreg s17;
	(v2sf) =	vpush v12, $0x2;
	s17 =	spop (v2sf)  }
0x96: {  	v19 =	vbroadcast v12, $0x0;
	[tilespmem:$0x1FEB0] =	vst v1;
	v1 =	vbroadcast v8, $0x6;
	[dreg:$0x1c] =	wrdreg s18;
	(v2sf) =	vpush v15, $0x1;
	s18 =	spop (v2sf)  }
0x97: {  	v23 =	vmax.f32 v42, v32;
	v40 =	vsub.f32 v50, v14;
	[dreg:$0x14] =	wrdreg s22;
	(v2sf) =	vpush v8, $0x1;
	s22 =	spop (v2sf)  }
0x98: {  	v32 =	vbroadcast v12, $0x5;
	v50 =	vsub.f32 v24, v23;
	[dreg:$0x17] =	wrdreg s26;
	(v2sf) =	vpush v11, $0x1;
	s26 =	spop (v2sf)  }
0x99: {  	v23 =	vmax.f32 v3, v39;
	[smem:$0x7ED] =	sst s22;
	(v2sf) =	vpush v12, $0x1;
	s22 =	spop (v2sf);
	vm12 =	vgt.f32 v0, v7;
	v0 =	vld [tilespmem:$0x1FFB0]  }
0x9a: {  	v24 =	vmin.f32 v49, v43;
	v30 =	vmax.f32 v3, v60;
	[dreg:$0x1f] =	wrdreg s1;
	(v2sf) =	vpush v15, $0x0;
	s1 =	spop (v2sf)  }
0x9b: {  	v58 =	vmax.f32 v3, v1;
	v32 =	vmin.f32 v49, v32;
	[smem:$0x7EB] =	sst s10;
	(v2sf) =	vpush v8, $0x0;
	s10 =	spop (v2sf)  }
0x9c: {  	v60 =	vmin.f32 v49, v10;
	v24 =	vsub.f32 v24, v23;
	[dreg:$0x19] =	wrdreg s2;
	(v2sf) =	vpush v11, $0x0;
	s2 =	spop (v2sf)  }
0x9d: {  	v36 =	vbroadcast v12, $0x1;
	v23 =	vsub.f32 v26, v25;
	[dreg:$0x1d] =	wrdreg s18;
	(v2sf) =	vpush v12, $0x0;
	s18 =	spop (v2sf)  }
0x9e: {  	v25 =	vmax.f32 v3, v52;
	v26 =	vmin.f32 v49, v55;
	[dreg:$0x1b] =	wrdreg s12;
	s12 =	spop (v2sf);
	vm0 =	vgt.f32 v0, v7;
	v0 =	vld [tilespmem:$0x1FFC0]  }
0x9f: {  	v52 =	vbroadcast v8, $0x3;
	v55 =	vbroadcast v15, $0x2;
	v13 =	vsub.f32 v31, v58;
	[dreg:$0x1e] =	wrdreg s26;
	s26 =	spop (v2sf)  }
0xa0: {  	v39 =	vsub.f32 v32, v35;
	v32 =	vbroadcast v12, $0x2;
	v58 =	vsub.f32 v59, v33;
	[smem:$0x7EC] =	sst s17;
	s17 =	spop (v2sf)  }
0xa1: {  	v33 =	vbroadcast v8, $0x1;
	v59 =	vsub.f32 v60, v34;
	v34 =	vbroadcast v11, $0x1;
	s30 =	spop (v2sf)  }
0xa2: {  	v45 =	vsub.f32 v18, v30;
	v35 =	vbroadcast v15, $0x0;
	v18 =	vbroadcast v11, $0x0;
	[smem:$0x7F0] =	sst s12;
	s12 =	spop (v2sf)  }
0xa3: {  	v25 =	vsub.f32 v26, v25;
	v26 =	vmax.f32 v3, v56;
	[smem:$0x7F1] =	sst s17;
	s17 =	spop (v2sf);
	vm7 =	vgt.f32 v0, v7;
	v0 =	vld [tilespmem:$0x1FFD0]  }
0xa4: {  	v26 =	vsub.f32 v28, v26;
	v30 =	vmovc v44;
	v44 =	vsub.f32 v29, v37;
	v37 =	vbroadcast v8, $0x2;
	s28 =	spop (v2sf)  }
0xa5: {  	v52 =	vmax.f32 v3, v52;
	v22 =	vmax.f32 v42, v55;
	v55 =	vmin.f32 v54, v57;
	[smem:$0x7EE] =	sst s1;
	s1 =	spop (v2sf)  }
0xa6: {  	[tilespmem:$0x1FED0] =	vst v42;
	v31 =	vmin.f32 v49, v32;
	v43 =	vmax.f32 v42, v35;
	v41 =	vsub.f32 v62, v52;
	s31 =	spop (v2sf)  }
0xa7: {  	[tilespmem:$0x1FEE0] =	vst v3;
	v52 =	vimm.f32 $0.0e+00;
	v62 =	vmin.f32 v49, v36;
	v37 =	vmax.f32 v3, v37;
	[smem:$0x7EF] =	sst s2;
	s2 =	spop (v2sf)  }
0xa8: {  	[tilespmem:$0x1FEF0] =	vst v54;
	v15 =	vmax.f32 v42, v53;
	[smem:$0x7F2] =	sst s1;
	s1 =	spop (v2sf);
	vm15 =	vgt.f32 v0, v7;
	v0 =	vimm.s32 $0x0  }
0xa9: {  	[tilespmem:$0x1FF00] =	vst v49;
	v53 =	vmax.f32 v3, v33;
	v33 =	vmin.f32 v54, v34;
	[smem:$0x7F3] =	sst s2;
	s2 =	spop (v2sf);
	v0 =	vsel vm1, $0xFFFFFFFF, v0  }
0xaa: {  	v28 =	vmovc v9;
	v8 =	vbroadcast v8, $0x0;
	s0 =	spop (v2sf);
	vm1 =	vgt.f32 v4, v7;
	[tilespmem:$0x1FFE0] =	vst v0;
	v0 =	vimm.s32 $0x0  }
0xab: {  	p0 =	por p1, p1;
	v29 =	vmovc v17;
	v42 =	vmin.f32 v54, v18;
	v34 =	vmin.f32 v49, v19;
	v49 =	vmovc v16;
	[smem:$0x7F4] =	sst s1;
	s1 =	spop (v2sf);
	v0 =	vsel vm1, $0xFFFFFFFF, v0  }
0xac: {  	s29 =	simm.s32 $0x1F;
	v15 =	vsub.f32 v61, v15;
	v35 =	vmax.f32 v3, v8;
	[smem:$0x7F5] =	sst s2;
	s2 =	spop (v2sf);
	vm1 =	veq.f32 v4, v7;
	[tilespmem:$0x1FFF0] =	vst v0  }
.LBB2_3:
0xad: {  	v0 =	vld [tilespmem:$0x1FE80];
	_ =	sdelay $0x1  }
0xae: {  	v1 =	vld [tilespmem:$0x1FEB0];
	_ =	sdelay $0x2  }
0xaf: {  	vm2 =	vnez.u8 v0  }
0xb0: {  	v0 =	vimm.s32 $0x0;
	vm2 =	vmand vm2, vm13  }
0xb1: {  	v0 =	vsel vm2, $0xFFFFFFFF, v0;
	vm2 =	vnez.u8 v1  }
0xb2: {  	v1 =	vimm.s32 $0x0;
	vm1 =	vmand vm2, vm1  }
0xb3: {  	v1 =	vsel vm1, $0xFFFFFFFF, v1  }
0xb4: {  	[tilespmem:$0x1F9D0] =	vst v1;
	v1 =	vld [tilespmem:$0x1FDC0];
	_ =	sdelay $0x4  }
0xb5: {  	vm1 =	vnez.u8 v1  }
0xb6: {  	v1 =	vimm.s32 $0x0;
	vm1 =	vmor vm11, vm1  }
0xb7: {  	v1 =	vsel vm1, $0xFFFFFFFF, v1  }
0xb8: {  	[tilespmem:$0x1F9E0] =	vst v1;
	v1 =	vld [tilespmem:$0x1FDF0];
	_ =	sdelay $0x4  }
0xb9: {  	vm1 =	vnez.u8 v1;
	v1 =	vld [tilespmem:$0x1FDE0];
	_ =	sdelay $0x4  }
0xba: {  	vm11 =	vmor vm10, vm1;
	vm1 =	vnez.u8 v1;
	v1 =	vld [tilespmem:$0x1FDD0];
	_ =	sdelay $0x3  }
0xbb: {  	[smem:$0x7E7] =	sst s23  }
0xbc: {  	[smem:$0x7E6] =	sst s21;
	vm10 =	vmor vm14, vm1;
	vm1 =	vnez.u8 v1;
	v1 =	vld [tilespmem:$0x1FE20]  }
0xbd: {  	[dreg:$0x3] =	wrdreg s3  }
0xbe: {  	s21 =	smov.u32 s5;
	s5 =	ssub.f32 s11, s4  }
0xbf: {  	s23 =	ssub.f32 s13, s9  }
0xc0: {  	s11 =	smov.u32 s6;
	s6 =	ssub.f32 s19, s14  }
0xc1: {  	s3 =	ssub.f32 s20, s15;
	vm6 =	vmor vm6, vm1;
	vm1 =	vnez.u8 v1;
	v1 =	vld [tilespmem:$0x1FE10]  }
0xc2: {  	s14 =	rddreg [dreg:$0xa]  }
0xc3: {  	s15 =	rddreg [dreg:$0x9]  }
0xc4: {  	s19 =	rddreg [dreg:$0xb]  }
0xc5: {  	s20 =	rddreg [dreg:$0xc]  }
0xc6: {  	s13 =	rddreg [dreg:$0xf];
	vm12 =	vmor vm12, vm1;
	vm1 =	vnez.u8 v1;
	v1 =	vld [tilespmem:$0x1FE00]  }
0xc7: {  	s9 =	ssub.f32 s14, s25  }
0xc8: {  	s19 =	ssub.f32 s19, s15  }
0xc9: {  	s25 =	rddreg [dreg:$0xe]  }
0xca: {  	s14 =	rddreg [dreg:$0x11]  }
0xcb: {  	s15 =	rddreg [dreg:$0x12];
	vm9 =	vmor vm9, vm1;
	vm1 =	vnez.u8 v1;
	v1 =	vld [tilespmem:$0x1FE50]  }
0xcc: {  	s4 =	ssub.f32 s25, s20  }
0xcd: {  	s20 =	rddreg [dreg:$0x13]  }
0xce: {  	s25 =	rddreg [dreg:$0x15]  }
0xcf: {  	[smem:$0x7E9] =	sst s4  }
0xd0: {  	s4 =	ssub.f32 s14, s13;
	vm2 =	vnez.u8 v1;
	v1 =	vld [tilespmem:$0x1FE40]  }
0xd1: {  	s14 =	ssub.f32 s20, s15  }
0xd2: {  	s13 =	rddreg [dreg:$0x16]  }
0xd3: {  	s20 =	rddreg [dreg:$0x18]  }
0xd4: {  	s15 =	ssub.f32 s13, s25  }
0xd5: {  	s25 =	rddreg [dreg:$0x1a];
	vm13 =	vmor vm0, vm2;
	vm0 =	vnez.u8 v1;
	v1 =	vld [tilespmem:$0x1FE30]  }
0xd6: {  	[smem:$0x7E8] =	sst s4  }
0xd7: {  	s13 =	ssub.f32 s25, s20  }
0xd8: {  	s4 =	rddreg [dreg:$0x1c]  }
0xd9: {  	s16 =	ssub.f32 s16, s4  }
0xda: {  	s4 =	sld [smem:$0x7EB];
	vm1 =	vmor vm5, vm1;
	vm5 =	vmor vm8, vm0;
	vm0 =	vnez.u8 v1;
	v1 =	vld [tilespmem:$0x1FE90]  }
0xdb: {  	s25 =	smov.u32 s24;
	s24 =	rddreg [dreg:$0x1f]  }
0xdc: {  	s20 =	sld [smem:$0x7EC]  }
0xdd: {  	s24 =	ssub.f32 s4, s24;
	s4 =	smov.u32 s12;
	s12 =	smov.u32 s18  }
0xde: {  	s18 =	smov.u32 s10;
	s10 =	smov.u32 s22;
	s22 =	sld [smem:$0x7ED]  }
0xdf: {  	vm2 =	vnez.u8 v1;
	v1 =	vld [tilespmem:$0x1FE70]  }
0xe0: {  	s17 =	ssub.f32 s17, s30  }
0xe1: {  	s20 =	ssub.f32 s22, s20  }
0xe2: {  	s22 =	ssub.f32 s18, s10  }
0xe3: {  	s10 =	ssub.f32 s26, s12  }
0xe4: {  	s18 =	sld [smem:$0x7F2];
	vm8 =	vmor vm15, vm2;
	vm2 =	vnez.u8 v1;
	v1 =	vld [tilespmem:$0x1FE60]  }
0xe5: {  	s26 =	sld [smem:$0x7F3]  }
0xe6: {  	s0 =	ssub.f32 s2, s0  }
0xe7: {  	s5 =	smul.f32 s23, s5;
	s23 =	sld [smem:$0x7F4]  }
0xe8: {  	s18 =	ssub.f32 s26, s18  }
0xe9: {  	s26 =	sld [smem:$0x7F5];
	vm0 =	vmor vm3, vm0;
	vm3 =	vmor vm7, vm2;
	vm2 =	vnez.u8 v1;
	v1 =	vld [tilespmem:$0x1FEC0]  }
0xea: {  	s6 =	smul.f32 s3, s6;
	s3 =	ssub.f32 s23, s31  }
0xeb: {  	s23 =	sld [smem:$0x7F1]  }
0xec: {  	s1 =	ssub.f32 s1, s26  }
0xed: {  	s26 =	smul.f32 s19, s9;
	s19 =	sld [smem:$0x7F0]  }
0xee: {  	s12 =	ssub.f32 s28, s4;
	v17 =	vmax.f32 v1, $0.0e+00;
	v1 =	vld [tilespmem:$0x1FDA0]  }
0xef: {  	v8 =	vsub.f32 v31, v37;
	v19 =	vmax.f32 v21, $0.0e+00;
	v20 =	vmax.f32 v63, $0.0e+00;
	s4 =	sld [smem:$0x7EE]  }
0xf0: {  	v21 =	vmax.f32 v38, $0.0e+00;
	v14 =	vmax.f32 v40, $0.0e+00;
	v24 =	vmax.f32 v24, $0.0e+00;
	s18 =	smul.f32 s3, s18;
	s3 =	ssub.f32 s23, s19  }
0xf1: {  	v27 =	vmax.f32 v27, $0.0e+00;
	v23 =	vmax.f32 v23, $0.0e+00;
	v25 =	vmax.f32 v25, $0.0e+00;
	s19 =	rddreg [dreg:$0x1b]  }
0xf2: {  	v36 =	vmax.f32 v58, $0.0e+00;
	[tilespmem:$0x1F9C0] =	vst v0;
	v0 =	vsub.f32 v55, v22;
	v22 =	vmax.f32 v50, $0.0e+00;
	s23 =	rddreg [dreg:$0x17]  }
0xf3: {  	v58 =	vmax.f32 v8, $0.0e+00;
	v8 =	vmul.f32 v24, v22;
	v22 =	vadd.f32 s5, v1;
	s5 =	sld [smem:$0x7EF]  }
0xf4: {  	v26 =	vmax.f32 v26, $0.0e+00;
	v63 =	vmul.f32 v25, v23;
	v25 =	vadd.f32 s6, v1;
	s6 =	smul.f32 s3, s10;
	s10 =	rddreg [dreg:$0x1d]  }
0xf5: {  	v60 =	vmul.f32 v14, v21;
	v14 =	vmul.f32 v26, v27;
	v26 =	vadd.f32 s26, v1;
	s26 =	smul.f32 s12, s17;
	s12 =	rddreg [dreg:$0x1e]  }
0xf6: {  	v27 =	vadd.f32 s18, v1;
	s18 =	rddreg [dreg:$0x19]  }
0xf7: {  	s3 =	ssub.f32 s12, s10  }
0xf8: {  	v11 =	vsub.f32 v33, v48;
	s10 =	rddreg [dreg:$0x7]  }
0xf9: {  	v32 =	vsub.f32 v62, v53;
	v48 =	vsub.f32 v42, v43;
	s12 =	rddreg [dreg:$0x8]  }
0xfa: {  	v34 =	vsub.f32 v34, v35;
	v12 =	vmax.f32 v29, $0.0e+00;
	v9 =	vmax.f32 v28, $0.0e+00;
	s0 =	smul.f32 s0, s1;
	s1 =	ssub.f32 s5, s4  }
0xfb: {  	v10 =	vmax.f32 v30, $0.0e+00;
	v16 =	vmax.f32 v49, $0.0e+00;
	v30 =	vmax.f32 v45, $0.0e+00;
	s4 =	rddreg [dreg:$0xd]  }
0xfc: {  	v31 =	vmax.f32 v13, $0.0e+00;
	v54 =	vmax.f32 v59, $0.0e+00;
	v18 =	vmax.f32 v51, $0.0e+00;
	s5 =	rddreg [dreg:$0x10]  }
0xfd: {  	v57 =	vmax.f32 v15, $0.0e+00;
	v41 =	vmax.f32 v41, $0.0e+00;
	v13 =	vmul.f32 v10, v9;
	s17 =	smul.f32 s1, s22;
	s1 =	ssub.f32 s19, s18  }
0xfe: {  	v12 =	vmul.f32 v16, v12;
	v59 =	vmax.f32 v11, $0.0e+00;
	v62 =	vmax.f32 v48, $0.0e+00;
	s22 =	rddreg [dreg:$0x14]  }
0xff: {  	v61 =	vmul.f32 v19, v17;
	v17 =	vmax.f32 v32, $0.0e+00;
	v22 =	vsub.f32 v22, v13;
	s18 =	rddreg [dreg:$0x6]  }
0x100: {  	v24 =	vmul.f32 v41, v57;
	v17 =	vmul.f32 v17, v59;
	v25 =	vsub.f32 v25, v12;
	s20 =	smul.f32 s3, s20;
	s3 =	ssub.f32 s23, s22  }
0x101: {  	v26 =	vsub.f32 v26, v61;
	(erf) = vrcp.f32 v22;
	v22 =	vadd.f32 s26, v1;
	s23 =	sld [smem:$0x7E6]  }
0x102: {  	(erf) = vrcp.f32 v25;
	v25 =	vsub.f32 v27, v17;
	v27 =	vadd.f32 s6, v1;
	s26 =	smul.f32 s1, s24;
	s1 =	ssub.f32 s5, s4  }
0x103: {  	v33 =	vmax.f32 v34, $0.0e+00;
	(erf) = vrcp.f32 v26;
	v26 =	vadd.f32 s17, v1;
	s17 =	rddreg [dreg:$0x5]  }
0x104: {  	v56 =	vmax.f32 v0, $0.0e+00;
	v35 =	vsub.f32 v27, v24;
	v27 =	vadd.f32 s20, v1;
	s20 =	rddreg [dreg:$0x4]  }
0x105: {  	v0 =	vmul.f32 v18, v20;
	v18 =	vmul.f32 v33, v62;
	v34 =	vadd.f32 s0, v1;
	s24 =	sld [smem:$0x7E7]  }
0x106: {  	v53 =	vmax.f32 v2, $0.0e+00;
	v28 =	vmax.f32 v46, $0.0e+00;
	v29 =	vmax.f32 v44, $0.0e+00;
	s6 =	smul.f32 s3, s16;
	s3 =	ssub.f32 s12, s10  }
0x107: {  	v16 =	vmul.f32 v31, v29;
	v23 =	vmul.f32 v58, v56;
	v19 =	vsub.f32 v34, v18;
	s16 =	smul.f32 s1, s13;
	s1 =	ssub.f32 s18, s17  }
0x108: {  	v15 =	vmul.f32 v30, v28;
	v55 =	vmax.f32 v39, $0.0e+00;
	v20 =	vmul.f32 v54, v36;
	s19 =	smul.f32 s3, s15;
	s3 =	ssub.f32 s20, s25  }
0x109: {  	v21 =	vmul.f32 v55, v53;
	v22 =	vsub.f32 v22, v23;
	(erf) = vrcp.f32 v19;
	s25 =	sld [smem:$0x7E8]  }
0x10a: {  	(erf) = vrcp.f32 v25;
	v25 =	vsub.f32 v26, v20;
	v26 =	vadd.f32 s26, v1;
	s26 =	sld [smem:$0x7E9]  }
0x10b: {  	(erf) = vrcp.f32 v22;
	v22 =	vsub.f32 v27, v21;
	v27 =	vadd.f32 s6, v1;
	s22 =	smul.f32 s1, s14;
	s1 =	ssub.f32 s24, s23  }
0x10c: {  	(erf) = vrcp.f32 v35;
	v2 =	vsub.f32 v26, v16;
	v26 =	vadd.f32 s16, v1;
	s2 =	smul.f32 s3, s25  }
0x10d: {  	(erf) = vrcp.f32 v25;
	v3 =	vsub.f32 v27, v15;
	v27 =	vadd.f32 s19, v1;
	s0 =	smul.f32 s1, s26  }
0x10e: {  	(erf) = vrcp.f32 v22;
	v4 =	vsub.f32 v26, v14;
	v26 =	vadd.f32 s22, v1  }
0x10f: {  	(erf) = vrcp.f32 v2;
	v28 =	vadd.f32 s2, v1;
	v2 =	vadd.f32 s0, v1;
	v1 =	vld [tilespmem:$0x1FFE0];
	_ =	sdelay $0x4  }
0x110: {  	vm2 =	vmor vm4, vm2;
	vm4 =	vnez.u8 v1;
	v1 =	vld [tilespmem:$0x1F9C0];
	_ =	sdelay $0x4  }
0x111: {  	vm7 =	vnez.u8 v1;
	v1 =	vld [tilespmem:$0x1FFF0];
	_ =	sdelay $0x4  }
0x112: {  	v36 =	vpop (erf);
	vm4 =	vmor vm4, vm7;
	vm7 =	vnez.u8 v1;
	v1 =	vld [tilespmem:$0x1F9D0]  }
0x113: {  	v25 =	vpop (erf)  }
0x114: {  	v27 =	vsub.f32 v27, v63;
	(erf) = vrcp.f32 v3;
	v22 =	vpop (erf)  }
0x115: {  	v3 =	vsub.f32 v26, v8;
	(erf) = vrcp.f32 v4;
	v30 =	vpop (erf)  }
0x116: {  	(erf) = vrcp.f32 v27;
	v28 =	vsub.f32 v28, v0;
	v18 =	vmul.f32 v30, v18;
	v29 =	vpop (erf)  }
0x117: {  	(erf) = vrcp.f32 v3;
	v17 =	vmul.f32 v29, v17;
	vm14 =	vnez.u8 v1  }
0x118: {  	v27 =	vsub.f32 v2, v60;
	v26 =	vpop (erf);
	(erf) = vrcp.f32 v28;
	vm7 =	vmor vm7, vm14  }
0x119: {  	v17 =	vnsel vm4, $0x0, v17;
	v1 =	vmul.f32 v26, v23;
	v26 =	vpop (erf);
	v18 =	vnsel vm7, $0x0, v18  }
0x11a: {  	(erf) = vrcp.f32 v27;
	v24 =	vmul.f32 v26, v24;
	v26 =	vpop (erf);
	v18 =	vmax.f32 v52, v18  }
0x11b: {  	v37 =	vnsel vm8, $0x0, v1;
	v1 =	vmul.f32 v26, v20;
	v23 =	vpop (erf);
	v17 =	vmax.f32 v18, v17  }
0x11c: {  	v38 =	vnsel vm3, $0x0, v24;
	v21 =	vmul.f32 v23, v21;
	v23 =	vpop (erf);
	v17 =	vmax.f32 v17, v37  }
0x11d: {  	v2 =	vnsel vm2, $0x0, v1;
	v16 =	vmul.f32 v23, v16;
	v20 =	vpop (erf);
	v17 =	vmax.f32 v17, v38  }
0x11e: {  	v1 =	vnsel vm13, $0x0, v21;
	v15 =	vmul.f32 v20, v15;
	v2 =	vmax.f32 v17, v2  }
0x11f: {  	v20 =	vpop (erf);
	v1 =	vmax.f32 v2, v1;
	v2 =	vnsel vm5, $0x0, v16  }
0x120: {  	v14 =	vmul.f32 v20, v14;
	v39 =	vpop (erf);
	v15 =	vnsel vm0, $0x0, v15;
	v1 =	vmax.f32 v1, v2  }
0x121: {  	v9 =	vmul.f32 v39, v63;
	v17 =	vpop (erf);
	v15 =	vmax.f32 v1, v15;
	v1 =	vld [tilespmem:$0x1F9E0]  }
0x122: {  	s7 =	sadd.s32 $0x10, s7;
	v14 =	vnsel vm12, $0x0, v14;
	v8 =	vmul.f32 v17, v8  }
0x123: {  	v11 =	vld [tilespmem:s7+$0x0];
	s5 =	sadd.s32 $0x10, s21;
	v16 =	vpop (erf);
	v14 =	vmax.f32 v15, v14;
	v15 =	vnsel vm9, $0x0, v9  }
0x124: {  	s6 =	sadd.s32 $0x10, s11;
	v0 =	vmul.f32 v16, v0;
	v16 =	vpop (erf);
	v9 =	vld [tilespmem:s5+$0x0];
	v14 =	vmax.f32 v14, v15;
	v8 =	vnsel vm1, $0x0, v8  }
0x125: {  	v10 =	vld [tilespmem:s6+$0x0];
	v15 =	vmul.f32 v16, v60;
	v8 =	vmax.f32 v14, v8  }
0x126: {  	s8 =	sadd.s32 $0x10, s8;
	v0 =	vnsel vm11, $0x0, v0;
	v14 =	vmul.f32 v22, v61;
	vm0 =	vnez.u8 v1;
	v1 =	vld [tilespmem:$0x1FDB0]  }
0x127: {  	v0 =	vmax.f32 v8, v0;
	v8 =	vnsel vm10, $0x0, v15;
	v15 =	vmul.f32 v25, v12;
	v12 =	vld [tilespmem:s8+$0x0];
	_ =	sdelay $0x1  }
0x128: {  	v0 =	vmax.f32 v0, v8;
	v8 =	vnsel vm6, $0x0, v14;
	(v2sf) =	vpush v9, $0xF  }
0x129: {  	v0 =	vmax.f32 v0, v8;
	(v2sf) =	vpush v10, $0xF  }
0x12a: {  	s12 =	sadd.s32 $0xFFFFFFF7, s29;
	v8 =	vnsel vm0, $0x0, v15;
	(v2sf) =	vpush v11, $0xF;
	vm0 =	vnez.u8 v1;
	v1 =	vld [tilespmem:$0x1FF20]  }
0x12b: {  	v49 =	vimm.s32 $0x0;
	s13 =	sadd.s32 $0xFFFFFFF8, s29;
	v40 =	vmov s12;
	(v2sf) =	vpush v12, $0xF  }
0x12c: {  	v41 =	vmov s13;
	v13 =	vmul.f32 v36, v13;
	(v2sf) =	vpush v9, $0xE  }
0x12d: {  	s17 =	sadd.s32 $0xFFFFFFF4, s29;
	s18 =	sadd.s32 $0xFFFFFFF1, s29;
	v3 =	vbroadcast v10, $0xF;
	v26 =	vbroadcast v11, $0x7;
	(v2sf) =	vpush v10, $0xE  }
0x12e: {  	s15 =	sadd.s32 $0xFFFFFFF6, s29;
	v24 =	vmov s18;
	v23 =	vmov s17;
	(v2sf) =	vpush v11, $0xE  }
0x12f: {  	s14 =	sadd.s32 $0xFFFFFFF5, s29;
	v21 =	vmov s15;
	(v2sf) =	vpush v12, $0xE;
	vm1 =	vnez.u8 v1;
	v1 =	vld [tilespmem:$0x1FEA0]  }
0x130: {  	s9 =	sadd.s32 $0xFFFFFFFC, s29;
	s11 =	sadd.s32 $0xFFFFFFFA, s29;
	v20 =	vmov s14;
	v2 =	vimm.s32 $0x0;
	(v2sf) =	vpush v9, $0xD  }
0x131: {  	v17 =	vmov s11;
	v15 =	vmov s9;
	(v2sf) =	vpush v10, $0xD  }
0x132: {  	s3 =	sadd.s32 $0xFFFFFFFE, s29;
	v0 =	vmax.f32 v0, v8;
	vm0 =	vmor vm1, vm0;
	(v2sf) =	vpush v11, $0xD  }
0x133: {  	s1 =	sadd.s32 $0xFFFFFFFF, s29;
	v8 =	vnsel vm0, $0x0, v13;
	v13 =	vmov s3;
	(v2sf) =	vpush v12, $0xD  }
0x134: {  	v0 =	vmax.f32 v0, v8;
	v8 =	vmov s1;
	vm0 =	vlt.u32 v13, v1  }
0x135: {  	(v2sf) =	vpush v9, $0xC;
	[tilespmem:$0x1FD90] =	vst v0;
	v0 =	vmov s29;
	v2 =	vsel vm0, $0xFFFFFFFF, v2  }
0x136: {  	s2 =	sadd.s32 $0xFFFFFFFD, s29;
	(v2sf) =	vpush v10, $0xC;
	vm0 =	vlt.u32 v8, v1;
	[tilespmem:$0x1FBE0] =	vst v2;
	v2 =	vimm.s32 $0x0  }
0x137: {  	vm2 =	vlt.u32 v0, v1;
	v0 =	vmov s2;
	v2 =	vsel vm0, $0xFFFFFFFF, v2  }
0x138: {  	(v2sf) =	vpush v11, $0xC;
	vm0 =	vlt.u32 v15, v1;
	[tilespmem:$0x1FB90] =	vst v2;
	v2 =	vimm.s32 $0x0  }
0x139: {  	v2 =	vsel vm0, $0xFFFFFFFF, v2;
	vm0 =	vlt.u32 v0, v1;
	v0 =	vimm.s32 $0x0  }
0x13a: {  	s4 =	sadd.s32 $0xFFFFFFFB, s29;
	[tilespmem:$0x1FC40] =	vst v2;
	v0 =	vsel vm0, $0xFFFFFFFF, v0;
	vm0 =	vlt.u32 v17, v1;
	v2 =	vimm.s32 $0x0  }
0x13b: {  	v14 =	vmov s4;
	(v2sf) =	vpush v12, $0xC;
	v2 =	vsel vm0, $0xFFFFFFFF, v2  }
0x13c: {  	s10 =	sadd.s32 $0xFFFFFFF9, s29;
	s4 =	spop (v2sf);
	(v2sf) =	vpush v9, $0xB;
	vm0 =	vlt.u32 v14, v1;
	[tilespmem:$0x1FC70] =	vst v2;
	v2 =	vimm.s32 $0x0  }
0x13d: {  	v16 =	vmov s10;
	s9 =	spop (v2sf);
	(v2sf) =	vpush v10, $0xB;
	v2 =	vsel vm0, $0xFFFFFFFF, v2  }
0x13e: {  	s16 =	sadd.s32 $0xFFFFFFF3, s29;
	s11 =	spop (v2sf);
	(v2sf) =	vpush v11, $0xB;
	vm0 =	vlt.u32 v41, v1;
	[tilespmem:$0x1FC60] =	vst v2;
	v2 =	vimm.s32 $0x0  }
0x13f: {  	v22 =	vmov s16;
	s13 =	spop (v2sf);
	(v2sf) =	vpush v12, $0xB;
	v2 =	vsel vm0, $0xFFFFFFFF, v2  }
0x140: {  	s19 =	sadd.s32 $0xFFFFFFF2, s29;
	s14 =	spop (v2sf);
	(v2sf) =	vpush v9, $0xA;
	vm0 =	vlt.u32 v16, v1;
	[tilespmem:$0x1FCB0] =	vst v2;
	v2 =	vimm.s32 $0x0  }
0x141: {  	v25 =	vmov s19;
	s15 =	spop (v2sf);
	(v2sf) =	vpush v10, $0xA;
	v2 =	vsel vm0, $0xFFFFFFFF, v2  }
0x142: {  	s20 =	rddreg [dreg:$0x3];
	s19 =	spop (v2sf);
	(v2sf) =	vpush v11, $0xA;
	vm0 =	vlt.u32 v21, v1;
	[tilespmem:$0x1FC90] =	vst v2;
	v2 =	vimm.s32 $0x0  }
0x143: {  	v6 =	vbroadcast v9, $0xE;
	s3 =	sadd.s32 $0x10, s20;
	s20 =	spop (v2sf);
	(v2sf) =	vpush v12, $0xA;
	v2 =	vsel vm0, $0xFFFFFFFF, v2  }
0x144: {  	s25 =	spop (v2sf);
	(v2sf) =	vpush v9, $0x9;
	vm0 =	vlt.u32 v40, v1;
	[tilespmem:$0x1FCE0] =	vst v2;
	v2 =	vimm.s32 $0x0  }
0x145: {  	v5 =	vbroadcast v9, $0xD;
	s21 =	spop (v2sf);
	(v2sf) =	vpush v10, $0x9;
	v2 =	vsel vm0, $0xFFFFFFFF, v2  }
0x146: {  	s22 =	spop (v2sf);
	(v2sf) =	vpush v11, $0x9;
	vm0 =	vlt.u32 v23, v1;
	[tilespmem:$0x1FCD0] =	vst v2;
	v2 =	vimm.s32 $0x0  }
0x147: {  	v46 =	vbroadcast v9, $0xC;
	s23 =	spop (v2sf);
	(v2sf) =	vpush v12, $0x9;
	v2 =	vsel vm0, $0xFFFFFFFF, v2  }
0x148: {  	s24 =	spop (v2sf);
	(v2sf) =	vpush v9, $0x8;
	vm0 =	vlt.u32 v20, v1;
	[tilespmem:$0x1FD30] =	vst v2;
	v2 =	vimm.s32 $0x0  }
0x149: {  	v52 =	vbroadcast v9, $0xB;
	[dreg:$0x9] =	wrdreg s21;
	s21 =	spop (v2sf);
	(v2sf) =	vpush v10, $0x8;
	v2 =	vsel vm0, $0xFFFFFFFF, v2  }
0x14a: {  	s26 =	spop (v2sf);
	(v2sf) =	vpush v11, $0x8;
	vm0 =	vlt.u32 v25, v1;
	[tilespmem:$0x1FD00] =	vst v2;
	v2 =	vimm.s32 $0x0  }
0x14b: {  	[tilespmem:$0x1FAE0] =	vst v26;
	v26 =	vbroadcast v12, $0x7;
	[dreg:$0xb] =	wrdreg s23;
	s23 =	spop (v2sf);
	(v2sf) =	vpush v12, $0x8;
	v2 =	vsel vm0, $0xFFFFFFFF, v2  }
0x14c: {  	s1 =	spop (v2sf);
	(v2sf) =	vpush v9, $0x7;
	vm0 =	vlt.u32 v22, v1;
	[tilespmem:$0x1FE80] =	vst v2;
	v2 =	vimm.s32 $0x0  }
0x14d: {  	[tilespmem:$0x1FAF0] =	vst v26;
	v2 =	vsel vm0, $0xFFFFFFFF, v2;
	vm0 =	vlt.u32 v24, v1;
	v1 =	vimm.s32 $0x0  }
0x14e: {  	v26 =	vbroadcast v11, $0x6;
	[tilespmem:$0x1FC20] =	vst v0;
	[dreg:$0xc] =	wrdreg s24;
	s24 =	spop (v2sf);
	(v2sf) =	vpush v10, $0x7;
	v1 =	vsel vm0, $0xFFFFFFFF, v1  }
0x14f: {  	v61 =	vbroadcast v9, $0x6;
	v0 =	vld [tilespmem:s3+$0x0];
	s2 =	spop (v2sf);
	(v2sf) =	vpush v11, $0x7;
	[tilespmem:$0x1FEB0] =	vst v1;
	v1 =	vbroadcast v11, $0xB  }
0x150: {  	v58 =	vbroadcast v9, $0x5;
	[tilespmem:$0x1FB00] =	vst v26;
	v26 =	vbroadcast v12, $0x6;
	s10 =	spop (v2sf);
	(v2sf) =	vpush v12, $0x7  }
0x151: {  	v56 =	vbroadcast v9, $0x3;
	s12 =	spop (v2sf);
	(v2sf) =	vpush v9, $0x6;
	[tilespmem:$0x1F9F0] =	vst v1;
	v1 =	vbroadcast v9, $0xA  }
0x152: {  	v53 =	vbroadcast v9, $0x1;
	[tilespmem:$0x1FB10] =	vst v26;
	v26 =	vbroadcast v10, $0x5;
	s16 =	spop (v2sf);
	(v2sf) =	vpush v10, $0x6  }
0x153: {  	v35 =	vbroadcast v9, $0x0;
	s17 =	spop (v2sf);
	(v2sf) =	vpush v11, $0x6;
	[tilespmem:$0x1FA10] =	vst v1;
	v1 =	vbroadcast v12, $0xB  }
0x154: {  	[tilespmem:$0x1FB20] =	vst v26;
	v26 =	vbroadcast v11, $0x5;
	v39 =	vbroadcast v0, $0xF;
	s18 =	spop (v2sf);
	(v2sf) =	vpush v12, $0x6  }
0x155: {  	v36 =	vbroadcast v0, $0xD;
	[dreg:$0xa] =	wrdreg s22;
	s22 =	spop (v2sf);
	(v2sf) =	vpush v9, $0x5;
	[tilespmem:$0x1FA00] =	vst v1;
	v1 =	vbroadcast v10, $0xA  }
0x156: {  	v38 =	vbroadcast v0, $0xE;
	v32 =	vbroadcast v0, $0xC;
	[dreg:$0xe] =	wrdreg s26;
	s26 =	spop (v2sf);
	(v2sf) =	vpush v10, $0x5  }
0x157: {  	v14 =	vbroadcast v0, $0x5;
	[dreg:$0xf] =	wrdreg s1;
	s1 =	spop (v2sf);
	(v2sf) =	vpush v11, $0x5;
	[tilespmem:$0x1FA20] =	vst v1;
	v1 =	vbroadcast v11, $0xA  }
0x158: {  	v13 =	vbroadcast v0, $0x3;
	v27 =	vbroadcast v0, $0x4;
	[dreg:$0x11] =	wrdreg s2;
	s2 =	spop (v2sf);
	(v2sf) =	vpush v12, $0x5  }
0x159: {  	v15 =	vbroadcast v0, $0x1;
	[dreg:$0x4] =	wrdreg s10;
	s10 =	spop (v2sf);
	(v2sf) =	vpush v9, $0x4;
	[tilespmem:$0x1FA30] =	vst v1;
	v1 =	vbroadcast v9, $0x9  }
0x15a: {  	v16 =	vbroadcast v0, $0x2;
	v17 =	vbroadcast v0, $0x0;
	[dreg:$0x12] =	wrdreg s12;
	s12 =	spop (v2sf);
	(v2sf) =	vpush v10, $0x4  }
0x15b: {  	v21 =	vbroadcast v0, $0xB;
	[dreg:$0x5] =	wrdreg s16;
	s16 =	spop (v2sf);
	(v2sf) =	vpush v11, $0x4;
	[tilespmem:$0x1FA40] =	vst v1;
	v1 =	vbroadcast v12, $0xA  }
0x15c: {  	v29 =	vld [tilespmem:$0x1FED0];
	v40 =	vbroadcast v0, $0xA;
	v23 =	vbroadcast v0, $0x6;
	[dreg:$0x13] =	wrdreg s17;
	s17 =	spop (v2sf);
	(v2sf) =	vpush v12, $0x4  }
0x15d: {  	v20 =	vbroadcast v0, $0x9;
	[dreg:$0x6] =	wrdreg s18;
	s18 =	spop (v2sf);
	(v2sf) =	vpush v9, $0x3;
	[tilespmem:$0x1FA60] =	vst v1;
	v1 =	vbroadcast v10, $0x9  }
0x15e: {  	v30 =	vld [tilespmem:$0x1FEE0];
	v25 =	vbroadcast v0, $0x8;
	v24 =	vbroadcast v0, $0x7;
	[dreg:$0x15] =	wrdreg s22;
	s22 =	spop (v2sf);
	(v2sf) =	vpush v10, $0x3  }
0x15f: {  	v0 =	vbroadcast v9, $0xF;
	[dreg:$0x1a] =	wrdreg s16;
	s16 =	spop (v2sf);
	(v2sf) =	vpush v11, $0x3;
	[tilespmem:$0x1FA50] =	vst v1;
	v1 =	vbroadcast v11, $0x9  }
0x160: {  	v4 =	vbroadcast v12, $0xF;
	[tilespmem:$0x1FB30] =	vst v26;
	v26 =	vbroadcast v9, $0x4;
	[dreg:$0x7] =	wrdreg s26;
	s26 =	spop (v2sf);
	(v2sf) =	vpush v12, $0x3  }
0x161: {  	v0 =	vmax.f32 v29, v0;
	[dreg:$0x16] =	wrdreg s1;
	s1 =	spop (v2sf);
	(v2sf) =	vpush v9, $0x2;
	[tilespmem:$0x1FA80] =	vst v1;
	v1 =	vbroadcast v9, $0x8  }
0x162: {  	v28 =	vld [tilespmem:$0x1FF00];
	v8 =	vbroadcast v10, $0xE;
	v41 =	vbroadcast v9, $0x2;
	[tilespmem:$0x1FBB0] =	vst v0;
	[dreg:$0x8] =	wrdreg s2;
	s2 =	spop (v2sf);
	(v2sf) =	vpush v10, $0x2  }
0x163: {  	v0 =	vmax.f32 v30, v3;
	[dreg:$0x18] =	wrdreg s10;
	s10 =	spop (v2sf);
	(v2sf) =	vpush v11, $0x2;
	[tilespmem:$0x1FA70] =	vst v1;
	v1 =	vbroadcast v12, $0x9  }
0x164: {  	vm6 =	vgt.f32 v36, v7;
	vm11 =	vgt.f32 v38, v7;
	[tilespmem:$0x1FBC0] =	vst v0;
	[dreg:$0xd] =	wrdreg s12;
	s12 =	spop (v2sf);
	(v2sf) =	vpush v12, $0x2  }
0x165: {  	v0 =	vmax.f32 v29, v6;
	[dreg:$0x10] =	wrdreg s17;
	s17 =	spop (v2sf);
	(v2sf) =	vpush v9, $0x1;
	[tilespmem:$0x1FA90] =	vst v1;
	v1 =	vbroadcast v10, $0x8  }
0x166: {  	vm3 =	veq.f32 v39, v7;
	vm14 =	vgt.f32 v32, v7;
	[tilespmem:$0x1FC00] =	vst v0;
	[dreg:$0x1c] =	wrdreg s18;
	s18 =	spop (v2sf);
	(v2sf) =	vpush v10, $0x1  }
0x167: {  	v0 =	vmin.f32 v28, v4;
	[dreg:$0x14] =	wrdreg s22;
	s22 =	spop (v2sf);
	(v2sf) =	vpush v11, $0x1;
	[tilespmem:$0x1FAA0] =	vst v1;
	v1 =	vbroadcast v11, $0x8  }
0x168: {  	vm5 =	veq.f32 v40, v7;
	vm0 =	vgt.f32 v39, v7;
	[tilespmem:$0x1FBD0] =	vst v0;
	[dreg:$0x17] =	wrdreg s26;
	s26 =	spop (v2sf);
	(v2sf) =	vpush v12, $0x1  }
0x169: {  	v0 =	vmax.f32 v30, v8;
	[smem:$0x7ED] =	sst s22;
	s22 =	spop (v2sf);
	(v2sf) =	vpush v9, $0x0;
	[tilespmem:$0x1FAB0] =	vst v1;
	v1 =	vbroadcast v9, $0x7  }
0x16a: {  	[tilespmem:$0x1FC10] =	vst v0;
	v9 =	vsel vm0, $0xFFFFFFFF, v49;
	vm0 =	veq.f32 v36, v7;
	v36 =	vimm.s32 $0x0  }
0x16b: {  	[tilespmem:$0x1FF20] =	vst v9;
	v9 =	vsel vm0, $0xFFFFFFFF, v36;
	vm0 =	veq.f32 v38, v7;
	v38 =	vimm.s32 $0x0  }
0x16c: {  	v39 =	vimm.s32 $0x0;
	[tilespmem:$0x1FBF0] =	vst v9;
	v9 =	vsel vm0, $0xFFFFFFFF, v38;
	vm0 =	vgt.f32 v40, v7  }
0x16d: {  	v49 =	vimm.s32 $0x0;
	[tilespmem:$0x1FBA0] =	vst v9;
	v9 =	vsel vm0, $0xFFFFFFFF, v39;
	vm0 =	veq.f32 v32, v7  }
0x16e: {  	v32 =	vimm.s32 $0x0;
	[tilespmem:$0x1FD80] =	vst v9;
	v9 =	vsel vm0, $0xFFFFFFFF, v49;
	vm0 =	veq.f32 v21, v7  }
0x16f: {  	v36 =	vimm.s32 $0x0;
	[tilespmem:$0x1FC30] =	vst v9;
	v9 =	vsel vm0, $0xFFFFFFFF, v32;
	vm0 =	vgt.f32 v24, v7  }
0x170: {  	v38 =	vimm.s32 $0x0;
	[tilespmem:$0x1FC50] =	vst v9;
	v9 =	vsel vm0, $0xFFFFFFFF, v36;
	vm0 =	veq.f32 v20, v7  }
0x171: {  	v39 =	vimm.s32 $0x0;
	[tilespmem:$0x1FD20] =	vst v9;
	v9 =	vsel vm0, $0xFFFFFFFF, v38;
	vm0 =	veq.f32 v24, v7  }
0x172: {  	v40 =	vimm.s32 $0x0;
	[tilespmem:$0x1FC80] =	vst v9;
	v9 =	vsel vm0, $0xFFFFFFFF, v39;
	vm0 =	veq.f32 v25, v7  }
0x173: {  	v49 =	vimm.s32 $0x0;
	[tilespmem:$0x1FCC0] =	vst v9;
	v9 =	vsel vm0, $0xFFFFFFFF, v40;
	vm0 =	vgt.f32 v27, v7  }
0x174: {  	vm1 =	veq.f32 v27, v7;
	v32 =	vimm.s32 $0x0;
	[tilespmem:$0x1FCA0] =	vst v9;
	v9 =	vsel vm0, $0xFFFFFFFF, v49  }
0x175: {  	v36 =	vimm.s32 $0x0;
	[tilespmem:$0x1FD50] =	vst v9;
	v9 =	vsel vm1, $0xFFFFFFFF, v32;
	vm1 =	veq.f32 v14, v7  }
0x176: {  	v38 =	vimm.s32 $0x0;
	[tilespmem:$0x1FD10] =	vst v9;
	v9 =	vsel vm1, $0xFFFFFFFF, v36;
	vm1 =	vgt.f32 v15, v7  }
0x177: {  	v39 =	vimm.s32 $0x0;
	[tilespmem:$0x1FCF0] =	vst v9;
	v9 =	vsel vm1, $0xFFFFFFFF, v38;
	vm1 =	veq.f32 v13, v7  }
0x178: {  	v40 =	vimm.s32 $0x0;
	[tilespmem:$0x1FFE0] =	vst v9;
	v9 =	vsel vm1, $0xFFFFFFFF, v39;
	vm1 =	vgt.f32 v17, v7  }
0x179: {  	v0 =	vld [tilespmem:$0x1F9F0];
	v49 =	vimm.s32 $0x0;
	[tilespmem:$0x1FD40] =	vst v9;
	v9 =	vsel vm1, $0xFFFFFFFF, v40;
	vm1 =	veq.f32 v16, v7  }
0x17a: {  	[tilespmem:$0x1FFF0] =	vst v9;
	v9 =	vsel vm1, $0xFFFFFFFF, v49;
	v49 =	vld [tilespmem:$0x1FEF0];
	_ =	sdelay $0x2  }
0x17b: {  	v63 =	vbroadcast v10, $0xB;
	_ =	sdelay $0x1  }
0x17c: {  	vm9 =	vgt.f32 v20, v7;
	v20 =	vmax.f32 v30, v63;
	v63 =	vmin.f32 v49, v0;
	v0 =	vld [tilespmem:$0x1FA00];
	_ =	sdelay $0x2  }
0x17d: {  	v18 =	vbroadcast v11, $0xE;
	v51 =	vbroadcast v12, $0xC  }
0x17e: {  	vm10 =	vgt.f32 v21, v7  }
0x17f: {  	v21 =	vmin.f32 v49, v18;
	v18 =	vmin.f32 v28, v51;
	v51 =	vmin.f32 v28, v0;
	v0 =	vld [tilespmem:$0x1FA10];
	_ =	sdelay $0x2  }
0x180: {  	v50 =	vbroadcast v10, $0xC;
	_ =	sdelay $0x1  }
0x181: {  	v36 =	vmax.f32 v30, v50;
	v50 =	vmax.f32 v29, v0;
	v0 =	vld [tilespmem:$0x1FA20];
	_ =	sdelay $0x4  }
0x182: {  	v32 =	vmax.f32 v29, v46;
	v46 =	vmax.f32 v30, v0;
	v0 =	vld [tilespmem:$0x1FA30];
	_ =	sdelay $0x2  }
0x183: {  	v45 =	vbroadcast v12, $0xE  }
0x184: {  	vm8 =	vgt.f32 v23, v7  }
0x185: {  	vm4 =	veq.f32 v23, v7;
	v23 =	vmin.f32 v28, v45;
	v45 =	vmin.f32 v49, v0;
	v0 =	vld [tilespmem:$0x1FA40];
	_ =	sdelay $0x2  }
0x186: {  	v44 =	vbroadcast v12, $0xD;
	_ =	sdelay $0x1  }
0x187: {  	v38 =	vmin.f32 v28, v44;
	v44 =	vmax.f32 v29, v0;
	v0 =	vld [tilespmem:$0x1FA50];
	_ =	sdelay $0x2  }
0x188: {  	v19 =	vbroadcast v10, $0xD;
	_ =	sdelay $0x1  }
0x189: {  	vm12 =	vgt.f32 v25, v7;
	v25 =	vmax.f32 v30, v19;
	v19 =	vmax.f32 v30, v0;
	v0 =	vld [tilespmem:$0x1FA60]  }
0x18a: {  	v59 =	vbroadcast v10, $0x6  }
0x18b: {  	v57 =	vbroadcast v10, $0x4;
	v54 =	vbroadcast v10, $0x3  }
0x18c: {  	v33 =	vbroadcast v10, $0x1;
	[tilespmem:$0x1FAD0] =	vst v1;
	v1 =	vbroadcast v12, $0x8  }
0x18d: {  	v62 =	vbroadcast v10, $0x0;
	v37 =	vbroadcast v10, $0x2  }
0x18e: {  	[dreg:$0x1f] =	wrdreg s1;
	s1 =	spop (v2sf);
	(v2sf) =	vpush v10, $0x0;
	[tilespmem:$0x1FAC0] =	vst v1;
	v1 =	vbroadcast v10, $0x7;
	v10 =	vmin.f32 v28, v0;
	v0 =	vld [tilespmem:$0x1FA70]  }
0x18f: {  	_ =	sdelay $0x1  }
0x190: {  	v47 =	vbroadcast v11, $0xC;
	_ =	sdelay $0x1  }
0x191: {  	v40 =	vmin.f32 v49, v47;
	v47 =	vmax.f32 v29, v0;
	v0 =	vld [tilespmem:$0x1FA80];
	_ =	sdelay $0x4  }
0x192: {  	vm7 =	vgt.f32 v13, v7;
	v13 =	vmin.f32 v49, v0;
	v0 =	vld [tilespmem:$0x1FA90];
	_ =	sdelay $0x4  }
0x193: {  	vm0 =	vgt.f32 v14, v7;
	v14 =	vmin.f32 v28, v0;
	v0 =	vld [tilespmem:$0x1FAA0];
	_ =	sdelay $0x4  }
0x194: {  	[tilespmem:$0x1FB40] =	vst v26;
	v26 =	vbroadcast v11, $0x4;
	vm1 =	veq.f32 v17, v7;
	v17 =	vmax.f32 v30, v0;
	v0 =	vld [tilespmem:$0x1FAB0]  }
0x195: {  	v42 =	vbroadcast v12, $0x1  }
0x196: {  	v31 =	vbroadcast v11, $0x2;
	[tilespmem:$0x1FB50] =	vst v26;
	v26 =	vbroadcast v12, $0x4  }
0x197: {  	v43 =	vbroadcast v11, $0x1;
	[tilespmem:$0x1FB80] =	vst v42;
	v42 =	vbroadcast v11, $0x0  }
0x198: {  	[tilespmem:$0x1FB60] =	vst v26;
	v26 =	vbroadcast v11, $0x3;
	v22 =	vbroadcast v11, $0xD  }
0x199: {  	[tilespmem:$0x1FD60] =	vst v2;
	v2 =	vbroadcast v11, $0xF;
	[smem:$0x7EB] =	sst s10;
	s10 =	spop (v2sf);
	(v2sf) =	vpush v11, $0x0;
	v11 =	vmin.f32 v49, v0;
	v0 =	vld [tilespmem:$0x1FAC0]  }
0x19a: {  	_ =	sdelay $0x1  }
0x19b: {  	v60 =	vbroadcast v12, $0x5  }
0x19c: {  	v55 =	vbroadcast v12, $0x3;
	v48 =	vbroadcast v12, $0x2  }
0x19d: {  	v34 =	vbroadcast v12, $0x0;
	[dreg:$0x19] =	wrdreg s2;
	s2 =	spop (v2sf);
	(v2sf) =	vpush v12, $0x0;
	v12 =	vmin.f32 v28, v0;
	v0 =	vld [tilespmem:$0x1FAD0]  }
0x19e: {  	_ =	sdelay $0x3  }
0x19f: {  	vm15 =	vgt.f32 v16, v7;
	v16 =	vmax.f32 v29, v0;
	v0 =	vld [tilespmem:$0x1FAE0];
	_ =	sdelay $0x4  }
0x1a0: {  	[tilespmem:$0x1FD70] =	vst v9;
	v9 =	vmin.f32 v49, v0;
	v0 =	vld [tilespmem:$0x1FAF0];
	_ =	sdelay $0x4  }
0x1a1: {  	v4 =	vmin.f32 v28, v0;
	v0 =	vld [tilespmem:$0x1FB00];
	_ =	sdelay $0x4  }
0x1a2: {  	v24 =	vmax.f32 v29, v5;
	v5 =	vmin.f32 v49, v0;
	v0 =	vld [tilespmem:$0x1FB10];
	_ =	sdelay $0x4  }
0x1a3: {  	[tilespmem:$0x1FB70] =	vst v26;
	v26 =	vmin.f32 v49, v2;
	v2 =	vmin.f32 v28, v0;
	v0 =	vld [tilespmem:$0x1FB20];
	_ =	sdelay $0x4  }
0x1a4: {  	v8 =	vmax.f32 v30, v0;
	v0 =	vld [tilespmem:$0x1FB30];
	_ =	sdelay $0x4  }
0x1a5: {  	v3 =	vmin.f32 v49, v0;
	v0 =	vld [tilespmem:$0x1FB40];
	_ =	sdelay $0x1  }
0x1a6: {  	v39 =	vmax.f32 v29, v52;
	v52 =	vld [tilespmem:$0x1FB70];
	_ =	sdelay $0x2  }
0x1a7: {  	v61 =	vmax.f32 v29, v61;
	v6 =	vmax.f32 v29, v0;
	v0 =	vld [tilespmem:$0x1FB50]  }
0x1a8: {  	v58 =	vmax.f32 v29, v58;
	v56 =	vmax.f32 v29, v56;
	v27 =	vmin.f32 v49, v22  }
0x1a9: {  	v22 =	vmax.f32 v29, v41;
	v41 =	vmin.f32 v49, v52;
	v52 =	vmin.f32 v28, v55  }
0x1aa: {  	v55 =	vmin.f32 v49, v31;
	v31 =	vmin.f32 v28, v48;
	v48 =	vmax.f32 v29, v53  }
0x1ab: {  	v53 =	vmax.f32 v30, v33;
	v33 =	vmin.f32 v49, v43;
	v43 =	vmax.f32 v29, v35;
	v29 =	vld [tilespmem:$0x1FB80]  }
0x1ac: {  	vm13 =	veq.f32 v15, v7;
	v15 =	vmax.f32 v30, v1;
	v1 =	vmin.f32 v49, v0;
	v0 =	vld [tilespmem:$0x1FB60];
	_ =	sdelay $0x2  }
0x1ad: {  	v60 =	vmin.f32 v28, v60  }
0x1ae: {  	v34 =	vmin.f32 v28, v34;
	vm2 =	vmand vm2, vm3;
	v35 =	vmax.f32 v30, v62  }
0x1af: {  	v62 =	vmin.f32 v28, v29;
	v0 =	vmin.f32 v28, v0;
	v28 =	vimm.s32 $0x0  }
0x1b0: {  	v28 =	vsel vm2, $0xFFFFFFFF, v28  }
0x1b1: {  	[tilespmem:$0x1FDB0] =	vst v28;
	v28 =	vld [tilespmem:$0x1FB90];
	_ =	sdelay $0x4  }
0x1b2: {  	vm2 =	vnez.u8 v28;
	v28 =	vld [tilespmem:$0x1FBA0];
	_ =	sdelay $0x4  }
0x1b3: {  	vm3 =	vnez.u8 v28  }
0x1b4: {  	v28 =	vimm.s32 $0x0;
	vm2 =	vmand vm2, vm3  }
0x1b5: {  	v28 =	vsel vm2, $0xFFFFFFFF, v28  }
0x1b6: {  	[tilespmem:$0x1FDC0] =	vst v28;
	v28 =	vld [tilespmem:$0x1FBB0];
	_ =	sdelay $0x3  }
0x1b7: {  	v29 =	vld [tilespmem:$0x1FBD0]  }
0x1b8: {  	v28 =	vsub.f32 v26, v28;
	v26 =	vld [tilespmem:$0x1FBC0];
	_ =	sdelay $0x3  }
0x1b9: {  	v59 =	vmax.f32 v30, v59;
	v57 =	vmax.f32 v30, v57  }
0x1ba: {  	v54 =	vmax.f32 v30, v54;
	v37 =	vmax.f32 v30, v37;
	v30 =	vsub.f32 v29, v26;
	v26 =	vld [tilespmem:$0x1FBE0];
	_ =	sdelay $0x4  }
0x1bb: {  	vm2 =	vnez.u8 v26;
	v26 =	vld [tilespmem:$0x1FBF0];
	_ =	sdelay $0x4  }
0x1bc: {  	vm3 =	vnez.u8 v26  }
0x1bd: {  	v26 =	vimm.s32 $0x0;
	vm2 =	vmand vm2, vm3  }
0x1be: {  	v26 =	vsel vm2, $0xFFFFFFFF, v26  }
0x1bf: {  	[tilespmem:$0x1FDD0] =	vst v26;
	v26 =	vld [tilespmem:$0x1FC00];
	_ =	sdelay $0x4  }
0x1c0: {  	v29 =	vsub.f32 v21, v26;
	v21 =	vld [tilespmem:$0x1FC10];
	_ =	sdelay $0x4  }
0x1c1: {  	v42 =	vmin.f32 v49, v42;
	v49 =	vsub.f32 v23, v21;
	v21 =	vld [tilespmem:$0x1FC20];
	_ =	sdelay $0x4  }
0x1c2: {  	vm2 =	vnez.u8 v21;
	v21 =	vld [tilespmem:$0x1FC30];
	_ =	sdelay $0x2  }
0x1c3: {  	v23 =	vld [tilespmem:$0x1FC40];
	_ =	sdelay $0x1  }
0x1c4: {  	vm3 =	vnez.u8 v21  }
0x1c5: {  	v21 =	vimm.s32 $0x0;
	vm2 =	vmand vm2, vm3  }
0x1c6: {  	v21 =	vsel vm2, $0xFFFFFFFF, v21  }
0x1c7: {  	vm2 =	vnez.u8 v23;
	v23 =	vld [tilespmem:$0x1FC50];
	[tilespmem:$0x1FDE0] =	vst v21;
	v21 =	vsub.f32 v27, v24;
	_ =	sdelay $0x1  }
0x1c8: {  	[tilespmem:$0x1FEC0] =	vst v21;
	v21 =	vsub.f32 v38, v25;
	v38 =	vsub.f32 v40, v32;
	v32 =	vld [tilespmem:$0x1FC60];
	_ =	sdelay $0x2  }
0x1c9: {  	vm3 =	vnez.u8 v23  }
0x1ca: {  	v23 =	vimm.s32 $0x0;
	vm2 =	vmand vm2, vm3  }
0x1cb: {  	v23 =	vsel vm2, $0xFFFFFFFF, v23;
	vm2 =	vnez.u8 v32  }
0x1cc: {  	v40 =	vsub.f32 v18, v36;
	v36 =	vimm.s32 $0x0;
	v32 =	vld [tilespmem:$0x1FC70];
	vm2 =	vmand vm2, vm5  }
0x1cd: {  	v18 =	vsel vm2, $0xFFFFFFFF, v36;
	v36 =	vld [tilespmem:$0x1FC80];
	_ =	sdelay $0x4  }
0x1ce: {  	vm2 =	vnez.u8 v32;
	vm5 =	vnez.u8 v36  }
0x1cf: {  	v63 =	vsub.f32 v63, v39;
	v39 =	vimm.s32 $0x0;
	vm2 =	vmand vm2, vm5  }
0x1d0: {  	[tilespmem:$0x1FE00] =	vst v18;
	v32 =	vld [tilespmem:$0x1FCA0];
	v18 =	vsel vm2, $0xFFFFFFFF, v39  }
0x1d1: {  	[tilespmem:$0x1FE10] =	vst v18;
	v18 =	vld [tilespmem:$0x1FC90]  }
0x1d2: {  	[tilespmem:$0x1FDF0] =	vst v23;
	v23 =	vsub.f32 v13, v44;
	v44 =	vld [tilespmem:$0x1FCC0]  }
0x1d3: {  	v39 =	vld [tilespmem:$0x1FCB0];
	_ =	sdelay $0x2  }
0x1d4: {  	vm3 =	vnez.u8 v32;
	vm2 =	vnez.u8 v18  }
0x1d5: {  	v24 =	vsub.f32 v10, v46;
	v36 =	vimm.s32 $0x0;
	vm2 =	vmand vm2, vm3  }
0x1d6: {  	v46 =	vld [tilespmem:$0x1FCD0];
	vm3 =	vnez.u8 v44;
	v10 =	vsel vm2, $0xFFFFFFFF, v36;
	vm2 =	vnez.u8 v39  }
0x1d7: {  	v50 =	vsub.f32 v45, v50;
	v45 =	vimm.s32 $0x0;
	vm2 =	vmand vm2, vm3  }
0x1d8: {  	[tilespmem:$0x1FE20] =	vst v10;
	v10 =	vsel vm2, $0xFFFFFFFF, v45;
	v45 =	vsub.f32 v4, v15;
	v4 =	vld [tilespmem:$0x1FCE0];
	_ =	sdelay $0x2  }
0x1d9: {  	vm2 =	vnez.u8 v46  }
0x1da: {  	v27 =	vsub.f32 v11, v47;
	v47 =	vimm.s32 $0x0;
	vm2 =	vmand vm2, vm4  }
0x1db: {  	[tilespmem:$0x1FE30] =	vst v10;
	v10 =	vsel vm2, $0xFFFFFFFF, v47;
	vm2 =	vnez.u8 v4;
	v4 =	vld [tilespmem:$0x1FCF0];
	_ =	sdelay $0x1  }
0x1dc: {  	v13 =	vsub.f32 v2, v59;
	v2 =	vld [tilespmem:$0x1FD00];
	_ =	sdelay $0x2  }
0x1dd: {  	vm3 =	vnez.u8 v4  }
0x1de: {  	v4 =	vimm.s32 $0x0;
	vm2 =	vmand vm2, vm3  }
0x1df: {  	v4 =	vsel vm2, $0xFFFFFFFF, v4;
	vm2 =	vnez.u8 v2;
	v2 =	vld [tilespmem:$0x1FD10];
	_ =	sdelay $0x4  }
0x1e0: {  	vm3 =	vnez.u8 v2;
	v2 =	vld [tilespmem:$0x1FD20];
	_ =	sdelay $0x4  }
0x1e1: {  	vm2 =	vmand vm2, vm3;
	vm3 =	vnez.u8 v2;
	v2 =	vimm.s32 $0x0  }
0x1e2: {  	v2 =	vsel vm2, $0xFFFFFFFF, v2  }
0x1e3: {  	[tilespmem:$0x1FE60] =	vst v2;
	v2 =	vsub.f32 v3, v58;
	v3 =	vld [tilespmem:$0x1FD30];
	_ =	sdelay $0x4  }
0x1e4: {  	vm2 =	vnez.u8 v3;
	v3 =	vld [tilespmem:$0x1FD40];
	_ =	sdelay $0x4  }
0x1e5: {  	vm4 =	vnez.u8 v3;
	v3 =	vld [tilespmem:$0x1FD50]  }
0x1e6: {  	v59 =	vsub.f32 v0, v57;
	v0 =	vld [tilespmem:$0x1FD60];
	_ =	sdelay $0x1  }
0x1e7: {  	[dreg:$0x1d] =	wrdreg s18;
	s18 =	spop (v2sf)  }
0x1e8: {  	[dreg:$0x1b] =	wrdreg s12;
	s12 =	spop (v2sf)  }
0x1e9: {  	[dreg:$0x1e] =	wrdreg s26;
	s26 =	spop (v2sf);
	vm2 =	vmand vm2, vm4;
	vm4 =	vnez.u8 v3;
	v3 =	vimm.s32 $0x0  }
0x1ea: {  	[smem:$0x7EC] =	sst s17;
	s17 =	spop (v2sf);
	v3 =	vsel vm2, $0xFFFFFFFF, v3;
	vm2 =	vnez.u8 v0;
	v0 =	vld [tilespmem:$0x1FD70]  }
0x1eb: {  	s30 =	spop (v2sf)  }
0x1ec: {  	[smem:$0x7F0] =	sst s12;
	s12 =	spop (v2sf)  }
0x1ed: {  	[smem:$0x7F1] =	sst s17;
	s17 =	spop (v2sf)  }
0x1ee: {  	s28 =	spop (v2sf)  }
0x1ef: {  	[smem:$0x7EE] =	sst s1;
	s1 =	spop (v2sf);
	vm5 =	vnez.u8 v0;
	v0 =	vld [tilespmem:$0x1FD80]  }
0x1f0: {  	[smem:$0x7EF] =	sst s2;
	s31 =	spop (v2sf)  }
0x1f1: {  	p1 =	sne.s32 s29, $0x13FF;
	[smem:$0x7F2] =	sst s1;
	s2 =	spop (v2sf);
	v51 =	vsub.f32 v51, v20  }
.Ltmp0:
0x1f2: {  	s1 =	spop (v2sf);
	v26 =	vsub.f32 v12, v17;
	v25 =	vsub.f32 v14, v19;
	(pc) =	sbr.rel @p1 .LBB2_3-.Ltmp0, $4  }
0x1f3: {  	[smem:$0x7F3] =	sst s2;
	s2 =	spop (v2sf);
	v44 =	vsub.f32 v5, v61;
	v39 =	vsub.f32 v60, v8;
	[tilespmem:$0x1FE40] =	vst v10  }
0x1f4: {  	s0 =	spop (v2sf);
	[tilespmem:$0x1FE50] =	vst v4;
	vm2 =	vmand vm2, vm5;
	vm5 =	vnez.u8 v0;
	v0 =	vimm.s32 $0x0  }
0x1f5: {  	[smem:$0x7F4] =	sst s1;
	s1 =	spop (v2sf);
	v46 =	vsub.f32 v9, v16;
	v15 =	vsub.f32 v41, v56;
	[tilespmem:$0x1FE70] =	vst v3;
	v0 =	vsel vm2, $0xFFFFFFFF, v0  }
0x1f6: {  	s29 =	sadd.s32 $0x10, s29;
	[smem:$0x7F5] =	sst s2;
	s2 =	spop (v2sf);
	v41 =	vsub.f32 v52, v54;
	v52 =	vld [tilespmem:$0x1FD90];
	v58 =	vsub.f32 v1, v6;
	[tilespmem:$0x1FE90] =	vst v0  }
0x1f7: {  	s4 =	ssub.f32 s11, s4  }
0x1f8: {  	s5 =	ssub.f32 s13, s9  }
0x1f9: {  	s6 =	ssub.f32 s19, s14  }
0x1fa: {  	s7 =	ssub.f32 s20, s15  }
0x1fb: {  	s3 =	rddreg [dreg:$0xa]  }
0x1fc: {  	s14 =	rddreg [dreg:$0x9]  }
0x1fd: {  	s15 =	rddreg [dreg:$0xb]  }
0x1fe: {  	s19 =	rddreg [dreg:$0xc]  }
0x1ff: {  	s20 =	rddreg [dreg:$0xe]  }
0x200: {  	s29 =	rddreg [dreg:$0x11]  }
0x201: {  	s13 =	rddreg [dreg:$0x12]  }
0x202: {  	s22 =	ssub.f32 s10, s22  }
0x203: {  	s10 =	ssub.f32 s26, s18  }
0x204: {  	s17 =	ssub.f32 s17, s30  }
0x205: {  	s26 =	sld [smem:$0x7F2]  }
0x206: {  	s30 =	sld [smem:$0x7F5]  }
0x207: {  	s0 =	ssub.f32 s2, s0  }
0x208: {  	s11 =	sld [smem:$0x7EF]  }
0x209: {  	s8 =	ssub.f32 s3, s25  }
0x20a: {  	s9 =	ssub.f32 s15, s14  }
0x20b: {  	s3 =	ssub.f32 s20, s19  }
0x20c: {  	s25 =	rddreg [dreg:$0xf]  }
0x20d: {  	s14 =	rddreg [dreg:$0x13]  }
0x20e: {  	s15 =	rddreg [dreg:$0x15]  }
0x20f: {  	s19 =	rddreg [dreg:$0x16]  }
0x210: {  	s20 =	rddreg [dreg:$0x18]  }
0x211: {  	s25 =	ssub.f32 s29, s25  }
0x212: {  	s13 =	ssub.f32 s14, s13  }
0x213: {  	s14 =	ssub.f32 s19, s15  }
0x214: {  	s29 =	rddreg [dreg:$0x1a]  }
0x215: {  	s19 =	rddreg [dreg:$0x1c]  }
0x216: {  	s15 =	ssub.f32 s29, s20  }
0x217: {  	s16 =	ssub.f32 s16, s19  }
0x218: {  	s29 =	sld [smem:$0x7EB]  }
0x219: {  	s2 =	smul.f32 s7, s6;
	s20 =	rddreg [dreg:$0x1f]  }
0x21a: {  	s6 =	smul.f32 s9, s8;
	s9 =	sld [smem:$0x7EE]  }
0x21b: {  	s19 =	ssub.f32 s29, s20  }
0x21c: {  	s20 =	sld [smem:$0x7EC]  }
0x21d: {  	s29 =	sld [smem:$0x7ED]  }
0x21e: {  	s1 =	ssub.f32 s1, s30  }
0x21f: {  	s8 =	ssub.f32 s11, s9  }
0x220: {  	s20 =	ssub.f32 s29, s20  }
0x221: {  	s29 =	sld [smem:$0x7F3]  }
0x222: {  	s30 =	sld [smem:$0x7F0]  }
0x223: {  	s8 =	smul.f32 s8, s22;
	s22 =	rddreg [dreg:$0x1b]  }
0x224: {  	s18 =	ssub.f32 s29, s26  }
0x225: {  	s26 =	sld [smem:$0x7F4]  }
0x226: {  	s29 =	ssub.f32 s28, s12  }
0x227: {  	s12 =	rddreg [dreg:$0x1d]  }
0x228: {  	s0 =	smul.f32 s0, s1;
	s28 =	rddreg [dreg:$0x17]  }
0x229: {  	v61 =	vmov v29;
	v29 =	vsub.f32 v55, v22;
	s1 =	smul.f32 s29, s17;
	s17 =	rddreg [dreg:$0x1e]  }
0x22a: {  	v0 =	vld [tilespmem:$0x1FDA0];
	v17 =	vimm.s32 $0x0;
	v31 =	vsub.f32 v31, v37;
	v55 =	vsub.f32 v62, v53;
	s29 =	rddreg [dreg:$0xd]  }
0x22b: {  	v1 =	vld [tilespmem:$0x1FE80];
	v34 =	vsub.f32 v34, v35;
	v21 =	vmax.f32 v21, $0.0e+00;
	v15 =	vmax.f32 v15, $0.0e+00;
	s4 =	smul.f32 s5, s4;
	s5 =	ssub.f32 s26, s31  }
0x22c: {  	v14 =	vld [tilespmem:$0x1FEB0];
	v24 =	vmax.f32 v24, $0.0e+00;
	v27 =	vmax.f32 v27, $0.0e+00;
	v23 =	vmax.f32 v23, $0.0e+00;
	s31 =	sld [smem:$0x7F1]  }
0x22d: {  	v16 =	vld [tilespmem:$0x1FDC0];
	v25 =	vmax.f32 v25, $0.0e+00;
	v26 =	vmax.f32 v26, $0.0e+00;
	v2 =	vmax.f32 v2, $0.0e+00;
	s9 =	ssub.f32 s17, s12  }
0x22e: {  	v18 =	vld [tilespmem:$0x1FDF0];
	v13 =	vmax.f32 v13, $0.0e+00;
	v53 =	vmax.f32 v59, $0.0e+00;
	v22 =	vmax.f32 v41, $0.0e+00;
	s26 =	rddreg [dreg:$0x14]  }
0x22f: {  	v19 =	vld [tilespmem:$0x1FDE0];
	v41 =	vmax.f32 v38, $0.0e+00;
	v29 =	vmax.f32 v29, $0.0e+00;
	v31 =	vmax.f32 v31, $0.0e+00;
	s12 =	rddreg [dreg:$0x7]  }
0x230: {  	v20 =	vld [tilespmem:$0x1FDD0];
	v15 =	vmul.f32 v22, v15;
	v37 =	vmax.f32 v34, $0.0e+00;
	vm2 =	vnez.u8 v1;
	s5 =	smul.f32 s5, s18;
	s18 =	rddreg [dreg:$0x19]  }
0x231: {  	v3 =	vadd.f32 s4, v0;
	vm13 =	vmand vm2, vm13;
	vm2 =	vnez.u8 v14;
	s4 =	smul.f32 s9, s20;
	s9 =	ssub.f32 s28, s26  }
0x232: {  	v32 =	vld [tilespmem:$0x1FE20];
	v29 =	vmul.f32 v31, v29;
	vm1 =	vmand vm2, vm1;
	vm2 =	vnez.u8 v16;
	s28 =	ssub.f32 s23, s21  }
0x233: {  	v36 =	vld [tilespmem:$0x1FE10];
	v4 =	vadd.f32 s2, v0;
	vm2 =	vmor vm11, vm2;
	vm11 =	vnez.u8 v18;
	s7 =	ssub.f32 s31, s30  }
0x234: {  	v5 =	vadd.f32 s6, v0;
	vm11 =	vmor vm10, vm11;
	vm10 =	vnez.u8 v19;
	s30 =	rddreg [dreg:$0x10]  }
0x235: {  	v47 =	vld [tilespmem:$0x1FE00];
	v6 =	vadd.f32 s0, v0;
	vm10 =	vmor vm14, vm10;
	vm14 =	vnez.u8 v20;
	s11 =	ssub.f32 s30, s29  }
0x236: {  	v54 =	vld [tilespmem:$0x1FE50];
	v1 =	vsel vm2, $0xFFFFFFFF, v17;
	v10 =	vadd.f32 s8, v0;
	vm6 =	vmor vm6, vm14;
	s31 =	smul.f32 s9, s16;
	s16 =	rddreg [dreg:$0x8]  }
0x237: {  	vm14 =	vnez.u8 v32;
	v32 =	vsub.f32 v33, v48;
	v33 =	vmax.f32 v55, $0.0e+00;
	s7 =	smul.f32 s7, s10;
	s10 =	ssub.f32 s22, s18  }
0x238: {  	v48 =	vmax.f32 v46, $0.0e+00;
	vm12 =	vmor vm12, vm14;
	vm14 =	vnez.u8 v36;
	s6 =	ssub.f32 s16, s12  }
0x239: {  	v36 =	vsub.f32 v42, v43;
	v42 =	vmax.f32 v40, $0.0e+00;
	v43 =	vmax.f32 v50, $0.0e+00;
	s18 =	rddreg [dreg:$0x5]  }
0x23a: {  	v56 =	vld [tilespmem:$0x1FE40];
	v50 =	vmax.f32 v44, $0.0e+00;
	vm9 =	vmor vm9, vm14;
	vm14 =	vnez.u8 v47;
	s30 =	smul.f32 s28, s3;
	s22 =	rddreg [dreg:$0x4]  }
0x23b: {  	v32 =	vmax.f32 v32, $0.0e+00;
	vm5 =	vmor vm5, vm14;
	vm14 =	vnez.u8 v54;
	s10 =	smul.f32 s10, s19;
	s19 =	rddreg [dreg:$0x6]  }
0x23c: {  	v31 =	vmul.f32 v33, v32;
	v36 =	vmax.f32 v36, $0.0e+00;
	v8 =	vadd.f32 s1, v0;
	s20 =	smul.f32 s6, s14;
	s6 =	ssub.f32 s22, s24  }
0x23d: {  	v57 =	vld [tilespmem:$0x1FE30];
	v32 =	vmul.f32 v42, v41;
	v7 =	vadd.f32 s5, v0;
	v11 =	vadd.f32 s4, v0;
	s17 =	smul.f32 s11, s15;
	s5 =	ssub.f32 s19, s18  }
0x23e: {  	v60 =	vld [tilespmem:$0x1FE90];
	vm0 =	vmor vm0, vm14;
	v14 =	vadd.f32 s31, v0;
	v20 =	vadd.f32 s30, v0;
	s29 =	smul.f32 s6, s25  }
0x23f: {  	vm14 =	vnez.u8 v56;
	v9 =	vadd.f32 s7, v0;
	v16 =	vadd.f32 s17, v0;
	s26 =	smul.f32 s5, s13  }
0x240: {  	v47 =	vld [tilespmem:$0x1FE70];
	v56 =	vmax.f32 v49, $0.0e+00;
	v12 =	vadd.f32 s10, v0;
	v17 =	vadd.f32 s20, v0  }
0x241: {  	v19 =	vadd.f32 s29, v0;
	v18 =	vadd.f32 s26, v0;
	v0 =	vmax.f32 v61, $0.0e+00;
	v61 =	vld [tilespmem:$0x1FEC0]  }
0x242: {  	vm8 =	vmor vm8, vm14;
	vm14 =	vnez.u8 v57;
	v57 =	vmax.f32 v28, $0.0e+00  }
0x243: {  	vm3 =	vmor vm3, vm14;
	vm14 =	vnez.u8 v60;
	v60 =	vmax.f32 v30, $0.0e+00  }
0x244: {  	[tilespmem:$0x1F9B0] =	vst v1;
	v54 =	vld [tilespmem:$0x1FE60];
	v49 =	vmax.f32 v45, $0.0e+00;
	vm14 =	vmor vm15, vm14;
	v1 =	vmul.f32 v60, v57  }
0x245: {  	vm15 =	vnez.u8 v47;
	v47 =	vmax.f32 v51, $0.0e+00;
	v51 =	vmax.f32 v58, $0.0e+00  }
0x246: {  	v3 =	vsub.f32 v3, v1;
	v0 =	vmul.f32 v56, v0;
	v62 =	vmax.f32 v61, $0.0e+00  }
0x247: {  	v8 =	vsub.f32 v8, v29;
	v57 =	vmul.f32 v13, v50;
	v21 =	vmul.f32 v21, v62  }
0x248: {  	v35 =	vld [tilespmem:$0x1FFE0];
	(erf) = vrcp.f32 v3;
	v3 =	vmul.f32 v37, v36;
	v4 =	vsub.f32 v4, v0  }
0x249: {  	vm7 =	vmor vm7, vm15;
	vm15 =	vnez.u8 v54;
	v5 =	vsub.f32 v5, v21  }
0x24a: {  	v40 =	vld [tilespmem:$0x1FFF0];
	v54 =	vmax.f32 v39, $0.0e+00;
	v6 =	vsub.f32 v6, v3;
	(erf) = vrcp.f32 v4  }
0x24b: {  	v55 =	vmul.f32 v53, v51;
	v7 =	vsub.f32 v7, v31;
	(erf) = vrcp.f32 v5  }
0x24c: {  	vm2 =	vmor vm4, vm15;
	v2 =	vmul.f32 v54, v2;
	(erf) = vrcp.f32 v6  }
0x24d: {  	vm15 =	vnez.u8 v35;
	v56 =	vsub.f32 v9, v15;
	(erf) = vrcp.f32 v7  }
0x24e: {  	v58 =	vsub.f32 v10, v55;
	vm4 =	vmor vm15, vm13;
	(erf) = vrcp.f32 v8  }
0x24f: {  	vm13 =	vnez.u8 v40;
	v60 =	vsub.f32 v11, v2;
	(erf) = vrcp.f32 v56  }
0x250: {  	v59 =	vmul.f32 v49, v48;
	vm1 =	vmor vm13, vm1;
	(erf) = vrcp.f32 v58  }
0x251: {  	v61 =	vmul.f32 v26, v27;
	v62 =	vsub.f32 v12, v57;
	(erf) = vrcp.f32 v60  }
0x252: {  	v4 =	vmax.f32 v63, $0.0e+00;
	v63 =	vmul.f32 v25, v23;
	v23 =	vsub.f32 v14, v59;
	v27 =	vpop (erf)  }
0x253: {  	v25 =	vmul.f32 v24, v43;
	v26 =	vsub.f32 v16, v61;
	v30 =	vpop (erf);
	(erf) = vrcp.f32 v62  }
0x254: {  	v4 =	vmul.f32 v47, v4;
	v28 =	vsub.f32 v17, v63;
	(erf) = vrcp.f32 v23;
	v34 =	vpop (erf)  }
0x255: {  	v1 =	vmul.f32 v27, v1;
	v33 =	vsub.f32 v18, v25;
	(erf) = vrcp.f32 v26;
	v37 =	vpop (erf)  }
0x256: {  	v36 =	vsub.f32 v19, v4;
	(erf) = vrcp.f32 v28;
	v3 =	vmul.f32 v37, v3;
	v39 =	vpop (erf)  }
0x257: {  	v38 =	vsub.f32 v20, v32;
	(erf) = vrcp.f32 v33;
	v41 =	vmul.f32 v39, v31;
	v42 =	vpop (erf)  }
0x258: {  	v0 =	vmul.f32 v30, v0;
	(erf) = vrcp.f32 v36;
	v3 =	vnsel vm1, $0x0, v3;
	v44 =	vpop (erf)  }
0x259: {  	v43 =	vmul.f32 v42, v29;
	(erf) = vrcp.f32 v38;
	v45 =	vnsel vm4, $0x0, v41;
	v46 =	vpop (erf)  }
0x25a: {  	v3 =	vmax.f32 v52, v3;
	v15 =	vmul.f32 v44, v15;
	v5 =	vmul.f32 v46, v55;
	v47 =	vpop (erf)  }
0x25b: {  	v18 =	vnsel vm14, $0x0, v43;
	v3 =	vmax.f32 v3, v45;
	v2 =	vmul.f32 v47, v2  }
0x25c: {  	v15 =	vnsel vm7, $0x0, v15;
	v3 =	vmax.f32 v3, v18;
	v48 =	vpop (erf);
	v5 =	vnsel vm2, $0x0, v5  }
0x25d: {  	v3 =	vmax.f32 v3, v15;
	v7 =	vmul.f32 v48, v57;
	v49 =	vpop (erf);
	v2 =	vnsel vm0, $0x0, v2  }
0x25e: {  	v3 =	vmax.f32 v3, v5;
	v50 =	vmul.f32 v49, v59;
	v51 =	vpop (erf);
	v59 =	vmul.f32 v34, v21  }
0x25f: {  	v62 =	vld [tilespmem:$0x1FDB0];
	v7 =	vnsel vm8, $0x0, v7;
	v2 =	vmax.f32 v3, v2;
	v52 =	vmul.f32 v51, v61;
	v53 =	vpop (erf)  }
0x260: {  	v61 =	vld [tilespmem:$0x1F9B0];
	v5 =	vnsel vm3, $0x0, v50;
	v2 =	vmax.f32 v2, v7;
	v6 =	vmul.f32 v53, v63;
	v54 =	vpop (erf)  }
0x261: {  	v63 =	vld [tilespmem:$0x1FF20];
	v3 =	vnsel vm12, $0x0, v52;
	v2 =	vmax.f32 v2, v5;
	v55 =	vmul.f32 v54, v25;
	v56 =	vpop (erf)  }
0x262: {  	v6 =	vnsel vm9, $0x0, v6;
	v2 =	vmax.f32 v2, v3;
	v57 =	vmul.f32 v56, v4;
	v58 =	vpop (erf)  }
0x263: {  	v5 =	vnsel vm5, $0x0, v55;
	v2 =	vmax.f32 v2, v6;
	v4 =	vmul.f32 v58, v32  }
0x264: {  	vm14 =	vnez.u8 v62;
	v3 =	vnsel vm11, $0x0, v57;
	v2 =	vmax.f32 v2, v5  }
0x265: {  	v60 =	vnsel vm6, $0x0, v59;
	v4 =	vnsel vm10, $0x0, v4;
	v2 =	vmax.f32 v2, v3  }
.Ltmp1:
0x266: {  	vm13 =	vnez.u8 v61;
	vm15 =	vnez.u8 v63;
	v2 =	vmax.f32 v2, v4;
	(pc) =	sbr.rel @p0 .LBB2_2-.Ltmp1, $4  }
0x267: {  	s31 =	sld [smem:$0x7EA];
	v0 =	vnsel vm13, $0x0, v0;
	vm0 =	vmor vm15, vm14;
	v2 =	vmax.f32 v2, v60  }
0x268: {  	v1 =	vnsel vm0, $0x0, v1;
	v0 =	vmax.f32 v2, v0  }
0x269: {  	v0 =	vmax.f32 v0, v1  }
0x26a: {  	p1 =	por $0x0, $0x0;
	s1 =	simm.s32 $0x10;
	[tilespmem:s31+$0x6400] =	vst v0  }
0x26b: {  	s0 =	sld [smem:$0x7FB];
	_ =	sdelay $0x1  }
0x26c: {  	s5 =	simm.s32 $0x0;
	s1 =	simm.s32 $0x6400  }
0x26d: {  	[hbm4b:s0+s5] =	stream.linear.scatter [tilespmem:s1], [sflag:$0x1], $0x20, $0x38;
	[tilespmem:$0x6480] =	vst v63  }
0x26e: {  	s1 =	simm.s32 $0x1  }
0x26f: {  	_ =	swait.ge [sflag:s1], $0x20  }
0x270: {  	s2 =	sld [smem:$0x7F6]  }
0x271: {  	s31 =	sld [smem:$0x7FC];
	_ =	sdelay $0x1  }
0x272: {  	s2 =	sadd.s32 $0x1, s2  }
0x273: {  	p0 =	sne.s32 s2, s31  }
.Ltmp2:
0x274: {  	_ = 	snop;
	(pc) =	sbr.rel @p0 .LBB2_1-.Ltmp2, $3  }
0x275: {  	_ =	sdelay $0x1  }
0x276: {  	[sflag:s1] =	ssyncset.done $0x0  }
0x277: {  	[sflag:s1] =	ssyncadd.s32 $0xFFFFFFE0  }
0x278: {  	_ =	sfence.sel $0x180000  }
0x279: {  	[bflag:$0x0] =	sbarrier.arrive $0xFFFF  }
0x27a: {  	_ =	strace $0x90000047  }
0x27b: {  	s0 =	stileid.u32;
	[bflag:$0x2] =	sbarrier.arrive $0xFFFF  }
0x27c: {  	p0 =	sne.s32 s0, $0x0;
	s0 =	rddreg [dreg:$0x2]  }
0x27d: {  	s0 =	sadd.s32 @!p0 $0x100000, s0  }
0x27e: {  	[sflag:s0] =	ssyncadd.tile.s32 @!p0 $0x1;
	_ =	shalt  }
.Lfunc_end2:
_tile_overlayer_lowered:
.L_overlay_start_2:
0x27f: {  	(tag) =	ssettag $0x2  }
0x280: {  	s0 =	rddreg [dreg:$0x0];
	s2 =	stileid.u32  }
0x281: {  	s1 =	rddreg [dreg:$0x1];
	p0 =	sne.s32 s2, $0x0  }
0x282: {  	s3 =	rddreg [dreg:$0x2];
	[bflag:$0x3] =	sbarrier.arrive $0xFFFF;
	s2 =	simm.s32 @!p0 $0x1C01  }
0x283: {  	[timem:s3], [sflag:s2] =	dma.local @!p0 [hbm:s0], s1  }
0x284: {  	s0 =	simm.s32 @!p0 $0x1  }
0x285: {  	_ =	swait.ge @!p0 [sflag:s0], s1  }
0x286: {  	s1 =	ssub.s32 @!p0 $0x0, s1;
	[sflag:s0] =	ssyncset.done @!p0 $0x0  }
0x287: {  	[sflag:s0] =	ssyncadd.s32 @!p0 s1  }
0x288: {  	[bflag:$0x3] =	sbarrier.arrive $0xFFFF  }
0x289: {  	_ =	shalt  }

</sc_bundles>
